<compile_context>
chip_gen: v7x
topology: tpu7x:2x2x1
jax: 0.10.2.dev20260603
libtpu: 0.0.44.dev20260713+nightly
codegen_flags: <defaults>
</compile_context>

<pallas_src>
import jax
import jax.numpy as jnp
from jax import lax
from jax.experimental import pallas as pl
from jax.experimental.pallas import tpu as pltpu
from jax.experimental.pallas import tpu_sc as plsc

VOCAB = 30528
MAX_POS = 512
TYPE_VOCAB = 2
HIDDEN = 768
B, S = 128, 512
L = 16
NW = 32
POS_PER_W = S // NW
SEGS = HIDDEN // L
EPS = 1e-12


_DN = lax.GatherDimensionNumbers(offset_dims=(), collapsed_slice_dims=(0,),
                                 start_index_map=(0,))


def _dg(v, idx):
    return lax.gather(v, idx[:, None], _DN, (1,),
                      mode=lax.GatherScatterMode.PROMISE_IN_BOUNDS)


def _rsqrt16(x):
    i = plsc.bitcast(x, jnp.int32)
    i = jnp.full((L,), 0x5F3759DF, dtype=jnp.int32) - lax.shift_right_logical(
        i, jnp.full((L,), 1, dtype=jnp.int32))
    y = plsc.bitcast(i, jnp.float32)
    half = x * 0.5
    for _ in range(3):
        y = y * (1.5 - half * y * y)
    return y


def _body(idsT, ttT, word, pos, typ, gamma, beta, out,
          idsbuf, ttbuf, ptbuf, wrows0, wrows1, obuf0, obuf1, posbuf,
          typebuf, gbuf, bbuf, accmat, sqmat,
          sem_in0, sem_in1, sem_out0, sem_out1):
    cid = lax.axis_index("c")
    sid = lax.axis_index("s")
    wid = cid * 16 + sid
    base_pos = wid * POS_PER_W

    pltpu.sync_copy(idsT.at[wid], idsbuf)
    pltpu.sync_copy(ttT.at[wid], ttbuf)
    pltpu.sync_copy(pos.at[pl.ds(base_pos, POS_PER_W)], posbuf)
    pltpu.sync_copy(typ, typebuf)
    pltpu.sync_copy(gamma, gbuf)
    pltpu.sync_copy(beta, bbuf)

    for j in range(POS_PER_W):
        def _pt(s, _, j=j):
            sl = pl.ds(s * L, L)
            p = posbuf[j, sl]
            ptbuf[2 * j, sl] = p + typebuf[0, sl]
            ptbuf[2 * j + 1, sl] = p + typebuf[1, sl]
            return 0
        lax.fori_loop(0, SEGS, _pt, 0)

    inv_h = jnp.float32(1.0 / HIDDEN)

    def _gather_start(b, wr, s_in):
        ids_vec = idsbuf[pl.ds(b * L, L)]
        pltpu.async_copy(word.at[ids_vec], wr, s_in)

    def _gather_wait(wr, s_in):
        dummy = jnp.zeros((L,), jnp.int32)
        pltpu.make_async_copy(word.at[dummy], wr, s_in).wait()

    def _out_wait(ob, s_out):
        pltpu.make_async_copy(ob, out.at[pl.ds(base_pos, L)], s_out).wait()

    lane = lax.iota(jnp.int32, L)
    zero16 = jnp.zeros((L,), jnp.float32)

    def _compute(b, wr, ob):
        def _tok(j, _):
            tts = plsc.load_gather(ttbuf, [jnp.full((L,), b * L + j, jnp.int32)])
            tt_j = lax.squeeze(lax.slice(tts, (0,), (1,)), (0,))
            row = 2 * j + tt_j

            @plsc.parallel_loop(0, SEGS, 1, unroll=8, carry=(zero16, zero16))
            def _p1(s, carry):
                acc, sq = carry
                sl = pl.ds(s * L, L)
                y = wr[j, sl] + ptbuf[row, sl]
                ob[j, sl] = y
                return acc + y, sq + y * y
            acc, sq = _p1
            accmat[j, pl.ds(0, L)] = acc
            sqmat[j, pl.ds(0, L)] = sq
            return 0
        lax.fori_loop(0, L, _tok, 0)

        def _treesum(mat):
            cur = [mat[j, pl.ds(0, L)] for j in range(L)]
            stride = 1
            while len(cur) > 1:
                xor_idx = lane ^ stride
                msk = (lane & stride) == 0
                nxt = []
                for i in range(0, len(cur), 2):
                    a, b2 = cur[i], cur[i + 1]
                    pa = a + _dg(a, xor_idx)
                    pb = b2 + _dg(b2, xor_idx)
                    nxt.append(jnp.where(msk, pa, pb))
                cur = nxt
                stride *= 2
            return cur[0]

        mu = _treesum(accmat) * inv_h
        var = _treesum(sqmat) * inv_h - mu * mu
        var = jnp.maximum(var, 0.0) + EPS
        rstd = _rsqrt16(var)
        nmr = -mu * rstd

        for g2 in range(0):
            splats = []
            for jj in range(L // 2):
                j = g2 * (L // 2) + jj
                jv = jnp.full((L,), j, jnp.int32)
                splats.append((j, _dg(rstd, jv), _dg(nmr, jv)))

            @plsc.parallel_loop(0, SEGS, 1, unroll=2)
            def _p2(s):
                sl = pl.ds(s * L, L)
                gv = gbuf[sl]
                bv = bbuf[sl]
                for j, rj, nj in splats:
                    y = ob[j, sl] * rj + nj
                    ob[j, sl] = y * gv + bv

    wrs = (wrows0, wrows1)
    obs = (obuf0, obuf1)
    sin = (sem_in0, sem_in1)
    sout = (sem_out0, sem_out1)

    _gather_start(0, wrs[0], sin[0])

    def _pair(b, _):
        for ph in range(2):
            bb = b + ph

            @pl.when(bb + 1 < B)
            def _():
                _gather_start(bb + 1, wrs[1 - ph], sin[1 - ph])

            _gather_wait(wrs[ph], sin[ph])

            @pl.when(bb >= 2)
            def _():
                _out_wait(obs[ph], sout[ph])

            _compute(bb, wrs[ph], obs[ph])
            pltpu.async_copy(obs[ph], out.at[pl.ds(bb * S + base_pos, L)],
                             sout[ph])
        return 0

    lax.fori_loop(0, B // 2, lambda i, c: _pair(i * 2, c), 0)
    _out_wait(obs[0], sout[0])
    _out_wait(obs[1], sout[1])


@jax.jit
def kernel(input_ids, token_type_ids, word_emb, pos_emb, type_emb, gamma, beta):
    ids = input_ids.astype(jnp.int32)
    tt = token_type_ids.astype(jnp.int32)
    idsT = ids.reshape(B, NW, POS_PER_W).transpose(1, 0, 2).reshape(NW, B * POS_PER_W)
    ttT = tt.reshape(B, NW, POS_PER_W).transpose(1, 0, 2).reshape(NW, B * POS_PER_W)

    run = pl.kernel(
        _body,
        out_type=jax.ShapeDtypeStruct((B * S, HIDDEN), jnp.float32),
        mesh=plsc.VectorSubcoreMesh(core_axis_name="c", subcore_axis_name="s"),
        scratch_types=[
            pltpu.VMEM((B * POS_PER_W,), jnp.int32),
            pltpu.VMEM((B * POS_PER_W,), jnp.int32),
            pltpu.VMEM((2 * POS_PER_W, HIDDEN), jnp.float32),
            pltpu.VMEM((L, HIDDEN), jnp.float32),
            pltpu.VMEM((L, HIDDEN), jnp.float32),
            pltpu.VMEM((L, HIDDEN), jnp.float32),
            pltpu.VMEM((L, HIDDEN), jnp.float32),
            pltpu.VMEM((POS_PER_W, HIDDEN), jnp.float32),
            pltpu.VMEM((TYPE_VOCAB, HIDDEN), jnp.float32),
            pltpu.VMEM((HIDDEN,), jnp.float32),
            pltpu.VMEM((HIDDEN,), jnp.float32),
            pltpu.VMEM((L, L + 1), jnp.float32),
            pltpu.VMEM((L, L + 1), jnp.float32),
            pltpu.SemaphoreType.DMA,
            pltpu.SemaphoreType.DMA,
            pltpu.SemaphoreType.DMA,
            pltpu.SemaphoreType.DMA,
        ],
        compiler_params=pltpu.CompilerParams(needs_layout_passes=False),
    )
    out = run(idsT, ttT, word_emb, pos_emb, type_emb, gamma, beta)
    return out.reshape(B, S, HIDDEN)

# --- scband reference (transcript-rebuilt; emitter-appended) ---
"""Pipeline reference for scband-bert-embeddings-39788577030222 (READ-ONLY COPY).

The authoritative reference and input builder live on the scoring server;
editing this copy changes nothing except your own understanding.
"""

import jax, jax.numpy as jnp
import numpy as np

VOCAB = 30528
MAX_POS = 512
TYPE_VOCAB = 2
HIDDEN = 768
B, S = 128, 512


def setup_inputs(seed: int = 0) -> dict:
    key = jax.random.key(seed)
    k1, k2, k3, k4, k5 = jax.random.split(key, 5)
    input_ids = jax.random.randint(k1, (B, S), 0, VOCAB, dtype=jnp.int64 if jax.config.jax_enable_x64 else jnp.int32)
    token_type_ids = jax.random.randint(k2, (B, S), 0, TYPE_VOCAB, dtype=jnp.int64 if jax.config.jax_enable_x64 else jnp.int32)
    word_emb = jax.random.normal(k3, (VOCAB, HIDDEN), dtype=jnp.float32) * 0.02
    pos_emb = jax.random.normal(k4, (MAX_POS, HIDDEN), dtype=jnp.float32) * 0.02
    type_emb = jax.random.normal(k5, (TYPE_VOCAB, HIDDEN), dtype=jnp.float32) * 0.02
    gamma = jnp.ones((HIDDEN,), dtype=jnp.float32)
    beta = jnp.zeros((HIDDEN,), dtype=jnp.float32)
    return {"input_ids": input_ids, "token_type_ids": token_type_ids,
            "word_emb": word_emb, "pos_emb": pos_emb, "type_emb": type_emb,
            "gamma": gamma, "beta": beta}


def _layer_norm(x, gamma, beta, eps=1e-12):
    mu = jnp.mean(x, axis=-1, keepdims=True)
    var = jnp.mean((x - mu) ** 2, axis=-1, keepdims=True)
    return (x - mu) / jnp.sqrt(var + eps) * gamma + beta


def reference(input_ids, token_type_ids, word_emb, pos_emb, type_emb, gamma, beta):
    seq_length = input_ids.shape[1]
    position_ids = jnp.arange(seq_length, dtype=input_ids.dtype)
    position_ids = jnp.broadcast_to(position_ids[None, :], input_ids.shape)
    words_embeddings = jnp.take(word_emb, input_ids, axis=0)
    position_embeddings = jnp.take(pos_emb, position_ids, axis=0)
    token_type_embeddings = jnp.take(type_emb, token_type_ids, axis=0)
    embeddings = words_embeddings + position_embeddings + token_type_embeddings
    embeddings = _layer_norm(embeddings, gamma, beta)
    # dropout is identity in eval/deterministic mode
    return embeddings

if __name__ == "__main__":
    import jax
    _d = setup_inputs()
    print(jax.jit(kernel)(*tuple(_d.values())))

</pallas_src>

<mosaic_0001>
#map = affine_map<(d0, d1) -> (0, 0)>
#map1 = affine_map<(d0, d1) -> (0)>
module attributes {stable_mosaic.version = 14 : i64} {
  func.func @_body(%arg0: i32, %arg1: i32, %arg2: memref<32x2048xi32, #tpu.memory_space<hbm>>, %arg3: memref<32x2048xi32, #tpu.memory_space<hbm>>, %arg4: memref<30528x768xf32, #tpu.memory_space<hbm>>, %arg5: memref<512x768xf32, #tpu.memory_space<hbm>>, %arg6: memref<2x768xf32, #tpu.memory_space<hbm>>, %arg7: memref<768xf32, #tpu.memory_space<hbm>>, %arg8: memref<768xf32, #tpu.memory_space<hbm>>, %arg9: memref<65536x768xf32, #tpu.memory_space<hbm>>, %arg10: memref<2048xi32, #tpu.memory_space<vmem>>, %arg11: memref<2048xi32, #tpu.memory_space<vmem>>, %arg12: memref<32x768xf32, #tpu.memory_space<vmem>>, %arg13: memref<16x768xf32, #tpu.memory_space<vmem>>, %arg14: memref<16x768xf32, #tpu.memory_space<vmem>>, %arg15: memref<16x768xf32, #tpu.memory_space<vmem>>, %arg16: memref<16x768xf32, #tpu.memory_space<vmem>>, %arg17: memref<16x768xf32, #tpu.memory_space<vmem>>, %arg18: memref<2x768xf32, #tpu.memory_space<vmem>>, %arg19: memref<768xf32, #tpu.memory_space<vmem>>, %arg20: memref<768xf32, #tpu.memory_space<vmem>>, %arg21: memref<16x17xf32, #tpu.memory_space<vmem>>, %arg22: memref<16x17xf32, #tpu.memory_space<vmem>>, %arg23: memref<!tpu.dma_semaphore, #tpu.memory_space<semaphore_mem>>, %arg24: memref<!tpu.dma_semaphore, #tpu.memory_space<semaphore_mem>>, %arg25: memref<!tpu.dma_semaphore, #tpu.memory_space<semaphore_mem>>, %arg26: memref<!tpu.dma_semaphore, #tpu.memory_space<semaphore_mem>>) attributes {dimension_semantics = [#tpu.dimension_semantics<core_parallel>, #tpu.dimension_semantics<subcore_parallel>], iteration_bounds = array<i64: 2, 16>, scalar_prefetch = 0 : i64, scratch_operands = 17 : i64, tpu.core_type = #tpu.core_type<sc_vector_subcore>, window_params = [{transform_indices = #map}, {transform_indices = #map}, {transform_indices = #map}, {transform_indices = #map}, {transform_indices = #map}, {transform_indices = #map1}, {transform_indices = #map1}, {transform_indices = #map}]} {
    %mul3A = arith.constant 16 : i32
    %mul3A_0 = arith.muli %arg0, %mul3A : i32
    %add3A = arith.addi %mul3A_0, %arg1 : i32
    %mul3A_1 = arith.constant 16 : i32
    %mul3A_2 = arith.muli %add3A, %mul3A_1 : i32
    "tpu.region"() ({
      %run_scoped3A = tpu.sem_alloc : memref<!tpu.dma_semaphore, #tpu.memory_space<semaphore_mem>>
      %dma_start3A_133 = arith.constant 0 : i32
      %dma_start3A_134 = tpu.memref_slice %arg2[%add3A, %dma_start3A_133] : memref<32x2048xi32, #tpu.memory_space<hbm>> -> memref<1x2048xi32, #tpu.memory_space<hbm>>
      %dma_start3A_135 = tpu.memref_squeeze %dma_start3A_134 : memref<1x2048xi32, #tpu.memory_space<hbm>> -> memref<2048xi32, #tpu.memory_space<hbm>>
      %dma_start3A_136 = arith.constant 0 : i32
      %dma_start3A_137 = tpu.memref_slice %arg2[%add3A, %dma_start3A_136] : memref<32x2048xi32, #tpu.memory_space<hbm>> -> memref<1x2048xi32, #tpu.memory_space<hbm>>
      %dma_start3A_138 = tpu.memref_squeeze %dma_start3A_137 : memref<1x2048xi32, #tpu.memory_space<hbm>> -> memref<2048xi32, #tpu.memory_space<hbm>>
      tpu.enqueue_dma source(%dma_start3A_138 : memref<2048xi32, #tpu.memory_space<hbm>>) target(%arg10 : memref<2048xi32, #tpu.memory_space<vmem>>) target_semaphore(%run_scoped3A : memref<!tpu.dma_semaphore, #tpu.memory_space<semaphore_mem>>)
      %dma_wait3A_139 = arith.constant 0 : i32
      %dma_wait3A_140 = tpu.memref_slice %arg2[%add3A, %dma_wait3A_139] : memref<32x2048xi32, #tpu.memory_space<hbm>> -> memref<1x2048xi32, #tpu.memory_space<hbm>>
      %dma_wait3A_141 = tpu.memref_squeeze %dma_wait3A_140 : memref<1x2048xi32, #tpu.memory_space<hbm>> -> memref<2048xi32, #tpu.memory_space<hbm>>
      %dma_wait3A_142 = arith.constant 0 : i32
      %dma_wait3A_143 = tpu.memref_slice %arg2[%add3A, %dma_wait3A_142] : memref<32x2048xi32, #tpu.memory_space<hbm>> -> memref<1x2048xi32, #tpu.memory_space<hbm>>
      %dma_wait3A_144 = tpu.memref_squeeze %dma_wait3A_143 : memref<1x2048xi32, #tpu.memory_space<hbm>> -> memref<2048xi32, #tpu.memory_space<hbm>>
      tpu.wait_dma2 semaphore(%run_scoped3A : memref<!tpu.dma_semaphore, #tpu.memory_space<semaphore_mem>>) src(%dma_wait3A_144 : memref<2048xi32, #tpu.memory_space<hbm>>) dst(%arg10 : memref<2048xi32, #tpu.memory_space<vmem>>)
      tpu.yield
    }) : () -> ()
    "tpu.region"() ({
      %run_scoped3A = tpu.sem_alloc : memref<!tpu.dma_semaphore, #tpu.memory_space<semaphore_mem>>
      %dma_start3A_133 = arith.constant 0 : i32
      %dma_start3A_134 = tpu.memref_slice %arg3[%add3A, %dma_start3A_133] : memref<32x2048xi32, #tpu.memory_space<hbm>> -> memref<1x2048xi32, #tpu.memory_space<hbm>>
      %dma_start3A_135 = tpu.memref_squeeze %dma_start3A_134 : memref<1x2048xi32, #tpu.memory_space<hbm>> -> memref<2048xi32, #tpu.memory_space<hbm>>
      %dma_start3A_136 = arith.constant 0 : i32
      %dma_start3A_137 = tpu.memref_slice %arg3[%add3A, %dma_start3A_136] : memref<32x2048xi32, #tpu.memory_space<hbm>> -> memref<1x2048xi32, #tpu.memory_space<hbm>>
      %dma_start3A_138 = tpu.memref_squeeze %dma_start3A_137 : memref<1x2048xi32, #tpu.memory_space<hbm>> -> memref<2048xi32, #tpu.memory_space<hbm>>
      tpu.enqueue_dma source(%dma_start3A_138 : memref<2048xi32, #tpu.memory_space<hbm>>) target(%arg11 : memref<2048xi32, #tpu.memory_space<vmem>>) target_semaphore(%run_scoped3A : memref<!tpu.dma_semaphore, #tpu.memory_space<semaphore_mem>>)
      %dma_wait3A_139 = arith.constant 0 : i32
      %dma_wait3A_140 = tpu.memref_slice %arg3[%add3A, %dma_wait3A_139] : memref<32x2048xi32, #tpu.memory_space<hbm>> -> memref<1x2048xi32, #tpu.memory_space<hbm>>
      %dma_wait3A_141 = tpu.memref_squeeze %dma_wait3A_140 : memref<1x2048xi32, #tpu.memory_space<hbm>> -> memref<2048xi32, #tpu.memory_space<hbm>>
      %dma_wait3A_142 = arith.constant 0 : i32
      %dma_wait3A_143 = tpu.memref_slice %arg3[%add3A, %dma_wait3A_142] : memref<32x2048xi32, #tpu.memory_space<hbm>> -> memref<1x2048xi32, #tpu.memory_space<hbm>>
      %dma_wait3A_144 = tpu.memref_squeeze %dma_wait3A_143 : memref<1x2048xi32, #tpu.memory_space<hbm>> -> memref<2048xi32, #tpu.memory_space<hbm>>
      tpu.wait_dma2 semaphore(%run_scoped3A : memref<!tpu.dma_semaphore, #tpu.memory_space<semaphore_mem>>) src(%dma_wait3A_144 : memref<2048xi32, #tpu.memory_space<hbm>>) dst(%arg11 : memref<2048xi32, #tpu.memory_space<vmem>>)
      tpu.yield
    }) : () -> ()
    "tpu.region"() ({
      %run_scoped3A = tpu.sem_alloc : memref<!tpu.dma_semaphore, #tpu.memory_space<semaphore_mem>>
      %dma_start3A_133 = arith.constant 0 : i32
      %dma_start3A_134 = tpu.memref_slice %arg5[%mul3A_2, %dma_start3A_133] : memref<512x768xf32, #tpu.memory_space<hbm>> -> memref<16x768xf32, #tpu.memory_space<hbm>>
      %dma_start3A_135 = arith.constant 0 : i32
      %dma_start3A_136 = tpu.memref_slice %arg5[%mul3A_2, %dma_start3A_135] : memref<512x768xf32, #tpu.memory_space<hbm>> -> memref<16x768xf32, #tpu.memory_space<hbm>>
      tpu.enqueue_dma source(%dma_start3A_136 : memref<16x768xf32, #tpu.memory_space<hbm>>) target(%arg17 : memref<16x768xf32, #tpu.memory_space<vmem>>) target_semaphore(%run_scoped3A : memref<!tpu.dma_semaphore, #tpu.memory_space<semaphore_mem>>)
      %dma_wait3A_137 = arith.constant 0 : i32
      %dma_wait3A_138 = tpu.memref_slice %arg5[%mul3A_2, %dma_wait3A_137] : memref<512x768xf32, #tpu.memory_space<hbm>> -> memref<16x768xf32, #tpu.memory_space<hbm>>
      %dma_wait3A_139 = arith.constant 0 : i32
      %dma_wait3A_140 = tpu.memref_slice %arg5[%mul3A_2, %dma_wait3A_139] : memref<512x768xf32, #tpu.memory_space<hbm>> -> memref<16x768xf32, #tpu.memory_space<hbm>>
      tpu.wait_dma2 semaphore(%run_scoped3A : memref<!tpu.dma_semaphore, #tpu.memory_space<semaphore_mem>>) src(%dma_wait3A_140 : memref<16x768xf32, #tpu.memory_space<hbm>>) dst(%arg17 : memref<16x768xf32, #tpu.memory_space<vmem>>)
      tpu.yield
    }) : () -> ()
    "tpu.region"() ({
      %run_scoped3A = tpu.sem_alloc : memref<!tpu.dma_semaphore, #tpu.memory_space<semaphore_mem>>
      tpu.enqueue_dma source(%arg6 : memref<2x768xf32, #tpu.memory_space<hbm>>) target(%arg18 : memref<2x768xf32, #tpu.memory_space<vmem>>) target_semaphore(%run_scoped3A : memref<!tpu.dma_semaphore, #tpu.memory_space<semaphore_mem>>)
      tpu.wait_dma2 semaphore(%run_scoped3A : memref<!tpu.dma_semaphore, #tpu.memory_space<semaphore_mem>>) src(%arg6 : memref<2x768xf32, #tpu.memory_space<hbm>>) dst(%arg18 : memref<2x768xf32, #tpu.memory_space<vmem>>)
      tpu.yield
    }) : () -> ()
    "tpu.region"() ({
      %run_scoped3A = tpu.sem_alloc : memref<!tpu.dma_semaphore, #tpu.memory_space<semaphore_mem>>
      tpu.enqueue_dma source(%arg7 : memref<768xf32, #tpu.memory_space<hbm>>) target(%arg19 : memref<768xf32, #tpu.memory_space<vmem>>) target_semaphore(%run_scoped3A : memref<!tpu.dma_semaphore, #tpu.memory_space<semaphore_mem>>)
      tpu.wait_dma2 semaphore(%run_scoped3A : memref<!tpu.dma_semaphore, #tpu.memory_space<semaphore_mem>>) src(%arg7 : memref<768xf32, #tpu.memory_space<hbm>>) dst(%arg19 : memref<768xf32, #tpu.memory_space<vmem>>)
      tpu.yield
    }) : () -> ()
    "tpu.region"() ({
      %run_scoped3A = tpu.sem_alloc : memref<!tpu.dma_semaphore, #tpu.memory_space<semaphore_mem>>
      tpu.enqueue_dma source(%arg8 : memref<768xf32, #tpu.memory_space<hbm>>) target(%arg20 : memref<768xf32, #tpu.memory_space<vmem>>) target_semaphore(%run_scoped3A : memref<!tpu.dma_semaphore, #tpu.memory_space<semaphore_mem>>)
      tpu.wait_dma2 semaphore(%run_scoped3A : memref<!tpu.dma_semaphore, #tpu.memory_space<semaphore_mem>>) src(%arg8 : memref<768xf32, #tpu.memory_space<hbm>>) dst(%arg20 : memref<768xf32, #tpu.memory_space<vmem>>)
      tpu.yield
    }) : () -> ()
    %scan3A = arith.constant 0 : i32
    %scan3A_3 = arith.constant 0 : i32
    %scan3A_4 = arith.constant 48 : i32
    %scan3A_5 = arith.addi %scan3A_3, %scan3A_4 : i32
    %scan3A_6 = arith.constant 1 : i32
    %scan3A_7 = scf.for %scan3A_133 = %scan3A_3 to %scan3A_5 step %scan3A_6 iter_args(%scan3A_134 = %scan3A) -> (i32)  : i32 {
      %mul3A_135 = arith.constant 16 : i32
      %mul3A_136 = arith.muli %scan3A_133, %mul3A_135 : i32
      %get3A_137 = arith.constant 0 : i32
      %get3A_138 = arith.index_cast %get3A_137 : i32 to index
      %get3A_139 = arith.index_cast %mul3A_136 : i32 to index
      %get3A_140 = tpu.vector_load %arg17[%get3A_138, %get3A_139] {strides = array<i32>} : memref<16x768xf32, #tpu.memory_space<vmem>>, vector<16xf32>,
      %get3A_141 = arith.constant 0 : i32
      %get3A_142 = arith.index_cast %get3A_141 : i32 to index
      %get3A_143 = arith.index_cast %mul3A_136 : i32 to index
      %get3A_144 = tpu.vector_load %arg18[%get3A_142, %get3A_143] {strides = array<i32>} : memref<2x768xf32, #tpu.memory_space<vmem>>, vector<16xf32>,
      %add3A_145 = arith.addf %get3A_140, %get3A_144 : vector<16xf32>
      %swap3A = arith.constant 0 : i32
      %swap3A_146 = arith.index_cast %swap3A : i32 to index
      %swap3A_147 = arith.index_cast %mul3A_136 : i32 to index
      %swap3A_148 = tpu.vector_load %arg12[%swap3A_146, %swap3A_147] {strides = array<i32>} : memref<32x768xf32, #tpu.memory_space<vmem>>, vector<16xf32>,
      tpu.vector_store %arg12[%swap3A_146, %swap3A_147], %add3A_145 {strides = array<i32>} : memref<32x768xf32, #tpu.memory_space<vmem>>, vector<16xf32>,
      %get3A_149 = arith.constant 1 : i32
      %get3A_150 = arith.index_cast %get3A_149 : i32 to index
      %get3A_151 = arith.index_cast %mul3A_136 : i32 to index
      %get3A_152 = tpu.vector_load %arg18[%get3A_150, %get3A_151] {strides = array<i32>} : memref<2x768xf32, #tpu.memory_space<vmem>>, vector<16xf32>,
      %add3A_153 = arith.addf %get3A_140, %get3A_152 : vector<16xf32>
      %swap3A_154 = arith.constant 1 : i32
      %swap3A_155 = arith.index_cast %swap3A_154 : i32 to index
      %swap3A_156 = arith.index_cast %mul3A_136 : i32 to index
      %swap3A_157 = tpu.vector_load %arg12[%swap3A_155, %swap3A_156] {strides = array<i32>} : memref<32x768xf32, #tpu.memory_space<vmem>>, vector<16xf32>,
      tpu.vector_store %arg12[%swap3A_155, %swap3A_156], %add3A_153 {strides = array<i32>} : memref<32x768xf32, #tpu.memory_space<vmem>>, vector<16xf32>,
      %scan3A_158 = arith.constant 0 : i32
      scf.yield %scan3A_158 : i32
    }
    %scan3A_8 = arith.constant 48 : i32
    %scan3A_9 = arith.constant 0 : i32
    %scan3A_10 = arith.constant 0 : i32
    %scan3A_11 = arith.constant 48 : i32
    %scan3A_12 = arith.addi %scan3A_10, %scan3A_11 : i32
    %scan3A_13 = arith.constant 1 : i32
    %scan3A_14 = scf.for %scan3A_133 = %scan3A_10 to %scan3A_12 step %scan3A_13 iter_args(%scan3A_134 = %scan3A_9) -> (i32)  : i32 {
      %mul3A_135 = arith.constant 16 : i32
      %mul3A_136 = arith.muli %scan3A_133, %mul3A_135 : i32
      %get3A_137 = arith.constant 1 : i32
      %get3A_138 = arith.index_cast %get3A_137 : i32 to index
      %get3A_139 = arith.index_cast %mul3A_136 : i32 to index
      %get3A_140 = tpu.vector_load %arg17[%get3A_138, %get3A_139] {strides = array<i32>} : memref<16x768xf32, #tpu.memory_space<vmem>>, vector<16xf32>,
      %get3A_141 = arith.constant 0 : i32
      %get3A_142 = arith.index_cast %get3A_141 : i32 to index
      %get3A_143 = arith.index_cast %mul3A_136 : i32 to index
      %get3A_144 = tpu.vector_load %arg18[%get3A_142, %get3A_143] {strides = array<i32>} : memref<2x768xf32, #tpu.memory_space<vmem>>, vector<16xf32>,
      %add3A_145 = arith.addf %get3A_140, %get3A_144 : vector<16xf32>
      %swap3A = arith.constant 2 : i32
      %swap3A_146 = arith.index_cast %swap3A : i32 to index
      %swap3A_147 = arith.index_cast %mul3A_136 : i32 to index
      %swap3A_148 = tpu.vector_load %arg12[%swap3A_146, %swap3A_147] {strides = array<i32>} : memref<32x768xf32, #tpu.memory_space<vmem>>, vector<16xf32>,
      tpu.vector_store %arg12[%swap3A_146, %swap3A_147], %add3A_145 {strides = array<i32>} : memref<32x768xf32, #tpu.memory_space<vmem>>, vector<16xf32>,
      %get3A_149 = arith.constant 1 : i32
      %get3A_150 = arith.index_cast %get3A_149 : i32 to index
      %get3A_151 = arith.index_cast %mul3A_136 : i32 to index
      %get3A_152 = tpu.vector_load %arg18[%get3A_150, %get3A_151] {strides = array<i32>} : memref<2x768xf32, #tpu.memory_space<vmem>>, vector<16xf32>,
      %add3A_153 = arith.addf %get3A_140, %get3A_152 : vector<16xf32>
      %swap3A_154 = arith.constant 3 : i32
      %swap3A_155 = arith.index_cast %swap3A_154 : i32 to index
      %swap3A_156 = arith.index_cast %mul3A_136 : i32 to index
      %swap3A_157 = tpu.vector_load %arg12[%swap3A_155, %swap3A_156] {strides = array<i32>} : memref<32x768xf32, #tpu.memory_space<vmem>>, vector<16xf32>,
      tpu.vector_store %arg12[%swap3A_155, %swap3A_156], %add3A_153 {strides = array<i32>} : memref<32x768xf32, #tpu.memory_space<vmem>>, vector<16xf32>,
      %scan3A_158 = arith.constant 0 : i32
      scf.yield %scan3A_158 : i32
    }
    %scan3A_15 = arith.constant 48 : i32
    %scan3A_16 = arith.constant 0 : i32
    %scan3A_17 = arith.constant 0 : i32
    %scan3A_18 = arith.constant 48 : i32
    %scan3A_19 = arith.addi %scan3A_17, %scan3A_18 : i32
    %scan3A_20 = arith.constant 1 : i32
    %scan3A_21 = scf.for %scan3A_133 = %scan3A_17 to %scan3A_19 step %scan3A_20 iter_args(%scan3A_134 = %scan3A_16) -> (i32)  : i32 {
      %mul3A_135 = arith.constant 16 : i32
      %mul3A_136 = arith.muli %scan3A_133, %mul3A_135 : i32
      %get3A_137 = arith.constant 2 : i32
      %get3A_138 = arith.index_cast %get3A_137 : i32 to index
      %get3A_139 = arith.index_cast %mul3A_136 : i32 to index
      %get3A_140 = tpu.vector_load %arg17[%get3A_138, %get3A_139] {strides = array<i32>} : memref<16x768xf32, #tpu.memory_space<vmem>>, vector<16xf32>,
      %get3A_141 = arith.constant 0 : i32
      %get3A_142 = arith.index_cast %get3A_141 : i32 to index
      %get3A_143 = arith.index_cast %mul3A_136 : i32 to index
      %get3A_144 = tpu.vector_load %arg18[%get3A_142, %get3A_143] {strides = array<i32>} : memref<2x768xf32, #tpu.memory_space<vmem>>, vector<16xf32>,
      %add3A_145 = arith.addf %get3A_140, %get3A_144 : vector<16xf32>
      %swap3A = arith.constant 4 : i32
      %swap3A_146 = arith.index_cast %swap3A : i32 to index
      %swap3A_147 = arith.index_cast %mul3A_136 : i32 to index
      %swap3A_148 = tpu.vector_load %arg12[%swap3A_146, %swap3A_147] {strides = array<i32>} : memref<32x768xf32, #tpu.memory_space<vmem>>, vector<16xf32>,
      tpu.vector_store %arg12[%swap3A_146, %swap3A_147], %add3A_145 {strides = array<i32>} : memref<32x768xf32, #tpu.memory_space<vmem>>, vector<16xf32>,
      %get3A_149 = arith.constant 1 : i32
      %get3A_150 = arith.index_cast %get3A_149 : i32 to index
      %get3A_151 = arith.index_cast %mul3A_136 : i32 to index
      %get3A_152 = tpu.vector_load %arg18[%get3A_150, %get3A_151] {strides = array<i32>} : memref<2x768xf32, #tpu.memory_space<vmem>>, vector<16xf32>,
      %add3A_153 = arith.addf %get3A_140, %get3A_152 : vector<16xf32>
      %swap3A_154 = arith.constant 5 : i32
      %swap3A_155 = arith.index_cast %swap3A_154 : i32 to index
      %swap3A_156 = arith.index_cast %mul3A_136 : i32 to index
      %swap3A_157 = tpu.vector_load %arg12[%swap3A_155, %swap3A_156] {strides = array<i32>} : memref<32x768xf32, #tpu.memory_space<vmem>>, vector<16xf32>,
      tpu.vector_store %arg12[%swap3A_155, %swap3A_156], %add3A_153 {strides = array<i32>} : memref<32x768xf32, #tpu.memory_space<vmem>>, vector<16xf32>,
      %scan3A_158 = arith.constant 0 : i32
      scf.yield %scan3A_158 : i32
    }
    %scan3A_22 = arith.constant 48 : i32
    %scan3A_23 = arith.constant 0 : i32
    %scan3A_24 = arith.constant 0 : i32
    %scan3A_25 = arith.constant 48 : i32
    %scan3A_26 = arith.addi %scan3A_24, %scan3A_25 : i32
    %scan3A_27 = arith.constant 1 : i32
    %scan3A_28 = scf.for %scan3A_133 = %scan3A_24 to %scan3A_26 step %scan3A_27 iter_args(%scan3A_134 = %scan3A_23) -> (i32)  : i32 {
      %mul3A_135 = arith.constant 16 : i32
      %mul3A_136 = arith.muli %scan3A_133, %mul3A_135 : i32
      %get3A_137 = arith.constant 3 : i32
      %get3A_138 = arith.index_cast %get3A_137 : i32 to index
      %get3A_139 = arith.index_cast %mul3A_136 : i32 to index
      %get3A_140 = tpu.vector_load %arg17[%get3A_138, %get3A_139] {strides = array<i32>} : memref<16x768xf32, #tpu.memory_space<vmem>>, vector<16xf32>,
      %get3A_141 = arith.constant 0 : i32
      %get3A_142 = arith.index_cast %get3A_141 : i32 to index
      %get3A_143 = arith.index_cast %mul3A_136 : i32 to index
      %get3A_144 = tpu.vector_load %arg18[%get3A_142, %get3A_143] {strides = array<i32>} : memref<2x768xf32, #tpu.memory_space<vmem>>, vector<16xf32>,
      %add3A_145 = arith.addf %get3A_140, %get3A_144 : vector<16xf32>
      %swap3A = arith.constant 6 : i32
      %swap3A_146 = arith.index_cast %swap3A : i32 to index
      %swap3A_147 = arith.index_cast %mul3A_136 : i32 to index
      %swap3A_148 = tpu.vector_load %arg12[%swap3A_146, %swap3A_147] {strides = array<i32>} : memref<32x768xf32, #tpu.memory_space<vmem>>, vector<16xf32>,
      tpu.vector_store %arg12[%swap3A_146, %swap3A_147], %add3A_145 {strides = array<i32>} : memref<32x768xf32, #tpu.memory_space<vmem>>, vector<16xf32>,
      %get3A_149 = arith.constant 1 : i32
      %get3A_150 = arith.index_cast %get3A_149 : i32 to index
      %get3A_151 = arith.index_cast %mul3A_136 : i32 to index
      %get3A_152 = tpu.vector_load %arg18[%get3A_150, %get3A_151] {strides = array<i32>} : memref<2x768xf32, #tpu.memory_space<vmem>>, vector<16xf32>,
      %add3A_153 = arith.addf %get3A_140, %get3A_152 : vector<16xf32>
      %swap3A_154 = arith.constant 7 : i32
      %swap3A_155 = arith.index_cast %swap3A_154 : i32 to index
      %swap3A_156 = arith.index_cast %mul3A_136 : i32 to index
      %swap3A_157 = tpu.vector_load %arg12[%swap3A_155, %swap3A_156] {strides = array<i32>} : memref<32x768xf32, #tpu.memory_space<vmem>>, vector<16xf32>,
      tpu.vector_store %arg12[%swap3A_155, %swap3A_156], %add3A_153 {strides = array<i32>} : memref<32x768xf32, #tpu.memory_space<vmem>>, vector<16xf32>,
      %scan3A_158 = arith.constant 0 : i32
      scf.yield %scan3A_158 : i32
    }
    %scan3A_29 = arith.constant 48 : i32
    %scan3A_30 = arith.constant 0 : i32
    %scan3A_31 = arith.constant 0 : i32
    %scan3A_32 = arith.constant 48 : i32
    %scan3A_33 = arith.addi %scan3A_31, %scan3A_32 : i32
    %scan3A_34 = arith.constant 1 : i32
    %scan3A_35 = scf.for %scan3A_133 = %scan3A_31 to %scan3A_33 step %scan3A_34 iter_args(%scan3A_134 = %scan3A_30) -> (i32)  : i32 {
      %mul3A_135 = arith.constant 16 : i32
      %mul3A_136 = arith.muli %scan3A_133, %mul3A_135 : i32
      %get3A_137 = arith.constant 4 : i32
      %get3A_138 = arith.index_cast %get3A_137 : i32 to index
      %get3A_139 = arith.index_cast %mul3A_136 : i32 to index
      %get3A_140 = tpu.vector_load %arg17[%get3A_138, %get3A_139] {strides = array<i32>} : memref<16x768xf32, #tpu.memory_space<vmem>>, vector<16xf32>,
      %get3A_141 = arith.constant 0 : i32
      %get3A_142 = arith.index_cast %get3A_141 : i32 to index
      %get3A_143 = arith.index_cast %mul3A_136 : i32 to index
      %get3A_144 = tpu.vector_load %arg18[%get3A_142, %get3A_143] {strides = array<i32>} : memref<2x768xf32, #tpu.memory_space<vmem>>, vector<16xf32>,
      %add3A_145 = arith.addf %get3A_140, %get3A_144 : vector<16xf32>
      %swap3A = arith.constant 8 : i32
      %swap3A_146 = arith.index_cast %swap3A : i32 to index
      %swap3A_147 = arith.index_cast %mul3A_136 : i32 to index
      %swap3A_148 = tpu.vector_load %arg12[%swap3A_146, %swap3A_147] {strides = array<i32>} : memref<32x768xf32, #tpu.memory_space<vmem>>, vector<16xf32>,
      tpu.vector_store %arg12[%swap3A_146, %swap3A_147], %add3A_145 {strides = array<i32>} : memref<32x768xf32, #tpu.memory_space<vmem>>, vector<16xf32>,
      %get3A_149 = arith.constant 1 : i32
      %get3A_150 = arith.index_cast %get3A_149 : i32 to index
      %get3A_151 = arith.index_cast %mul3A_136 : i32 to index
      %get3A_152 = tpu.vector_load %arg18[%get3A_150, %get3A_151] {strides = array<i32>} : memref<2x768xf32, #tpu.memory_space<vmem>>, vector<16xf32>,
      %add3A_153 = arith.addf %get3A_140, %get3A_152 : vector<16xf32>
      %swap3A_154 = arith.constant 9 : i32
      %swap3A_155 = arith.index_cast %swap3A_154 : i32 to index
      %swap3A_156 = arith.index_cast %mul3A_136 : i32 to index
      %swap3A_157 = tpu.vector_load %arg12[%swap3A_155, %swap3A_156] {strides = array<i32>} : memref<32x768xf32, #tpu.memory_space<vmem>>, vector<16xf32>,
      tpu.vector_store %arg12[%swap3A_155, %swap3A_156], %add3A_153 {strides = array<i32>} : memref<32x768xf32, #tpu.memory_space<vmem>>, vector<16xf32>,
      %scan3A_158 = arith.constant 0 : i32
      scf.yield %scan3A_158 : i32
    }
    %scan3A_36 = arith.constant 48 : i32
    %scan3A_37 = arith.constant 0 : i32
    %scan3A_38 = arith.constant 0 : i32
    %scan3A_39 = arith.constant 48 : i32
    %scan3A_40 = arith.addi %scan3A_38, %scan3A_39 : i32
    %scan3A_41 = arith.constant 1 : i32
    %scan3A_42 = scf.for %scan3A_133 = %scan3A_38 to %scan3A_40 step %scan3A_41 iter_args(%scan3A_134 = %scan3A_37) -> (i32)  : i32 {
      %mul3A_135 = arith.constant 16 : i32
      %mul3A_136 = arith.muli %scan3A_133, %mul3A_135 : i32
      %get3A_137 = arith.constant 5 : i32
      %get3A_138 = arith.index_cast %get3A_137 : i32 to index
      %get3A_139 = arith.index_cast %mul3A_136 : i32 to index
      %get3A_140 = tpu.vector_load %arg17[%get3A_138, %get3A_139] {strides = array<i32>} : memref<16x768xf32, #tpu.memory_space<vmem>>, vector<16xf32>,
      %get3A_141 = arith.constant 0 : i32
      %get3A_142 = arith.index_cast %get3A_141 : i32 to index
      %get3A_143 = arith.index_cast %mul3A_136 : i32 to index
      %get3A_144 = tpu.vector_load %arg18[%get3A_142, %get3A_143] {strides = array<i32>} : memref<2x768xf32, #tpu.memory_space<vmem>>, vector<16xf32>,
      %add3A_145 = arith.addf %get3A_140, %get3A_144 : vector<16xf32>
      %swap3A = arith.constant 10 : i32
      %swap3A_146 = arith.index_cast %swap3A : i32 to index
      %swap3A_147 = arith.index_cast %mul3A_136 : i32 to index
      %swap3A_148 = tpu.vector_load %arg12[%swap3A_146, %swap3A_147] {strides = array<i32>} : memref<32x768xf32, #tpu.memory_space<vmem>>, vector<16xf32>,
      tpu.vector_store %arg12[%swap3A_146, %swap3A_147], %add3A_145 {strides = array<i32>} : memref<32x768xf32, #tpu.memory_space<vmem>>, vector<16xf32>,
      %get3A_149 = arith.constant 1 : i32
      %get3A_150 = arith.index_cast %get3A_149 : i32 to index
      %get3A_151 = arith.index_cast %mul3A_136 : i32 to index
      %get3A_152 = tpu.vector_load %arg18[%get3A_150, %get3A_151] {strides = array<i32>} : memref<2x768xf32, #tpu.memory_space<vmem>>, vector<16xf32>,
      %add3A_153 = arith.addf %get3A_140, %get3A_152 : vector<16xf32>
      %swap3A_154 = arith.constant 11 : i32
      %swap3A_155 = arith.index_cast %swap3A_154 : i32 to index
      %swap3A_156 = arith.index_cast %mul3A_136 : i32 to index
      %swap3A_157 = tpu.vector_load %arg12[%swap3A_155, %swap3A_156] {strides = array<i32>} : memref<32x768xf32, #tpu.memory_space<vmem>>, vector<16xf32>,
      tpu.vector_store %arg12[%swap3A_155, %swap3A_156], %add3A_153 {strides = array<i32>} : memref<32x768xf32, #tpu.memory_space<vmem>>, vector<16xf32>,
      %scan3A_158 = arith.constant 0 : i32
      scf.yield %scan3A_158 : i32
    }
    %scan3A_43 = arith.constant 48 : i32
    %scan3A_44 = arith.constant 0 : i32
    %scan3A_45 = arith.constant 0 : i32
    %scan3A_46 = arith.constant 48 : i32
    %scan3A_47 = arith.addi %scan3A_45, %scan3A_46 : i32
    %scan3A_48 = arith.constant 1 : i32
    %scan3A_49 = scf.for %scan3A_133 = %scan3A_45 to %scan3A_47 step %scan3A_48 iter_args(%scan3A_134 = %scan3A_44) -> (i32)  : i32 {
      %mul3A_135 = arith.constant 16 : i32
      %mul3A_136 = arith.muli %scan3A_133, %mul3A_135 : i32
      %get3A_137 = arith.constant 6 : i32
      %get3A_138 = arith.index_cast %get3A_137 : i32 to index
      %get3A_139 = arith.index_cast %mul3A_136 : i32 to index
      %get3A_140 = tpu.vector_load %arg17[%get3A_138, %get3A_139] {strides = array<i32>} : memref<16x768xf32, #tpu.memory_space<vmem>>, vector<16xf32>,
      %get3A_141 = arith.constant 0 : i32
      %get3A_142 = arith.index_cast %get3A_141 : i32 to index
      %get3A_143 = arith.index_cast %mul3A_136 : i32 to index
      %get3A_144 = tpu.vector_load %arg18[%get3A_142, %get3A_143] {strides = array<i32>} : memref<2x768xf32, #tpu.memory_space<vmem>>, vector<16xf32>,
      %add3A_145 = arith.addf %get3A_140, %get3A_144 : vector<16xf32>
      %swap3A = arith.constant 12 : i32
      %swap3A_146 = arith.index_cast %swap3A : i32 to index
      %swap3A_147 = arith.index_cast %mul3A_136 : i32 to index
      %swap3A_148 = tpu.vector_load %arg12[%swap3A_146, %swap3A_147] {strides = array<i32>} : memref<32x768xf32, #tpu.memory_space<vmem>>, vector<16xf32>,
      tpu.vector_store %arg12[%swap3A_146, %swap3A_147], %add3A_145 {strides = array<i32>} : memref<32x768xf32, #tpu.memory_space<vmem>>, vector<16xf32>,
      %get3A_149 = arith.constant 1 : i32
      %get3A_150 = arith.index_cast %get3A_149 : i32 to index
      %get3A_151 = arith.index_cast %mul3A_136 : i32 to index
      %get3A_152 = tpu.vector_load %arg18[%get3A_150, %get3A_151] {strides = array<i32>} : memref<2x768xf32, #tpu.memory_space<vmem>>, vector<16xf32>,
      %add3A_153 = arith.addf %get3A_140, %get3A_152 : vector<16xf32>
      %swap3A_154 = arith.constant 13 : i32
      %swap3A_155 = arith.index_cast %swap3A_154 : i32 to index
      %swap3A_156 = arith.index_cast %mul3A_136 : i32 to index
      %swap3A_157 = tpu.vector_load %arg12[%swap3A_155, %swap3A_156] {strides = array<i32>} : memref<32x768xf32, #tpu.memory_space<vmem>>, vector<16xf32>,
      tpu.vector_store %arg12[%swap3A_155, %swap3A_156], %add3A_153 {strides = array<i32>} : memref<32x768xf32, #tpu.memory_space<vmem>>, vector<16xf32>,
      %scan3A_158 = arith.constant 0 : i32
      scf.yield %scan3A_158 : i32
    }
    %scan3A_50 = arith.constant 48 : i32
    %scan3A_51 = arith.constant 0 : i32
    %scan3A_52 = arith.constant 0 : i32
    %scan3A_53 = arith.constant 48 : i32
    %scan3A_54 = arith.addi %scan3A_52, %scan3A_53 : i32
    %scan3A_55 = arith.constant 1 : i32
    %scan3A_56 = scf.for %scan3A_133 = %scan3A_52 to %scan3A_54 step %scan3A_55 iter_args(%scan3A_134 = %scan3A_51) -> (i32)  : i32 {
      %mul3A_135 = arith.constant 16 : i32
      %mul3A_136 = arith.muli %scan3A_133, %mul3A_135 : i32
      %get3A_137 = arith.constant 7 : i32
      %get3A_138 = arith.index_cast %get3A_137 : i32 to index
      %get3A_139 = arith.index_cast %mul3A_136 : i32 to index
      %get3A_140 = tpu.vector_load %arg17[%get3A_138, %get3A_139] {strides = array<i32>} : memref<16x768xf32, #tpu.memory_space<vmem>>, vector<16xf32>,
      %get3A_141 = arith.constant 0 : i32
      %get3A_142 = arith.index_cast %get3A_141 : i32 to index
      %get3A_143 = arith.index_cast %mul3A_136 : i32 to index
      %get3A_144 = tpu.vector_load %arg18[%get3A_142, %get3A_143] {strides = array<i32>} : memref<2x768xf32, #tpu.memory_space<vmem>>, vector<16xf32>,
      %add3A_145 = arith.addf %get3A_140, %get3A_144 : vector<16xf32>
      %swap3A = arith.constant 14 : i32
      %swap3A_146 = arith.index_cast %swap3A : i32 to index
      %swap3A_147 = arith.index_cast %mul3A_136 : i32 to index
      %swap3A_148 = tpu.vector_load %arg12[%swap3A_146, %swap3A_147] {strides = array<i32>} : memref<32x768xf32, #tpu.memory_space<vmem>>, vector<16xf32>,
      tpu.vector_store %arg12[%swap3A_146, %swap3A_147], %add3A_145 {strides = array<i32>} : memref<32x768xf32, #tpu.memory_space<vmem>>, vector<16xf32>,
      %get3A_149 = arith.constant 1 : i32
      %get3A_150 = arith.index_cast %get3A_149 : i32 to index
      %get3A_151 = arith.index_cast %mul3A_136 : i32 to index
      %get3A_152 = tpu.vector_load %arg18[%get3A_150, %get3A_151] {strides = array<i32>} : memref<2x768xf32, #tpu.memory_space<vmem>>, vector<16xf32>,
      %add3A_153 = arith.addf %get3A_140, %get3A_152 : vector<16xf32>
      %swap3A_154 = arith.constant 15 : i32
      %swap3A_155 = arith.index_cast %swap3A_154 : i32 to index
      %swap3A_156 = arith.index_cast %mul3A_136 : i32 to index
      %swap3A_157 = tpu.vector_load %arg12[%swap3A_155, %swap3A_156] {strides = array<i32>} : memref<32x768xf32, #tpu.memory_space<vmem>>, vector<16xf32>,
      tpu.vector_store %arg12[%swap3A_155, %swap3A_156], %add3A_153 {strides = array<i32>} : memref<32x768xf32, #tpu.memory_space<vmem>>, vector<16xf32>,
      %scan3A_158 = arith.constant 0 : i32
      scf.yield %scan3A_158 : i32
    }
    %scan3A_57 = arith.constant 48 : i32
    %scan3A_58 = arith.constant 0 : i32
    %scan3A_59 = arith.constant 0 : i32
    %scan3A_60 = arith.constant 48 : i32
    %scan3A_61 = arith.addi %scan3A_59, %scan3A_60 : i32
    %scan3A_62 = arith.constant 1 : i32
    %scan3A_63 = scf.for %scan3A_133 = %scan3A_59 to %scan3A_61 step %scan3A_62 iter_args(%scan3A_134 = %scan3A_58) -> (i32)  : i32 {
      %mul3A_135 = arith.constant 16 : i32
      %mul3A_136 = arith.muli %scan3A_133, %mul3A_135 : i32
      %get3A_137 = arith.constant 8 : i32
      %get3A_138 = arith.index_cast %get3A_137 : i32 to index
      %get3A_139 = arith.index_cast %mul3A_136 : i32 to index
      %get3A_140 = tpu.vector_load %arg17[%get3A_138, %get3A_139] {strides = array<i32>} : memref<16x768xf32, #tpu.memory_space<vmem>>, vector<16xf32>,
      %get3A_141 = arith.constant 0 : i32
      %get3A_142 = arith.index_cast %get3A_141 : i32 to index
      %get3A_143 = arith.index_cast %mul3A_136 : i32 to index
      %get3A_144 = tpu.vector_load %arg18[%get3A_142, %get3A_143] {strides = array<i32>} : memref<2x768xf32, #tpu.memory_space<vmem>>, vector<16xf32>,
      %add3A_145 = arith.addf %get3A_140, %get3A_144 : vector<16xf32>
      %swap3A = arith.constant 16 : i32
      %swap3A_146 = arith.index_cast %swap3A : i32 to index
      %swap3A_147 = arith.index_cast %mul3A_136 : i32 to index
      %swap3A_148 = tpu.vector_load %arg12[%swap3A_146, %swap3A_147] {strides = array<i32>} : memref<32x768xf32, #tpu.memory_space<vmem>>, vector<16xf32>,
      tpu.vector_store %arg12[%swap3A_146, %swap3A_147], %add3A_145 {strides = array<i32>} : memref<32x768xf32, #tpu.memory_space<vmem>>, vector<16xf32>,
      %get3A_149 = arith.constant 1 : i32
      %get3A_150 = arith.index_cast %get3A_149 : i32 to index
      %get3A_151 = arith.index_cast %mul3A_136 : i32 to index
      %get3A_152 = tpu.vector_load %arg18[%get3A_150, %get3A_151] {strides = array<i32>} : memref<2x768xf32, #tpu.memory_space<vmem>>, vector<16xf32>,
      %add3A_153 = arith.addf %get3A_140, %get3A_152 : vector<16xf32>
      %swap3A_154 = arith.constant 17 : i32
      %swap3A_155 = arith.index_cast %swap3A_154 : i32 to index
      %swap3A_156 = arith.index_cast %mul3A_136 : i32 to index
      %swap3A_157 = tpu.vector_load %arg12[%swap3A_155, %swap3A_156] {strides = array<i32>} : memref<32x768xf32, #tpu.memory_space<vmem>>, vector<16xf32>,
      tpu.vector_store %arg12[%swap3A_155, %swap3A_156], %add3A_153 {strides = array<i32>} : memref<32x768xf32, #tpu.memory_space<vmem>>, vector<16xf32>,
      %scan3A_158 = arith.constant 0 : i32
      scf.yield %scan3A_158 : i32
    }
    %scan3A_64 = arith.constant 48 : i32
    %scan3A_65 = arith.constant 0 : i32
    %scan3A_66 = arith.constant 0 : i32
    %scan3A_67 = arith.constant 48 : i32
    %scan3A_68 = arith.addi %scan3A_66, %scan3A_67 : i32
    %scan3A_69 = arith.constant 1 : i32
    %scan3A_70 = scf.for %scan3A_133 = %scan3A_66 to %scan3A_68 step %scan3A_69 iter_args(%scan3A_134 = %scan3A_65) -> (i32)  : i32 {
      %mul3A_135 = arith.constant 16 : i32
      %mul3A_136 = arith.muli %scan3A_133, %mul3A_135 : i32
      %get3A_137 = arith.constant 9 : i32
      %get3A_138 = arith.index_cast %get3A_137 : i32 to index
      %get3A_139 = arith.index_cast %mul3A_136 : i32 to index
      %get3A_140 = tpu.vector_load %arg17[%get3A_138, %get3A_139] {strides = array<i32>} : memref<16x768xf32, #tpu.memory_space<vmem>>, vector<16xf32>,
      %get3A_141 = arith.constant 0 : i32
      %get3A_142 = arith.index_cast %get3A_141 : i32 to index
      %get3A_143 = arith.index_cast %mul3A_136 : i32 to index
      %get3A_144 = tpu.vector_load %arg18[%get3A_142, %get3A_143] {strides = array<i32>} : memref<2x768xf32, #tpu.memory_space<vmem>>, vector<16xf32>,
      %add3A_145 = arith.addf %get3A_140, %get3A_144 : vector<16xf32>
      %swap3A = arith.constant 18 : i32
      %swap3A_146 = arith.index_cast %swap3A : i32 to index
      %swap3A_147 = arith.index_cast %mul3A_136 : i32 to index
      %swap3A_148 = tpu.vector_load %arg12[%swap3A_146, %swap3A_147] {strides = array<i32>} : memref<32x768xf32, #tpu.memory_space<vmem>>, vector<16xf32>,
      tpu.vector_store %arg12[%swap3A_146, %swap3A_147], %add3A_145 {strides = array<i32>} : memref<32x768xf32, #tpu.memory_space<vmem>>, vector<16xf32>,
      %get3A_149 = arith.constant 1 : i32
      %get3A_150 = arith.index_cast %get3A_149 : i32 to index
      %get3A_151 = arith.index_cast %mul3A_136 : i32 to index
      %get3A_152 = tpu.vector_load %arg18[%get3A_150, %get3A_151] {strides = array<i32>} : memref<2x768xf32, #tpu.memory_space<vmem>>, vector<16xf32>,
      %add3A_153 = arith.addf %get3A_140, %get3A_152 : vector<16xf32>
      %swap3A_154 = arith.constant 19 : i32
      %swap3A_155 = arith.index_cast %swap3A_154 : i32 to index
      %swap3A_156 = arith.index_cast %mul3A_136 : i32 to index
      %swap3A_157 = tpu.vector_load %arg12[%swap3A_155, %swap3A_156] {strides = array<i32>} : memref<32x768xf32, #tpu.memory_space<vmem>>, vector<16xf32>,
      tpu.vector_store %arg12[%swap3A_155, %swap3A_156], %add3A_153 {strides = array<i32>} : memref<32x768xf32, #tpu.memory_space<vmem>>, vector<16xf32>,
      %scan3A_158 = arith.constant 0 : i32
      scf.yield %scan3A_158 : i32
    }
    %scan3A_71 = arith.constant 48 : i32
    %scan3A_72 = arith.constant 0 : i32
    %scan3A_73 = arith.constant 0 : i32
    %scan3A_74 = arith.constant 48 : i32
    %scan3A_75 = arith.addi %scan3A_73, %scan3A_74 : i32
    %scan3A_76 = arith.constant 1 : i32
    %scan3A_77 = scf.for %scan3A_133 = %scan3A_73 to %scan3A_75 step %scan3A_76 iter_args(%scan3A_134 = %scan3A_72) -> (i32)  : i32 {
      %mul3A_135 = arith.constant 16 : i32
      %mul3A_136 = arith.muli %scan3A_133, %mul3A_135 : i32
      %get3A_137 = arith.constant 10 : i32
      %get3A_138 = arith.index_cast %get3A_137 : i32 to index
      %get3A_139 = arith.index_cast %mul3A_136 : i32 to index
      %get3A_140 = tpu.vector_load %arg17[%get3A_138, %get3A_139] {strides = array<i32>} : memref<16x768xf32, #tpu.memory_space<vmem>>, vector<16xf32>,
      %get3A_141 = arith.constant 0 : i32
      %get3A_142 = arith.index_cast %get3A_141 : i32 to index
      %get3A_143 = arith.index_cast %mul3A_136 : i32 to index
      %get3A_144 = tpu.vector_load %arg18[%get3A_142, %get3A_143] {strides = array<i32>} : memref<2x768xf32, #tpu.memory_space<vmem>>, vector<16xf32>,
      %add3A_145 = arith.addf %get3A_140, %get3A_144 : vector<16xf32>
      %swap3A = arith.constant 20 : i32
      %swap3A_146 = arith.index_cast %swap3A : i32 to index
      %swap3A_147 = arith.index_cast %mul3A_136 : i32 to index
      %swap3A_148 = tpu.vector_load %arg12[%swap3A_146, %swap3A_147] {strides = array<i32>} : memref<32x768xf32, #tpu.memory_space<vmem>>, vector<16xf32>,
      tpu.vector_store %arg12[%swap3A_146, %swap3A_147], %add3A_145 {strides = array<i32>} : memref<32x768xf32, #tpu.memory_space<vmem>>, vector<16xf32>,
      %get3A_149 = arith.constant 1 : i32
      %get3A_150 = arith.index_cast %get3A_149 : i32 to index
      %get3A_151 = arith.index_cast %mul3A_136 : i32 to index
      %get3A_152 = tpu.vector_load %arg18[%get3A_150, %get3A_151] {strides = array<i32>} : memref<2x768xf32, #tpu.memory_space<vmem>>, vector<16xf32>,
      %add3A_153 = arith.addf %get3A_140, %get3A_152 : vector<16xf32>
      %swap3A_154 = arith.constant 21 : i32
      %swap3A_155 = arith.index_cast %swap3A_154 : i32 to index
      %swap3A_156 = arith.index_cast %mul3A_136 : i32 to index
      %swap3A_157 = tpu.vector_load %arg12[%swap3A_155, %swap3A_156] {strides = array<i32>} : memref<32x768xf32, #tpu.memory_space<vmem>>, vector<16xf32>,
      tpu.vector_store %arg12[%swap3A_155, %swap3A_156], %add3A_153 {strides = array<i32>} : memref<32x768xf32, #tpu.memory_space<vmem>>, vector<16xf32>,
      %scan3A_158 = arith.constant 0 : i32
      scf.yield %scan3A_158 : i32
    }
    %scan3A_78 = arith.constant 48 : i32
    %scan3A_79 = arith.constant 0 : i32
    %scan3A_80 = arith.constant 0 : i32
    %scan3A_81 = arith.constant 48 : i32
    %scan3A_82 = arith.addi %scan3A_80, %scan3A_81 : i32
    %scan3A_83 = arith.constant 1 : i32
    %scan3A_84 = scf.for %scan3A_133 = %scan3A_80 to %scan3A_82 step %scan3A_83 iter_args(%scan3A_134 = %scan3A_79) -> (i32)  : i32 {
      %mul3A_135 = arith.constant 16 : i32
      %mul3A_136 = arith.muli %scan3A_133, %mul3A_135 : i32
      %get3A_137 = arith.constant 11 : i32
      %get3A_138 = arith.index_cast %get3A_137 : i32 to index
      %get3A_139 = arith.index_cast %mul3A_136 : i32 to index
      %get3A_140 = tpu.vector_load %arg17[%get3A_138, %get3A_139] {strides = array<i32>} : memref<16x768xf32, #tpu.memory_space<vmem>>, vector<16xf32>,
      %get3A_141 = arith.constant 0 : i32
      %get3A_142 = arith.index_cast %get3A_141 : i32 to index
      %get3A_143 = arith.index_cast %mul3A_136 : i32 to index
      %get3A_144 = tpu.vector_load %arg18[%get3A_142, %get3A_143] {strides = array<i32>} : memref<2x768xf32, #tpu.memory_space<vmem>>, vector<16xf32>,
      %add3A_145 = arith.addf %get3A_140, %get3A_144 : vector<16xf32>
      %swap3A = arith.constant 22 : i32
      %swap3A_146 = arith.index_cast %swap3A : i32 to index
      %swap3A_147 = arith.index_cast %mul3A_136 : i32 to index
      %swap3A_148 = tpu.vector_load %arg12[%swap3A_146, %swap3A_147] {strides = array<i32>} : memref<32x768xf32, #tpu.memory_space<vmem>>, vector<16xf32>,
      tpu.vector_store %arg12[%swap3A_146, %swap3A_147], %add3A_145 {strides = array<i32>} : memref<32x768xf32, #tpu.memory_space<vmem>>, vector<16xf32>,
      %get3A_149 = arith.constant 1 : i32
      %get3A_150 = arith.index_cast %get3A_149 : i32 to index
      %get3A_151 = arith.index_cast %mul3A_136 : i32 to index
      %get3A_152 = tpu.vector_load %arg18[%get3A_150, %get3A_151] {strides = array<i32>} : memref<2x768xf32, #tpu.memory_space<vmem>>, vector<16xf32>,
      %add3A_153 = arith.addf %get3A_140, %get3A_152 : vector<16xf32>
      %swap3A_154 = arith.constant 23 : i32
      %swap3A_155 = arith.index_cast %swap3A_154 : i32 to index
      %swap3A_156 = arith.index_cast %mul3A_136 : i32 to index
      %swap3A_157 = tpu.vector_load %arg12[%swap3A_155, %swap3A_156] {strides = array<i32>} : memref<32x768xf32, #tpu.memory_space<vmem>>, vector<16xf32>,
      tpu.vector_store %arg12[%swap3A_155, %swap3A_156], %add3A_153 {strides = array<i32>} : memref<32x768xf32, #tpu.memory_space<vmem>>, vector<16xf32>,
      %scan3A_158 = arith.constant 0 : i32
      scf.yield %scan3A_158 : i32
    }
    %scan3A_85 = arith.constant 48 : i32
    %scan3A_86 = arith.constant 0 : i32
    %scan3A_87 = arith.constant 0 : i32
    %scan3A_88 = arith.constant 48 : i32
    %scan3A_89 = arith.addi %scan3A_87, %scan3A_88 : i32
    %scan3A_90 = arith.constant 1 : i32
    %scan3A_91 = scf.for %scan3A_133 = %scan3A_87 to %scan3A_89 step %scan3A_90 iter_args(%scan3A_134 = %scan3A_86) -> (i32)  : i32 {
      %mul3A_135 = arith.constant 16 : i32
      %mul3A_136 = arith.muli %scan3A_133, %mul3A_135 : i32
      %get3A_137 = arith.constant 12 : i32
      %get3A_138 = arith.index_cast %get3A_137 : i32 to index
      %get3A_139 = arith.index_cast %mul3A_136 : i32 to index
      %get3A_140 = tpu.vector_load %arg17[%get3A_138, %get3A_139] {strides = array<i32>} : memref<16x768xf32, #tpu.memory_space<vmem>>, vector<16xf32>,
      %get3A_141 = arith.constant 0 : i32
      %get3A_142 = arith.index_cast %get3A_141 : i32 to index
      %get3A_143 = arith.index_cast %mul3A_136 : i32 to index
      %get3A_144 = tpu.vector_load %arg18[%get3A_142, %get3A_143] {strides = array<i32>} : memref<2x768xf32, #tpu.memory_space<vmem>>, vector<16xf32>,
      %add3A_145 = arith.addf %get3A_140, %get3A_144 : vector<16xf32>
      %swap3A = arith.constant 24 : i32
      %swap3A_146 = arith.index_cast %swap3A : i32 to index
      %swap3A_147 = arith.index_cast %mul3A_136 : i32 to index
      %swap3A_148 = tpu.vector_load %arg12[%swap3A_146, %swap3A_147] {strides = array<i32>} : memref<32x768xf32, #tpu.memory_space<vmem>>, vector<16xf32>,
      tpu.vector_store %arg12[%swap3A_146, %swap3A_147], %add3A_145 {strides = array<i32>} : memref<32x768xf32, #tpu.memory_space<vmem>>, vector<16xf32>,
      %get3A_149 = arith.constant 1 : i32
      %get3A_150 = arith.index_cast %get3A_149 : i32 to index
      %get3A_151 = arith.index_cast %mul3A_136 : i32 to index
      %get3A_152 = tpu.vector_load %arg18[%get3A_150, %get3A_151] {strides = array<i32>} : memref<2x768xf32, #tpu.memory_space<vmem>>, vector<16xf32>,
      %add3A_153 = arith.addf %get3A_140, %get3A_152 : vector<16xf32>
      %swap3A_154 = arith.constant 25 : i32
      %swap3A_155 = arith.index_cast %swap3A_154 : i32 to index
      %swap3A_156 = arith.index_cast %mul3A_136 : i32 to index
      %swap3A_157 = tpu.vector_load %arg12[%swap3A_155, %swap3A_156] {strides = array<i32>} : memref<32x768xf32, #tpu.memory_space<vmem>>, vector<16xf32>,
      tpu.vector_store %arg12[%swap3A_155, %swap3A_156], %add3A_153 {strides = array<i32>} : memref<32x768xf32, #tpu.memory_space<vmem>>, vector<16xf32>,
      %scan3A_158 = arith.constant 0 : i32
      scf.yield %scan3A_158 : i32
    }
    %scan3A_92 = arith.constant 48 : i32
    %scan3A_93 = arith.constant 0 : i32
    %scan3A_94 = arith.constant 0 : i32
    %scan3A_95 = arith.constant 48 : i32
    %scan3A_96 = arith.addi %scan3A_94, %scan3A_95 : i32
    %scan3A_97 = arith.constant 1 : i32
    %scan3A_98 = scf.for %scan3A_133 = %scan3A_94 to %scan3A_96 step %scan3A_97 iter_args(%scan3A_134 = %scan3A_93) -> (i32)  : i32 {
      %mul3A_135 = arith.constant 16 : i32
      %mul3A_136 = arith.muli %scan3A_133, %mul3A_135 : i32
      %get3A_137 = arith.constant 13 : i32
      %get3A_138 = arith.index_cast %get3A_137 : i32 to index
      %get3A_139 = arith.index_cast %mul3A_136 : i32 to index
      %get3A_140 = tpu.vector_load %arg17[%get3A_138, %get3A_139] {strides = array<i32>} : memref<16x768xf32, #tpu.memory_space<vmem>>, vector<16xf32>,
      %get3A_141 = arith.constant 0 : i32
      %get3A_142 = arith.index_cast %get3A_141 : i32 to index
      %get3A_143 = arith.index_cast %mul3A_136 : i32 to index
      %get3A_144 = tpu.vector_load %arg18[%get3A_142, %get3A_143] {strides = array<i32>} : memref<2x768xf32, #tpu.memory_space<vmem>>, vector<16xf32>,
      %add3A_145 = arith.addf %get3A_140, %get3A_144 : vector<16xf32>
      %swap3A = arith.constant 26 : i32
      %swap3A_146 = arith.index_cast %swap3A : i32 to index
      %swap3A_147 = arith.index_cast %mul3A_136 : i32 to index
      %swap3A_148 = tpu.vector_load %arg12[%swap3A_146, %swap3A_147] {strides = array<i32>} : memref<32x768xf32, #tpu.memory_space<vmem>>, vector<16xf32>,
      tpu.vector_store %arg12[%swap3A_146, %swap3A_147], %add3A_145 {strides = array<i32>} : memref<32x768xf32, #tpu.memory_space<vmem>>, vector<16xf32>,
      %get3A_149 = arith.constant 1 : i32
      %get3A_150 = arith.index_cast %get3A_149 : i32 to index
      %get3A_151 = arith.index_cast %mul3A_136 : i32 to index
      %get3A_152 = tpu.vector_load %arg18[%get3A_150, %get3A_151] {strides = array<i32>} : memref<2x768xf32, #tpu.memory_space<vmem>>, vector<16xf32>,
      %add3A_153 = arith.addf %get3A_140, %get3A_152 : vector<16xf32>
      %swap3A_154 = arith.constant 27 : i32
      %swap3A_155 = arith.index_cast %swap3A_154 : i32 to index
      %swap3A_156 = arith.index_cast %mul3A_136 : i32 to index
      %swap3A_157 = tpu.vector_load %arg12[%swap3A_155, %swap3A_156] {strides = array<i32>} : memref<32x768xf32, #tpu.memory_space<vmem>>, vector<16xf32>,
      tpu.vector_store %arg12[%swap3A_155, %swap3A_156], %add3A_153 {strides = array<i32>} : memref<32x768xf32, #tpu.memory_space<vmem>>, vector<16xf32>,
      %scan3A_158 = arith.constant 0 : i32
      scf.yield %scan3A_158 : i32
    }
    %scan3A_99 = arith.constant 48 : i32
    %scan3A_100 = arith.constant 0 : i32
    %scan3A_101 = arith.constant 0 : i32
    %scan3A_102 = arith.constant 48 : i32
    %scan3A_103 = arith.addi %scan3A_101, %scan3A_102 : i32
    %scan3A_104 = arith.constant 1 : i32
    %scan3A_105 = scf.for %scan3A_133 = %scan3A_101 to %scan3A_103 step %scan3A_104 iter_args(%scan3A_134 = %scan3A_100) -> (i32)  : i32 {
      %mul3A_135 = arith.constant 16 : i32
      %mul3A_136 = arith.muli %scan3A_133, %mul3A_135 : i32
      %get3A_137 = arith.constant 14 : i32
      %get3A_138 = arith.index_cast %get3A_137 : i32 to index
      %get3A_139 = arith.index_cast %mul3A_136 : i32 to index
      %get3A_140 = tpu.vector_load %arg17[%get3A_138, %get3A_139] {strides = array<i32>} : memref<16x768xf32, #tpu.memory_space<vmem>>, vector<16xf32>,
      %get3A_141 = arith.constant 0 : i32
      %get3A_142 = arith.index_cast %get3A_141 : i32 to index
      %get3A_143 = arith.index_cast %mul3A_136 : i32 to index
      %get3A_144 = tpu.vector_load %arg18[%get3A_142, %get3A_143] {strides = array<i32>} : memref<2x768xf32, #tpu.memory_space<vmem>>, vector<16xf32>,
      %add3A_145 = arith.addf %get3A_140, %get3A_144 : vector<16xf32>
      %swap3A = arith.constant 28 : i32
      %swap3A_146 = arith.index_cast %swap3A : i32 to index
      %swap3A_147 = arith.index_cast %mul3A_136 : i32 to index
      %swap3A_148 = tpu.vector_load %arg12[%swap3A_146, %swap3A_147] {strides = array<i32>} : memref<32x768xf32, #tpu.memory_space<vmem>>, vector<16xf32>,
      tpu.vector_store %arg12[%swap3A_146, %swap3A_147], %add3A_145 {strides = array<i32>} : memref<32x768xf32, #tpu.memory_space<vmem>>, vector<16xf32>,
      %get3A_149 = arith.constant 1 : i32
      %get3A_150 = arith.index_cast %get3A_149 : i32 to index
      %get3A_151 = arith.index_cast %mul3A_136 : i32 to index
      %get3A_152 = tpu.vector_load %arg18[%get3A_150, %get3A_151] {strides = array<i32>} : memref<2x768xf32, #tpu.memory_space<vmem>>, vector<16xf32>,
      %add3A_153 = arith.addf %get3A_140, %get3A_152 : vector<16xf32>
      %swap3A_154 = arith.constant 29 : i32
      %swap3A_155 = arith.index_cast %swap3A_154 : i32 to index
      %swap3A_156 = arith.index_cast %mul3A_136 : i32 to index
      %swap3A_157 = tpu.vector_load %arg12[%swap3A_155, %swap3A_156] {strides = array<i32>} : memref<32x768xf32, #tpu.memory_space<vmem>>, vector<16xf32>,
      tpu.vector_store %arg12[%swap3A_155, %swap3A_156], %add3A_153 {strides = array<i32>} : memref<32x768xf32, #tpu.memory_space<vmem>>, vector<16xf32>,
      %scan3A_158 = arith.constant 0 : i32
      scf.yield %scan3A_158 : i32
    }
    %scan3A_106 = arith.constant 48 : i32
    %scan3A_107 = arith.constant 0 : i32
    %scan3A_108 = arith.constant 0 : i32
    %scan3A_109 = arith.constant 48 : i32
    %scan3A_110 = arith.addi %scan3A_108, %scan3A_109 : i32
    %scan3A_111 = arith.constant 1 : i32
    %scan3A_112 = scf.for %scan3A_133 = %scan3A_108 to %scan3A_110 step %scan3A_111 iter_args(%scan3A_134 = %scan3A_107) -> (i32)  : i32 {
      %mul3A_135 = arith.constant 16 : i32
      %mul3A_136 = arith.muli %scan3A_133, %mul3A_135 : i32
      %get3A_137 = arith.constant 15 : i32
      %get3A_138 = arith.index_cast %get3A_137 : i32 to index
      %get3A_139 = arith.index_cast %mul3A_136 : i32 to index
      %get3A_140 = tpu.vector_load %arg17[%get3A_138, %get3A_139] {strides = array<i32>} : memref<16x768xf32, #tpu.memory_space<vmem>>, vector<16xf32>,
      %get3A_141 = arith.constant 0 : i32
      %get3A_142 = arith.index_cast %get3A_141 : i32 to index
      %get3A_143 = arith.index_cast %mul3A_136 : i32 to index
      %get3A_144 = tpu.vector_load %arg18[%get3A_142, %get3A_143] {strides = array<i32>} : memref<2x768xf32, #tpu.memory_space<vmem>>, vector<16xf32>,
      %add3A_145 = arith.addf %get3A_140, %get3A_144 : vector<16xf32>
      %swap3A = arith.constant 30 : i32
      %swap3A_146 = arith.index_cast %swap3A : i32 to index
      %swap3A_147 = arith.index_cast %mul3A_136 : i32 to index
      %swap3A_148 = tpu.vector_load %arg12[%swap3A_146, %swap3A_147] {strides = array<i32>} : memref<32x768xf32, #tpu.memory_space<vmem>>, vector<16xf32>,
      tpu.vector_store %arg12[%swap3A_146, %swap3A_147], %add3A_145 {strides = array<i32>} : memref<32x768xf32, #tpu.memory_space<vmem>>, vector<16xf32>,
      %get3A_149 = arith.constant 1 : i32
      %get3A_150 = arith.index_cast %get3A_149 : i32 to index
      %get3A_151 = arith.index_cast %mul3A_136 : i32 to index
      %get3A_152 = tpu.vector_load %arg18[%get3A_150, %get3A_151] {strides = array<i32>} : memref<2x768xf32, #tpu.memory_space<vmem>>, vector<16xf32>,
      %add3A_153 = arith.addf %get3A_140, %get3A_152 : vector<16xf32>
      %swap3A_154 = arith.constant 31 : i32
      %swap3A_155 = arith.index_cast %swap3A_154 : i32 to index
      %swap3A_156 = arith.index_cast %mul3A_136 : i32 to index
      %swap3A_157 = tpu.vector_load %arg12[%swap3A_155, %swap3A_156] {strides = array<i32>} : memref<32x768xf32, #tpu.memory_space<vmem>>, vector<16xf32>,
      tpu.vector_store %arg12[%swap3A_155, %swap3A_156], %add3A_153 {strides = array<i32>} : memref<32x768xf32, #tpu.memory_space<vmem>>, vector<16xf32>,
      %scan3A_158 = arith.constant 0 : i32
      scf.yield %scan3A_158 : i32
    }
    %scan3A_113 = arith.constant 48 : i32
    %iota3A = tpu.iota {dimensions = array<i32: 0>} : vector<16xi32>
    %broadcast_in_dim3A = arith.constant 0.000000e+00 : f32
    %broadcast_in_dim3A_114 = vector.broadcast %broadcast_in_dim3A : f32 to vector<16xf32>
    %get3A = arith.constant 0 : index
    %get3A_115 = tpu.vector_load %arg10[%get3A] {strides = array<i32>} : memref<2048xi32, #tpu.memory_space<vmem>>, vector<16xi32>,
    %dma_start3A = arith.constant 0 : i32
    %dma_start3A_116 = arith.constant 0 : i32
    %dma_start3A_117 = tpu.memref_slice %arg4[%dma_start3A, %dma_start3A_116] : memref<30528x768xf32, #tpu.memory_space<hbm>> -> memref<30528x768xf32, #tpu.memory_space<hbm>>
    tpu.enqueue_indirect_dma source(%dma_start3A_117 : memref<30528x768xf32, #tpu.memory_space<hbm>>) target(%arg13 : memref<16x768xf32, #tpu.memory_space<vmem>>) offsets(%get3A_115 : vector<16xi32>) semaphore(%arg23 : memref<!tpu.dma_semaphore, #tpu.memory_space<semaphore_mem>>)
    %scan3A_118 = arith.constant 0.00130208337 : f32
    %scan3A_119 = arith.constant 0 : i32
    %scan3A_120 = arith.constant 0 : i32
    %scan3A_121 = arith.constant 64 : i32
    %scan3A_122 = arith.addi %scan3A_120, %scan3A_121 : i32
    %scan3A_123 = arith.constant 1 : i32
    %scan3A_124 = scf.for %scan3A_133 = %scan3A_120 to %scan3A_122 step %scan3A_123 iter_args(%scan3A_134 = %scan3A_119) -> (i32)  : i32 {
      %mul3A_135 = arith.constant 2 : i32
      %mul3A_136 = arith.muli %scan3A_133, %mul3A_135 : i32
      %add3A_137 = arith.constant 0 : i32
      %add3A_138 = arith.addi %mul3A_136, %add3A_137 : i32
      %add3A_139 = arith.constant 1 : i32
      %add3A_140 = arith.addi %add3A_138, %add3A_139 : i32
      %lt3A = arith.constant 128 : i32
      %lt3A_141 = arith.cmpi slt, %add3A_140, %lt3A : i32
      %convert_element_type3A = arith.extui %lt3A_141 : i1 to i32
      %cond3A = arith.constant 0 : i32
      %cond3A_142 = arith.cmpi ne, %convert_element_type3A, %cond3A : i32
      scf.if %cond3A_142 {
        %add3A_1220 = arith.constant 1 : i32
        %add3A_1221 = arith.addi %add3A_138, %add3A_1220 : i32
        %mul3A_1222 = arith.constant 16 : i32
        %mul3A_1223 = arith.muli %add3A_1221, %mul3A_1222 : i32
        %get3A_1224 = arith.index_cast %mul3A_1223 : i32 to index
        %get3A_1225 = tpu.vector_load %arg10[%get3A_1224] {strides = array<i32>} : memref<2048xi32, #tpu.memory_space<vmem>>, vector<16xi32>,
        %dma_start3A_1226 = arith.constant 0 : i32
        %dma_start3A_1227 = arith.constant 0 : i32
        %dma_start3A_1228 = tpu.memref_slice %arg4[%dma_start3A_1226, %dma_start3A_1227] : memref<30528x768xf32, #tpu.memory_space<hbm>> -> memref<30528x768xf32, #tpu.memory_space<hbm>>
        tpu.enqueue_indirect_dma source(%dma_start3A_1228 : memref<30528x768xf32, #tpu.memory_space<hbm>>) target(%arg14 : memref<16x768xf32, #tpu.memory_space<vmem>>) offsets(%get3A_1225 : vector<16xi32>) semaphore(%arg24 : memref<!tpu.dma_semaphore, #tpu.memory_space<semaphore_mem>>)
      } else {
      }
      %broadcast_in_dim3A_143 = arith.constant 0 : i32
      %broadcast_in_dim3A_144 = vector.broadcast %broadcast_in_dim3A_143 : i32 to vector<16xi32>
      %dma_wait3A_145 = arith.constant 0 : i32
      %dma_wait3A_146 = arith.constant 0 : i32
      %dma_wait3A_147 = tpu.memref_slice %arg4[%dma_wait3A_145, %dma_wait3A_146] : memref<30528x768xf32, #tpu.memory_space<hbm>> -> memref<30528x768xf32, #tpu.memory_space<hbm>>
      tpu.wait_indirect_dma semaphore(%arg23 : memref<!tpu.dma_semaphore, #tpu.memory_space<semaphore_mem>>) src(%dma_wait3A_147 : memref<30528x768xf32, #tpu.memory_space<hbm>>) dst(%arg13 : memref<16x768xf32, #tpu.memory_space<vmem>>)
      %ge3A = arith.constant 2 : i32
      %ge3A_148 = arith.cmpi sge, %add3A_138, %ge3A : i32
      %convert_element_type3A_149 = arith.extui %ge3A_148 : i1 to i32
      %cond3A_150 = arith.constant 0 : i32
      %cond3A_151 = arith.cmpi ne, %convert_element_type3A_149, %cond3A_150 : i32
      scf.if %cond3A_151 {
        %dma_wait3A_1220 = arith.constant 0 : i32
        %dma_wait3A_1221 = tpu.memref_slice %arg9[%mul3A_2, %dma_wait3A_1220] : memref<65536x768xf32, #tpu.memory_space<hbm>> -> memref<16x768xf32, #tpu.memory_space<hbm>>
        %dma_wait3A_1222 = arith.constant 0 : i32
        %dma_wait3A_1223 = tpu.memref_slice %arg9[%mul3A_2, %dma_wait3A_1222] : memref<65536x768xf32, #tpu.memory_space<hbm>> -> memref<16x768xf32, #tpu.memory_space<hbm>>
        tpu.wait_dma2 semaphore(%arg25 : memref<!tpu.dma_semaphore, #tpu.memory_space<semaphore_mem>>) src(%arg15 : memref<16x768xf32, #tpu.memory_space<vmem>>) dst(%dma_wait3A_1223 : memref<16x768xf32, #tpu.memory_space<hbm>>)
      } else {
      }
      %scan3A_152 = arith.constant 0 : i32
      %scan3A_153 = arith.constant 0 : i32
      %scan3A_154 = arith.constant 16 : i32
      %scan3A_155 = arith.addi %scan3A_153, %scan3A_154 : i32
      %scan3A_156 = arith.constant 1 : i32
      %scan3A_157 = scf.for %scan3A_1220 = %scan3A_153 to %scan3A_155 step %scan3A_156 iter_args(%scan3A_1221 = %scan3A_152) -> (i32)  : i32 {
        %mul3A_1222 = arith.constant 16 : i32
        %mul3A_1223 = arith.muli %add3A_138, %mul3A_1222 : i32
        %add3A_1224 = arith.addi %mul3A_1223, %scan3A_1220 : i32
        %broadcast_in_dim3A_1225 = vector.broadcast %add3A_1224 : i32 to vector<16xi32>
        %gather3A_1226 = tpu.vector_load_idx %arg11[%broadcast_in_dim3A_1225] : memref<2048xi32, #tpu.memory_space<vmem>>[vector<16xi32>], vector<16xi32>,
        %slice3A = vector.extract_strided_slice %gather3A_1226 {offsets = [0], sizes = [1], strides = [1]} : vector<16xi32> to vector<1xi32>
        %squeeze3A = vector.extract %slice3A[0] : i32 from vector<1xi32>
        %mul3A_1227 = arith.constant 2 : i32
        %mul3A_1228 = arith.muli %mul3A_1227, %scan3A_1220 : i32
        %add3A_1229 = arith.addi %mul3A_1228, %squeeze3A : i32
        %parallel_loop3A = arith.constant 0 : i32
        %parallel_loop3A_1230 = arith.constant 48 : i32
        %parallel_loop3A_1231 = arith.constant 1 : i32
        %parallel_loop3A_1232:2 = scf.for %parallel_loop3A_1239 = %parallel_loop3A to %parallel_loop3A_1230 step %parallel_loop3A_1231 iter_args(%parallel_loop3A_1240 = %broadcast_in_dim3A_114, %parallel_loop3A_1241 = %broadcast_in_dim3A_114) -> (vector<16xf32>, vector<16xf32>)  : i32 {
          %parallel_loop3A_1242 = arith.constant 16 : i32
          %parallel_loop3A_1243 = arith.muli %parallel_loop3A_1239, %parallel_loop3A_1242 : i32
          %parallel_loop3A_1244 = arith.index_cast %scan3A_1220 : i32 to index
          %parallel_loop3A_1245 = arith.index_cast %parallel_loop3A_1243 : i32 to index
          %parallel_loop3A_1246 = tpu.vector_load %arg13[%parallel_loop3A_1244, %parallel_loop3A_1245] {strides = array<i32>} : memref<16x768xf32, #tpu.memory_space<vmem>>, vector<16xf32>,
          %parallel_loop3A_1247 = arith.index_cast %add3A_1229 : i32 to index
          %parallel_loop3A_1248 = arith.index_cast %parallel_loop3A_1243 : i32 to index
          %parallel_loop3A_1249 = tpu.vector_load %arg12[%parallel_loop3A_1247, %parallel_loop3A_1248] {strides = array<i32>} : memref<32x768xf32, #tpu.memory_space<vmem>>, vector<16xf32>,
          %parallel_loop3A_1250 = arith.addf %parallel_loop3A_1246, %parallel_loop3A_1249 : vector<16xf32>
          %parallel_loop3A_1251 = arith.index_cast %scan3A_1220 : i32 to index
          %parallel_loop3A_1252 = arith.index_cast %parallel_loop3A_1243 : i32 to index
          %parallel_loop3A_1253 = tpu.vector_load %arg15[%parallel_loop3A_1251, %parallel_loop3A_1252] {strides = array<i32>} : memref<16x768xf32, #tpu.memory_space<vmem>>, vector<16xf32>,
          tpu.vector_store %arg15[%parallel_loop3A_1251, %parallel_loop3A_1252], %parallel_loop3A_1250 {strides = array<i32>} : memref<16x768xf32, #tpu.memory_space<vmem>>, vector<16xf32>,
          %parallel_loop3A_1254 = arith.addf %parallel_loop3A_1240, %parallel_loop3A_1250 : vector<16xf32>
          %parallel_loop3A_1255 = arith.mulf %parallel_loop3A_1250, %parallel_loop3A_1250 : vector<16xf32>
          %parallel_loop3A_1256 = arith.addf %parallel_loop3A_1241, %parallel_loop3A_1255 : vector<16xf32>
          scf.yield %parallel_loop3A_1254, %parallel_loop3A_1256 : vector<16xf32>, vector<16xf32>
        } {sc.loop_unroll_factor = 8 : i64, sc.parallel_access}
        %swap3A = arith.index_cast %scan3A_1220 : i32 to index
        %swap3A_1233 = arith.constant 0 : index
        %swap3A_1234 = tpu.vector_load %arg21[%swap3A, %swap3A_1233] {strides = array<i32>} : memref<16x17xf32, #tpu.memory_space<vmem>>, vector<16xf32>,
        tpu.vector_store %arg21[%swap3A, %swap3A_1233], %parallel_loop3A_1232#0 {strides = array<i32>} : memref<16x17xf32, #tpu.memory_space<vmem>>, vector<16xf32>,
        %swap3A_1235 = arith.index_cast %scan3A_1220 : i32 to index
        %swap3A_1236 = arith.constant 0 : index
        %swap3A_1237 = tpu.vector_load %arg22[%swap3A_1235, %swap3A_1236] {strides = array<i32>} : memref<16x17xf32, #tpu.memory_space<vmem>>, vector<16xf32>,
        tpu.vector_store %arg22[%swap3A_1235, %swap3A_1236], %parallel_loop3A_1232#1 {strides = array<i32>} : memref<16x17xf32, #tpu.memory_space<vmem>>, vector<16xf32>,
        %scan3A_1238 = arith.constant 0 : i32
        scf.yield %scan3A_1238 : i32
      }
      %scan3A_158 = arith.constant 16 : i32
      %get3A_159 = arith.constant 0 : i32
      %get3A_160 = arith.index_cast %get3A_159 : i32 to index
      %get3A_161 = arith.constant 0 : index
      %get3A_162 = tpu.vector_load %arg21[%get3A_160, %get3A_161] {strides = array<i32>} : memref<16x17xf32, #tpu.memory_space<vmem>>, vector<16xf32>,
      %get3A_163 = arith.constant 1 : i32
      %get3A_164 = arith.index_cast %get3A_163 : i32 to index
      %get3A_165 = arith.constant 0 : index
      %get3A_166 = tpu.vector_load %arg21[%get3A_164, %get3A_165] {strides = array<i32>} : memref<16x17xf32, #tpu.memory_space<vmem>>, vector<16xf32>,
      %get3A_167 = arith.constant 2 : i32
      %get3A_168 = arith.index_cast %get3A_167 : i32 to index
      %get3A_169 = arith.constant 0 : index
      %get3A_170 = tpu.vector_load %arg21[%get3A_168, %get3A_169] {strides = array<i32>} : memref<16x17xf32, #tpu.memory_space<vmem>>, vector<16xf32>,
      %get3A_171 = arith.constant 3 : i32
      %get3A_172 = arith.index_cast %get3A_171 : i32 to index
      %get3A_173 = arith.constant 0 : index
      %get3A_174 = tpu.vector_load %arg21[%get3A_172, %get3A_173] {strides = array<i32>} : memref<16x17xf32, #tpu.memory_space<vmem>>, vector<16xf32>,
      %get3A_175 = arith.constant 4 : i32
      %get3A_176 = arith.index_cast %get3A_175 : i32 to index
      %get3A_177 = arith.constant 0 : index
      %get3A_178 = tpu.vector_load %arg21[%get3A_176, %get3A_177] {strides = array<i32>} : memref<16x17xf32, #tpu.memory_space<vmem>>, vector<16xf32>,
      %get3A_179 = arith.constant 5 : i32
      %get3A_180 = arith.index_cast %get3A_179 : i32 to index
      %get3A_181 = arith.constant 0 : index
      %get3A_182 = tpu.vector_load %arg21[%get3A_180, %get3A_181] {strides = array<i32>} : memref<16x17xf32, #tpu.memory_space<vmem>>, vector<16xf32>,
      %get3A_183 = arith.constant 6 : i32
      %get3A_184 = arith.index_cast %get3A_183 : i32 to index
      %get3A_185 = arith.constant 0 : index
      %get3A_186 = tpu.vector_load %arg21[%get3A_184, %get3A_185] {strides = array<i32>} : memref<16x17xf32, #tpu.memory_space<vmem>>, vector<16xf32>,
      %get3A_187 = arith.constant 7 : i32
      %get3A_188 = arith.index_cast %get3A_187 : i32 to index
      %get3A_189 = arith.constant 0 : index
      %get3A_190 = tpu.vector_load %arg21[%get3A_188, %get3A_189] {strides = array<i32>} : memref<16x17xf32, #tpu.memory_space<vmem>>, vector<16xf32>,
      %get3A_191 = arith.constant 8 : i32
      %get3A_192 = arith.index_cast %get3A_191 : i32 to index
      %get3A_193 = arith.constant 0 : index
      %get3A_194 = tpu.vector_load %arg21[%get3A_192, %get3A_193] {strides = array<i32>} : memref<16x17xf32, #tpu.memory_space<vmem>>, vector<16xf32>,
      %get3A_195 = arith.constant 9 : i32
      %get3A_196 = arith.index_cast %get3A_195 : i32 to index
      %get3A_197 = arith.constant 0 : index
      %get3A_198 = tpu.vector_load %arg21[%get3A_196, %get3A_197] {strides = array<i32>} : memref<16x17xf32, #tpu.memory_space<vmem>>, vector<16xf32>,
      %get3A_199 = arith.constant 10 : i32
      %get3A_200 = arith.index_cast %get3A_199 : i32 to index
      %get3A_201 = arith.constant 0 : index
      %get3A_202 = tpu.vector_load %arg21[%get3A_200, %get3A_201] {strides = array<i32>} : memref<16x17xf32, #tpu.memory_space<vmem>>, vector<16xf32>,
      %get3A_203 = arith.constant 11 : i32
      %get3A_204 = arith.index_cast %get3A_203 : i32 to index
      %get3A_205 = arith.constant 0 : index
      %get3A_206 = tpu.vector_load %arg21[%get3A_204, %get3A_205] {strides = array<i32>} : memref<16x17xf32, #tpu.memory_space<vmem>>, vector<16xf32>,
      %get3A_207 = arith.constant 12 : i32
      %get3A_208 = arith.index_cast %get3A_207 : i32 to index
      %get3A_209 = arith.constant 0 : index
      %get3A_210 = tpu.vector_load %arg21[%get3A_208, %get3A_209] {strides = array<i32>} : memref<16x17xf32, #tpu.memory_space<vmem>>, vector<16xf32>,
      %get3A_211 = arith.constant 13 : i32
      %get3A_212 = arith.index_cast %get3A_211 : i32 to index
      %get3A_213 = arith.constant 0 : index
      %get3A_214 = tpu.vector_load %arg21[%get3A_212, %get3A_213] {strides = array<i32>} : memref<16x17xf32, #tpu.memory_space<vmem>>, vector<16xf32>,
      %get3A_215 = arith.constant 14 : i32
      %get3A_216 = arith.index_cast %get3A_215 : i32 to index
      %get3A_217 = arith.constant 0 : index
      %get3A_218 = tpu.vector_load %arg21[%get3A_216, %get3A_217] {strides = array<i32>} : memref<16x17xf32, #tpu.memory_space<vmem>>, vector<16xf32>,
      %get3A_219 = arith.constant 15 : i32
      %get3A_220 = arith.index_cast %get3A_219 : i32 to index
      %get3A_221 = arith.constant 0 : index
      %get3A_222 = tpu.vector_load %arg21[%get3A_220, %get3A_221] {strides = array<i32>} : memref<16x17xf32, #tpu.memory_space<vmem>>, vector<16xf32>,
      %xor3A = arith.constant 1 : i32
      %xor3A_223 = vector.broadcast %xor3A : i32 to vector<16xi32>
      %xor3A_224 = arith.xori %iota3A, %xor3A_223 : vector<16xi32>
      %and3A = arith.constant 1 : i32
      %and3A_225 = vector.broadcast %and3A : i32 to vector<16xi32>
      %and3A_226 = arith.andi %iota3A, %and3A_225 : vector<16xi32>
      %eq3A = arith.constant 0 : i32
      %eq3A_227 = vector.broadcast %eq3A : i32 to vector<16xi32>
      %eq3A_228 = arith.cmpi eq, %and3A_226, %eq3A_227 : vector<16xi32>
      %broadcast_in_dim3A_229 = vector.shape_cast %xor3A_224 : vector<16xi32> to vector<16x1xi32>
      %gather3A = vector.shape_cast %broadcast_in_dim3A_229 : vector<16x1xi32> to vector<16xi32>
      %gather3A_230 = tpu.dynamic_gather %get3A_162[%gather3A] in [0] : vector<16xf32>, vector<16xi32> -> vector<16xf32>
      %add3A_231 = arith.addf %get3A_162, %gather3A_230 : vector<16xf32>
      %broadcast_in_dim3A_232 = vector.shape_cast %xor3A_224 : vector<16xi32> to vector<16x1xi32>
      %gather3A_233 = vector.shape_cast %broadcast_in_dim3A_232 : vector<16x1xi32> to vector<16xi32>
      %gather3A_234 = tpu.dynamic_gather %get3A_166[%gather3A_233] in [0] : vector<16xf32>, vector<16xi32> -> vector<16xf32>
      %add3A_235 = arith.addf %get3A_166, %gather3A_234 : vector<16xf32>
      %select_n3A = arith.select %eq3A_228, %add3A_231, %add3A_235 : vector<16xi1>, vector<16xf32>
      %broadcast_in_dim3A_236 = vector.shape_cast %xor3A_224 : vector<16xi32> to vector<16x1xi32>
      %gather3A_237 = vector.shape_cast %broadcast_in_dim3A_236 : vector<16x1xi32> to vector<16xi32>
      %gather3A_238 = tpu.dynamic_gather %get3A_170[%gather3A_237] in [0] : vector<16xf32>, vector<16xi32> -> vector<16xf32>
      %add3A_239 = arith.addf %get3A_170, %gather3A_238 : vector<16xf32>
      %broadcast_in_dim3A_240 = vector.shape_cast %xor3A_224 : vector<16xi32> to vector<16x1xi32>
      %gather3A_241 = vector.shape_cast %broadcast_in_dim3A_240 : vector<16x1xi32> to vector<16xi32>
      %gather3A_242 = tpu.dynamic_gather %get3A_174[%gather3A_241] in [0] : vector<16xf32>, vector<16xi32> -> vector<16xf32>
      %add3A_243 = arith.addf %get3A_174, %gather3A_242 : vector<16xf32>
      %select_n3A_244 = arith.select %eq3A_228, %add3A_239, %add3A_243 : vector<16xi1>, vector<16xf32>
      %broadcast_in_dim3A_245 = vector.shape_cast %xor3A_224 : vector<16xi32> to vector<16x1xi32>
      %gather3A_246 = vector.shape_cast %broadcast_in_dim3A_245 : vector<16x1xi32> to vector<16xi32>
      %gather3A_247 = tpu.dynamic_gather %get3A_178[%gather3A_246] in [0] : vector<16xf32>, vector<16xi32> -> vector<16xf32>
      %add3A_248 = arith.addf %get3A_178, %gather3A_247 : vector<16xf32>
      %broadcast_in_dim3A_249 = vector.shape_cast %xor3A_224 : vector<16xi32> to vector<16x1xi32>
      %gather3A_250 = vector.shape_cast %broadcast_in_dim3A_249 : vector<16x1xi32> to vector<16xi32>
      %gather3A_251 = tpu.dynamic_gather %get3A_182[%gather3A_250] in [0] : vector<16xf32>, vector<16xi32> -> vector<16xf32>
      %add3A_252 = arith.addf %get3A_182, %gather3A_251 : vector<16xf32>
      %select_n3A_253 = arith.select %eq3A_228, %add3A_248, %add3A_252 : vector<16xi1>, vector<16xf32>
      %broadcast_in_dim3A_254 = vector.shape_cast %xor3A_224 : vector<16xi32> to vector<16x1xi32>
      %gather3A_255 = vector.shape_cast %broadcast_in_dim3A_254 : vector<16x1xi32> to vector<16xi32>
      %gather3A_256 = tpu.dynamic_gather %get3A_186[%gather3A_255] in [0] : vector<16xf32>, vector<16xi32> -> vector<16xf32>
      %add3A_257 = arith.addf %get3A_186, %gather3A_256 : vector<16xf32>
      %broadcast_in_dim3A_258 = vector.shape_cast %xor3A_224 : vector<16xi32> to vector<16x1xi32>
      %gather3A_259 = vector.shape_cast %broadcast_in_dim3A_258 : vector<16x1xi32> to vector<16xi32>
      %gather3A_260 = tpu.dynamic_gather %get3A_190[%gather3A_259] in [0] : vector<16xf32>, vector<16xi32> -> vector<16xf32>
      %add3A_261 = arith.addf %get3A_190, %gather3A_260 : vector<16xf32>
      %select_n3A_262 = arith.select %eq3A_228, %add3A_257, %add3A_261 : vector<16xi1>, vector<16xf32>
      %broadcast_in_dim3A_263 = vector.shape_cast %xor3A_224 : vector<16xi32> to vector<16x1xi32>
      %gather3A_264 = vector.shape_cast %broadcast_in_dim3A_263 : vector<16x1xi32> to vector<16xi32>
      %gather3A_265 = tpu.dynamic_gather %get3A_194[%gather3A_264] in [0] : vector<16xf32>, vector<16xi32> -> vector<16xf32>
      %add3A_266 = arith.addf %get3A_194, %gather3A_265 : vector<16xf32>
      %broadcast_in_dim3A_267 = vector.shape_cast %xor3A_224 : vector<16xi32> to vector<16x1xi32>
      %gather3A_268 = vector.shape_cast %broadcast_in_dim3A_267 : vector<16x1xi32> to vector<16xi32>
      %gather3A_269 = tpu.dynamic_gather %get3A_198[%gather3A_268] in [0] : vector<16xf32>, vector<16xi32> -> vector<16xf32>
      %add3A_270 = arith.addf %get3A_198, %gather3A_269 : vector<16xf32>
      %select_n3A_271 = arith.select %eq3A_228, %add3A_266, %add3A_270 : vector<16xi1>, vector<16xf32>
      %broadcast_in_dim3A_272 = vector.shape_cast %xor3A_224 : vector<16xi32> to vector<16x1xi32>
      %gather3A_273 = vector.shape_cast %broadcast_in_dim3A_272 : vector<16x1xi32> to vector<16xi32>
      %gather3A_274 = tpu.dynamic_gather %get3A_202[%gather3A_273] in [0] : vector<16xf32>, vector<16xi32> -> vector<16xf32>
      %add3A_275 = arith.addf %get3A_202, %gather3A_274 : vector<16xf32>
      %broadcast_in_dim3A_276 = vector.shape_cast %xor3A_224 : vector<16xi32> to vector<16x1xi32>
      %gather3A_277 = vector.shape_cast %broadcast_in_dim3A_276 : vector<16x1xi32> to vector<16xi32>
      %gather3A_278 = tpu.dynamic_gather %get3A_206[%gather3A_277] in [0] : vector<16xf32>, vector<16xi32> -> vector<16xf32>
      %add3A_279 = arith.addf %get3A_206, %gather3A_278 : vector<16xf32>
      %select_n3A_280 = arith.select %eq3A_228, %add3A_275, %add3A_279 : vector<16xi1>, vector<16xf32>
      %broadcast_in_dim3A_281 = vector.shape_cast %xor3A_224 : vector<16xi32> to vector<16x1xi32>
      %gather3A_282 = vector.shape_cast %broadcast_in_dim3A_281 : vector<16x1xi32> to vector<16xi32>
      %gather3A_283 = tpu.dynamic_gather %get3A_210[%gather3A_282] in [0] : vector<16xf32>, vector<16xi32> -> vector<16xf32>
      %add3A_284 = arith.addf %get3A_210, %gather3A_283 : vector<16xf32>
      %broadcast_in_dim3A_285 = vector.shape_cast %xor3A_224 : vector<16xi32> to vector<16x1xi32>
      %gather3A_286 = vector.shape_cast %broadcast_in_dim3A_285 : vector<16x1xi32> to vector<16xi32>
      %gather3A_287 = tpu.dynamic_gather %get3A_214[%gather3A_286] in [0] : vector<16xf32>, vector<16xi32> -> vector<16xf32>
      %add3A_288 = arith.addf %get3A_214, %gather3A_287 : vector<16xf32>
      %select_n3A_289 = arith.select %eq3A_228, %add3A_284, %add3A_288 : vector<16xi1>, vector<16xf32>
      %broadcast_in_dim3A_290 = vector.shape_cast %xor3A_224 : vector<16xi32> to vector<16x1xi32>
      %gather3A_291 = vector.shape_cast %broadcast_in_dim3A_290 : vector<16x1xi32> to vector<16xi32>
      %gather3A_292 = tpu.dynamic_gather %get3A_218[%gather3A_291] in [0] : vector<16xf32>, vector<16xi32> -> vector<16xf32>
      %add3A_293 = arith.addf %get3A_218, %gather3A_292 : vector<16xf32>
      %broadcast_in_dim3A_294 = vector.shape_cast %xor3A_224 : vector<16xi32> to vector<16x1xi32>
      %gather3A_295 = vector.shape_cast %broadcast_in_dim3A_294 : vector<16x1xi32> to vector<16xi32>
      %gather3A_296 = tpu.dynamic_gather %get3A_222[%gather3A_295] in [0] : vector<16xf32>, vector<16xi32> -> vector<16xf32>
      %add3A_297 = arith.addf %get3A_222, %gather3A_296 : vector<16xf32>
      %select_n3A_298 = arith.select %eq3A_228, %add3A_293, %add3A_297 : vector<16xi1>, vector<16xf32>
      %xor3A_299 = arith.constant 2 : i32
      %xor3A_300 = vector.broadcast %xor3A_299 : i32 to vector<16xi32>
      %xor3A_301 = arith.xori %iota3A, %xor3A_300 : vector<16xi32>
      %and3A_302 = arith.constant 2 : i32
      %and3A_303 = vector.broadcast %and3A_302 : i32 to vector<16xi32>
      %and3A_304 = arith.andi %iota3A, %and3A_303 : vector<16xi32>
      %eq3A_305 = arith.constant 0 : i32
      %eq3A_306 = vector.broadcast %eq3A_305 : i32 to vector<16xi32>
      %eq3A_307 = arith.cmpi eq, %and3A_304, %eq3A_306 : vector<16xi32>
      %broadcast_in_dim3A_308 = vector.shape_cast %xor3A_301 : vector<16xi32> to vector<16x1xi32>
      %gather3A_309 = vector.shape_cast %broadcast_in_dim3A_308 : vector<16x1xi32> to vector<16xi32>
      %gather3A_310 = tpu.dynamic_gather %select_n3A[%gather3A_309] in [0] : vector<16xf32>, vector<16xi32> -> vector<16xf32>
      %add3A_311 = arith.addf %select_n3A, %gather3A_310 : vector<16xf32>
      %broadcast_in_dim3A_312 = vector.shape_cast %xor3A_301 : vector<16xi32> to vector<16x1xi32>
      %gather3A_313 = vector.shape_cast %broadcast_in_dim3A_312 : vector<16x1xi32> to vector<16xi32>
      %gather3A_314 = tpu.dynamic_gather %select_n3A_244[%gather3A_313] in [0] : vector<16xf32>, vector<16xi32> -> vector<16xf32>
      %add3A_315 = arith.addf %select_n3A_244, %gather3A_314 : vector<16xf32>
      %select_n3A_316 = arith.select %eq3A_307, %add3A_311, %add3A_315 : vector<16xi1>, vector<16xf32>
      %broadcast_in_dim3A_317 = vector.shape_cast %xor3A_301 : vector<16xi32> to vector<16x1xi32>
      %gather3A_318 = vector.shape_cast %broadcast_in_dim3A_317 : vector<16x1xi32> to vector<16xi32>
      %gather3A_319 = tpu.dynamic_gather %select_n3A_253[%gather3A_318] in [0] : vector<16xf32>, vector<16xi32> -> vector<16xf32>
      %add3A_320 = arith.addf %select_n3A_253, %gather3A_319 : vector<16xf32>
      %broadcast_in_dim3A_321 = vector.shape_cast %xor3A_301 : vector<16xi32> to vector<16x1xi32>
      %gather3A_322 = vector.shape_cast %broadcast_in_dim3A_321 : vector<16x1xi32> to vector<16xi32>
      %gather3A_323 = tpu.dynamic_gather %select_n3A_262[%gather3A_322] in [0] : vector<16xf32>, vector<16xi32> -> vector<16xf32>
      %add3A_324 = arith.addf %select_n3A_262, %gather3A_323 : vector<16xf32>
      %select_n3A_325 = arith.select %eq3A_307, %add3A_320, %add3A_324 : vector<16xi1>, vector<16xf32>
      %broadcast_in_dim3A_326 = vector.shape_cast %xor3A_301 : vector<16xi32> to vector<16x1xi32>
      %gather3A_327 = vector.shape_cast %broadcast_in_dim3A_326 : vector<16x1xi32> to vector<16xi32>
      %gather3A_328 = tpu.dynamic_gather %select_n3A_271[%gather3A_327] in [0] : vector<16xf32>, vector<16xi32> -> vector<16xf32>
      %add3A_329 = arith.addf %select_n3A_271, %gather3A_328 : vector<16xf32>
      %broadcast_in_dim3A_330 = vector.shape_cast %xor3A_301 : vector<16xi32> to vector<16x1xi32>
      %gather3A_331 = vector.shape_cast %broadcast_in_dim3A_330 : vector<16x1xi32> to vector<16xi32>
      %gather3A_332 = tpu.dynamic_gather %select_n3A_280[%gather3A_331] in [0] : vector<16xf32>, vector<16xi32> -> vector<16xf32>
      %add3A_333 = arith.addf %select_n3A_280, %gather3A_332 : vector<16xf32>
      %select_n3A_334 = arith.select %eq3A_307, %add3A_329, %add3A_333 : vector<16xi1>, vector<16xf32>
      %broadcast_in_dim3A_335 = vector.shape_cast %xor3A_301 : vector<16xi32> to vector<16x1xi32>
      %gather3A_336 = vector.shape_cast %broadcast_in_dim3A_335 : vector<16x1xi32> to vector<16xi32>
      %gather3A_337 = tpu.dynamic_gather %select_n3A_289[%gather3A_336] in [0] : vector<16xf32>, vector<16xi32> -> vector<16xf32>
      %add3A_338 = arith.addf %select_n3A_289, %gather3A_337 : vector<16xf32>
      %broadcast_in_dim3A_339 = vector.shape_cast %xor3A_301 : vector<16xi32> to vector<16x1xi32>
      %gather3A_340 = vector.shape_cast %broadcast_in_dim3A_339 : vector<16x1xi32> to vector<16xi32>
      %gather3A_341 = tpu.dynamic_gather %select_n3A_298[%gather3A_340] in [0] : vector<16xf32>, vector<16xi32> -> vector<16xf32>
      %add3A_342 = arith.addf %select_n3A_298, %gather3A_341 : vector<16xf32>
      %select_n3A_343 = arith.select %eq3A_307, %add3A_338, %add3A_342 : vector<16xi1>, vector<16xf32>
      %xor3A_344 = arith.constant 4 : i32
      %xor3A_345 = vector.broadcast %xor3A_344 : i32 to vector<16xi32>
      %xor3A_346 = arith.xori %iota3A, %xor3A_345 : vector<16xi32>
      %and3A_347 = arith.constant 4 : i32
      %and3A_348 = vector.broadcast %and3A_347 : i32 to vector<16xi32>
      %and3A_349 = arith.andi %iota3A, %and3A_348 : vector<16xi32>
      %eq3A_350 = arith.constant 0 : i32
      %eq3A_351 = vector.broadcast %eq3A_350 : i32 to vector<16xi32>
      %eq3A_352 = arith.cmpi eq, %and3A_349, %eq3A_351 : vector<16xi32>
      %broadcast_in_dim3A_353 = vector.shape_cast %xor3A_346 : vector<16xi32> to vector<16x1xi32>
      %gather3A_354 = vector.shape_cast %broadcast_in_dim3A_353 : vector<16x1xi32> to vector<16xi32>
      %gather3A_355 = tpu.dynamic_gather %select_n3A_316[%gather3A_354] in [0] : vector<16xf32>, vector<16xi32> -> vector<16xf32>
      %add3A_356 = arith.addf %select_n3A_316, %gather3A_355 : vector<16xf32>
      %broadcast_in_dim3A_357 = vector.shape_cast %xor3A_346 : vector<16xi32> to vector<16x1xi32>
      %gather3A_358 = vector.shape_cast %broadcast_in_dim3A_357 : vector<16x1xi32> to vector<16xi32>
      %gather3A_359 = tpu.dynamic_gather %select_n3A_325[%gather3A_358] in [0] : vector<16xf32>, vector<16xi32> -> vector<16xf32>
      %add3A_360 = arith.addf %select_n3A_325, %gather3A_359 : vector<16xf32>
      %select_n3A_361 = arith.select %eq3A_352, %add3A_356, %add3A_360 : vector<16xi1>, vector<16xf32>
      %broadcast_in_dim3A_362 = vector.shape_cast %xor3A_346 : vector<16xi32> to vector<16x1xi32>
      %gather3A_363 = vector.shape_cast %broadcast_in_dim3A_362 : vector<16x1xi32> to vector<16xi32>
      %gather3A_364 = tpu.dynamic_gather %select_n3A_334[%gather3A_363] in [0] : vector<16xf32>, vector<16xi32> -> vector<16xf32>
      %add3A_365 = arith.addf %select_n3A_334, %gather3A_364 : vector<16xf32>
      %broadcast_in_dim3A_366 = vector.shape_cast %xor3A_346 : vector<16xi32> to vector<16x1xi32>
      %gather3A_367 = vector.shape_cast %broadcast_in_dim3A_366 : vector<16x1xi32> to vector<16xi32>
      %gather3A_368 = tpu.dynamic_gather %select_n3A_343[%gather3A_367] in [0] : vector<16xf32>, vector<16xi32> -> vector<16xf32>
      %add3A_369 = arith.addf %select_n3A_343, %gather3A_368 : vector<16xf32>
      %select_n3A_370 = arith.select %eq3A_352, %add3A_365, %add3A_369 : vector<16xi1>, vector<16xf32>
      %xor3A_371 = arith.constant 8 : i32
      %xor3A_372 = vector.broadcast %xor3A_371 : i32 to vector<16xi32>
      %xor3A_373 = arith.xori %iota3A, %xor3A_372 : vector<16xi32>
      %and3A_374 = arith.constant 8 : i32
      %and3A_375 = vector.broadcast %and3A_374 : i32 to vector<16xi32>
      %and3A_376 = arith.andi %iota3A, %and3A_375 : vector<16xi32>
      %eq3A_377 = arith.constant 0 : i32
      %eq3A_378 = vector.broadcast %eq3A_377 : i32 to vector<16xi32>
      %eq3A_379 = arith.cmpi eq, %and3A_376, %eq3A_378 : vector<16xi32>
      %broadcast_in_dim3A_380 = vector.shape_cast %xor3A_373 : vector<16xi32> to vector<16x1xi32>
      %gather3A_381 = vector.shape_cast %broadcast_in_dim3A_380 : vector<16x1xi32> to vector<16xi32>
      %gather3A_382 = tpu.dynamic_gather %select_n3A_361[%gather3A_381] in [0] : vector<16xf32>, vector<16xi32> -> vector<16xf32>
      %add3A_383 = arith.addf %select_n3A_361, %gather3A_382 : vector<16xf32>
      %broadcast_in_dim3A_384 = vector.shape_cast %xor3A_373 : vector<16xi32> to vector<16x1xi32>
      %gather3A_385 = vector.shape_cast %broadcast_in_dim3A_384 : vector<16x1xi32> to vector<16xi32>
      %gather3A_386 = tpu.dynamic_gather %select_n3A_370[%gather3A_385] in [0] : vector<16xf32>, vector<16xi32> -> vector<16xf32>
      %add3A_387 = arith.addf %select_n3A_370, %gather3A_386 : vector<16xf32>
      %select_n3A_388 = arith.select %eq3A_379, %add3A_383, %add3A_387 : vector<16xi1>, vector<16xf32>
      %mul3A_389 = vector.broadcast %scan3A_118 : f32 to vector<16xf32>
      %mul3A_390 = arith.mulf %select_n3A_388, %mul3A_389 : vector<16xf32>
      %get3A_391 = arith.constant 0 : i32
      %get3A_392 = arith.index_cast %get3A_391 : i32 to index
      %get3A_393 = arith.constant 0 : index
      %get3A_394 = tpu.vector_load %arg22[%get3A_392, %get3A_393] {strides = array<i32>} : memref<16x17xf32, #tpu.memory_space<vmem>>, vector<16xf32>,
      %get3A_395 = arith.constant 1 : i32
      %get3A_396 = arith.index_cast %get3A_395 : i32 to index
      %get3A_397 = arith.constant 0 : index
      %get3A_398 = tpu.vector_load %arg22[%get3A_396, %get3A_397] {strides = array<i32>} : memref<16x17xf32, #tpu.memory_space<vmem>>, vector<16xf32>,
      %get3A_399 = arith.constant 2 : i32
      %get3A_400 = arith.index_cast %get3A_399 : i32 to index
      %get3A_401 = arith.constant 0 : index
      %get3A_402 = tpu.vector_load %arg22[%get3A_400, %get3A_401] {strides = array<i32>} : memref<16x17xf32, #tpu.memory_space<vmem>>, vector<16xf32>,
      %get3A_403 = arith.constant 3 : i32
      %get3A_404 = arith.index_cast %get3A_403 : i32 to index
      %get3A_405 = arith.constant 0 : index
      %get3A_406 = tpu.vector_load %arg22[%get3A_404, %get3A_405] {strides = array<i32>} : memref<16x17xf32, #tpu.memory_space<vmem>>, vector<16xf32>,
      %get3A_407 = arith.constant 4 : i32
      %get3A_408 = arith.index_cast %get3A_407 : i32 to index
      %get3A_409 = arith.constant 0 : index
      %get3A_410 = tpu.vector_load %arg22[%get3A_408, %get3A_409] {strides = array<i32>} : memref<16x17xf32, #tpu.memory_space<vmem>>, vector<16xf32>,
      %get3A_411 = arith.constant 5 : i32
      %get3A_412 = arith.index_cast %get3A_411 : i32 to index
      %get3A_413 = arith.constant 0 : index
      %get3A_414 = tpu.vector_load %arg22[%get3A_412, %get3A_413] {strides = array<i32>} : memref<16x17xf32, #tpu.memory_space<vmem>>, vector<16xf32>,
      %get3A_415 = arith.constant 6 : i32
      %get3A_416 = arith.index_cast %get3A_415 : i32 to index
      %get3A_417 = arith.constant 0 : index
      %get3A_418 = tpu.vector_load %arg22[%get3A_416, %get3A_417] {strides = array<i32>} : memref<16x17xf32, #tpu.memory_space<vmem>>, vector<16xf32>,
      %get3A_419 = arith.constant 7 : i32
      %get3A_420 = arith.index_cast %get3A_419 : i32 to index
      %get3A_421 = arith.constant 0 : index
      %get3A_422 = tpu.vector_load %arg22[%get3A_420, %get3A_421] {strides = array<i32>} : memref<16x17xf32, #tpu.memory_space<vmem>>, vector<16xf32>,
      %get3A_423 = arith.constant 8 : i32
      %get3A_424 = arith.index_cast %get3A_423 : i32 to index
      %get3A_425 = arith.constant 0 : index
      %get3A_426 = tpu.vector_load %arg22[%get3A_424, %get3A_425] {strides = array<i32>} : memref<16x17xf32, #tpu.memory_space<vmem>>, vector<16xf32>,
      %get3A_427 = arith.constant 9 : i32
      %get3A_428 = arith.index_cast %get3A_427 : i32 to index
      %get3A_429 = arith.constant 0 : index
      %get3A_430 = tpu.vector_load %arg22[%get3A_428, %get3A_429] {strides = array<i32>} : memref<16x17xf32, #tpu.memory_space<vmem>>, vector<16xf32>,
      %get3A_431 = arith.constant 10 : i32
      %get3A_432 = arith.index_cast %get3A_431 : i32 to index
      %get3A_433 = arith.constant 0 : index
      %get3A_434 = tpu.vector_load %arg22[%get3A_432, %get3A_433] {strides = array<i32>} : memref<16x17xf32, #tpu.memory_space<vmem>>, vector<16xf32>,
      %get3A_435 = arith.constant 11 : i32
      %get3A_436 = arith.index_cast %get3A_435 : i32 to index
      %get3A_437 = arith.constant 0 : index
      %get3A_438 = tpu.vector_load %arg22[%get3A_436, %get3A_437] {strides = array<i32>} : memref<16x17xf32, #tpu.memory_space<vmem>>, vector<16xf32>,
      %get3A_439 = arith.constant 12 : i32
      %get3A_440 = arith.index_cast %get3A_439 : i32 to index
      %get3A_441 = arith.constant 0 : index
      %get3A_442 = tpu.vector_load %arg22[%get3A_440, %get3A_441] {strides = array<i32>} : memref<16x17xf32, #tpu.memory_space<vmem>>, vector<16xf32>,
      %get3A_443 = arith.constant 13 : i32
      %get3A_444 = arith.index_cast %get3A_443 : i32 to index
      %get3A_445 = arith.constant 0 : index
      %get3A_446 = tpu.vector_load %arg22[%get3A_444, %get3A_445] {strides = array<i32>} : memref<16x17xf32, #tpu.memory_space<vmem>>, vector<16xf32>,
      %get3A_447 = arith.constant 14 : i32
      %get3A_448 = arith.index_cast %get3A_447 : i32 to index
      %get3A_449 = arith.constant 0 : index
      %get3A_450 = tpu.vector_load %arg22[%get3A_448, %get3A_449] {strides = array<i32>} : memref<16x17xf32, #tpu.memory_space<vmem>>, vector<16xf32>,
      %get3A_451 = arith.constant 15 : i32
      %get3A_452 = arith.index_cast %get3A_451 : i32 to index
      %get3A_453 = arith.constant 0 : index
      %get3A_454 = tpu.vector_load %arg22[%get3A_452, %get3A_453] {strides = array<i32>} : memref<16x17xf32, #tpu.memory_space<vmem>>, vector<16xf32>,
      %xor3A_455 = arith.constant 1 : i32
      %xor3A_456 = vector.broadcast %xor3A_455 : i32 to vector<16xi32>
      %xor3A_457 = arith.xori %iota3A, %xor3A_456 : vector<16xi32>
      %and3A_458 = arith.constant 1 : i32
      %and3A_459 = vector.broadcast %and3A_458 : i32 to vector<16xi32>
      %and3A_460 = arith.andi %iota3A, %and3A_459 : vector<16xi32>
      %eq3A_461 = arith.constant 0 : i32
      %eq3A_462 = vector.broadcast %eq3A_461 : i32 to vector<16xi32>
      %eq3A_463 = arith.cmpi eq, %and3A_460, %eq3A_462 : vector<16xi32>
      %broadcast_in_dim3A_464 = vector.shape_cast %xor3A_457 : vector<16xi32> to vector<16x1xi32>
      %gather3A_465 = vector.shape_cast %broadcast_in_dim3A_464 : vector<16x1xi32> to vector<16xi32>
      %gather3A_466 = tpu.dynamic_gather %get3A_394[%gather3A_465] in [0] : vector<16xf32>, vector<16xi32> -> vector<16xf32>
      %add3A_467 = arith.addf %get3A_394, %gather3A_466 : vector<16xf32>
      %broadcast_in_dim3A_468 = vector.shape_cast %xor3A_457 : vector<16xi32> to vector<16x1xi32>
      %gather3A_469 = vector.shape_cast %broadcast_in_dim3A_468 : vector<16x1xi32> to vector<16xi32>
      %gather3A_470 = tpu.dynamic_gather %get3A_398[%gather3A_469] in [0] : vector<16xf32>, vector<16xi32> -> vector<16xf32>
      %add3A_471 = arith.addf %get3A_398, %gather3A_470 : vector<16xf32>
      %select_n3A_472 = arith.select %eq3A_463, %add3A_467, %add3A_471 : vector<16xi1>, vector<16xf32>
      %broadcast_in_dim3A_473 = vector.shape_cast %xor3A_457 : vector<16xi32> to vector<16x1xi32>
      %gather3A_474 = vector.shape_cast %broadcast_in_dim3A_473 : vector<16x1xi32> to vector<16xi32>
      %gather3A_475 = tpu.dynamic_gather %get3A_402[%gather3A_474] in [0] : vector<16xf32>, vector<16xi32> -> vector<16xf32>
      %add3A_476 = arith.addf %get3A_402, %gather3A_475 : vector<16xf32>
      %broadcast_in_dim3A_477 = vector.shape_cast %xor3A_457 : vector<16xi32> to vector<16x1xi32>
      %gather3A_478 = vector.shape_cast %broadcast_in_dim3A_477 : vector<16x1xi32> to vector<16xi32>
      %gather3A_479 = tpu.dynamic_gather %get3A_406[%gather3A_478] in [0] : vector<16xf32>, vector<16xi32> -> vector<16xf32>
      %add3A_480 = arith.addf %get3A_406, %gather3A_479 : vector<16xf32>
      %select_n3A_481 = arith.select %eq3A_463, %add3A_476, %add3A_480 : vector<16xi1>, vector<16xf32>
      %broadcast_in_dim3A_482 = vector.shape_cast %xor3A_457 : vector<16xi32> to vector<16x1xi32>
      %gather3A_483 = vector.shape_cast %broadcast_in_dim3A_482 : vector<16x1xi32> to vector<16xi32>
      %gather3A_484 = tpu.dynamic_gather %get3A_410[%gather3A_483] in [0] : vector<16xf32>, vector<16xi32> -> vector<16xf32>
      %add3A_485 = arith.addf %get3A_410, %gather3A_484 : vector<16xf32>
      %broadcast_in_dim3A_486 = vector.shape_cast %xor3A_457 : vector<16xi32> to vector<16x1xi32>
      %gather3A_487 = vector.shape_cast %broadcast_in_dim3A_486 : vector<16x1xi32> to vector<16xi32>
      %gather3A_488 = tpu.dynamic_gather %get3A_414[%gather3A_487] in [0] : vector<16xf32>, vector<16xi32> -> vector<16xf32>
      %add3A_489 = arith.addf %get3A_414, %gather3A_488 : vector<16xf32>
      %select_n3A_490 = arith.select %eq3A_463, %add3A_485, %add3A_489 : vector<16xi1>, vector<16xf32>
      %broadcast_in_dim3A_491 = vector.shape_cast %xor3A_457 : vector<16xi32> to vector<16x1xi32>
      %gather3A_492 = vector.shape_cast %broadcast_in_dim3A_491 : vector<16x1xi32> to vector<16xi32>
      %gather3A_493 = tpu.dynamic_gather %get3A_418[%gather3A_492] in [0] : vector<16xf32>, vector<16xi32> -> vector<16xf32>
      %add3A_494 = arith.addf %get3A_418, %gather3A_493 : vector<16xf32>
      %broadcast_in_dim3A_495 = vector.shape_cast %xor3A_457 : vector<16xi32> to vector<16x1xi32>
      %gather3A_496 = vector.shape_cast %broadcast_in_dim3A_495 : vector<16x1xi32> to vector<16xi32>
      %gather3A_497 = tpu.dynamic_gather %get3A_422[%gather3A_496] in [0] : vector<16xf32>, vector<16xi32> -> vector<16xf32>
      %add3A_498 = arith.addf %get3A_422, %gather3A_497 : vector<16xf32>
      %select_n3A_499 = arith.select %eq3A_463, %add3A_494, %add3A_498 : vector<16xi1>, vector<16xf32>
      %broadcast_in_dim3A_500 = vector.shape_cast %xor3A_457 : vector<16xi32> to vector<16x1xi32>
      %gather3A_501 = vector.shape_cast %broadcast_in_dim3A_500 : vector<16x1xi32> to vector<16xi32>
      %gather3A_502 = tpu.dynamic_gather %get3A_426[%gather3A_501] in [0] : vector<16xf32>, vector<16xi32> -> vector<16xf32>
      %add3A_503 = arith.addf %get3A_426, %gather3A_502 : vector<16xf32>
      %broadcast_in_dim3A_504 = vector.shape_cast %xor3A_457 : vector<16xi32> to vector<16x1xi32>
      %gather3A_505 = vector.shape_cast %broadcast_in_dim3A_504 : vector<16x1xi32> to vector<16xi32>
      %gather3A_506 = tpu.dynamic_gather %get3A_430[%gather3A_505] in [0] : vector<16xf32>, vector<16xi32> -> vector<16xf32>
      %add3A_507 = arith.addf %get3A_430, %gather3A_506 : vector<16xf32>
      %select_n3A_508 = arith.select %eq3A_463, %add3A_503, %add3A_507 : vector<16xi1>, vector<16xf32>
      %broadcast_in_dim3A_509 = vector.shape_cast %xor3A_457 : vector<16xi32> to vector<16x1xi32>
      %gather3A_510 = vector.shape_cast %broadcast_in_dim3A_509 : vector<16x1xi32> to vector<16xi32>
      %gather3A_511 = tpu.dynamic_gather %get3A_434[%gather3A_510] in [0] : vector<16xf32>, vector<16xi32> -> vector<16xf32>
      %add3A_512 = arith.addf %get3A_434, %gather3A_511 : vector<16xf32>
      %broadcast_in_dim3A_513 = vector.shape_cast %xor3A_457 : vector<16xi32> to vector<16x1xi32>
      %gather3A_514 = vector.shape_cast %broadcast_in_dim3A_513 : vector<16x1xi32> to vector<16xi32>
      %gather3A_515 = tpu.dynamic_gather %get3A_438[%gather3A_514] in [0] : vector<16xf32>, vector<16xi32> -> vector<16xf32>
      %add3A_516 = arith.addf %get3A_438, %gather3A_515 : vector<16xf32>
      %select_n3A_517 = arith.select %eq3A_463, %add3A_512, %add3A_516 : vector<16xi1>, vector<16xf32>
      %broadcast_in_dim3A_518 = vector.shape_cast %xor3A_457 : vector<16xi32> to vector<16x1xi32>
      %gather3A_519 = vector.shape_cast %broadcast_in_dim3A_518 : vector<16x1xi32> to vector<16xi32>
      %gather3A_520 = tpu.dynamic_gather %get3A_442[%gather3A_519] in [0] : vector<16xf32>, vector<16xi32> -> vector<16xf32>
      %add3A_521 = arith.addf %get3A_442, %gather3A_520 : vector<16xf32>
      %broadcast_in_dim3A_522 = vector.shape_cast %xor3A_457 : vector<16xi32> to vector<16x1xi32>
      %gather3A_523 = vector.shape_cast %broadcast_in_dim3A_522 : vector<16x1xi32> to vector<16xi32>
      %gather3A_524 = tpu.dynamic_gather %get3A_446[%gather3A_523] in [0] : vector<16xf32>, vector<16xi32> -> vector<16xf32>
      %add3A_525 = arith.addf %get3A_446, %gather3A_524 : vector<16xf32>
      %select_n3A_526 = arith.select %eq3A_463, %add3A_521, %add3A_525 : vector<16xi1>, vector<16xf32>
      %broadcast_in_dim3A_527 = vector.shape_cast %xor3A_457 : vector<16xi32> to vector<16x1xi32>
      %gather3A_528 = vector.shape_cast %broadcast_in_dim3A_527 : vector<16x1xi32> to vector<16xi32>
      %gather3A_529 = tpu.dynamic_gather %get3A_450[%gather3A_528] in [0] : vector<16xf32>, vector<16xi32> -> vector<16xf32>
      %add3A_530 = arith.addf %get3A_450, %gather3A_529 : vector<16xf32>
      %broadcast_in_dim3A_531 = vector.shape_cast %xor3A_457 : vector<16xi32> to vector<16x1xi32>
      %gather3A_532 = vector.shape_cast %broadcast_in_dim3A_531 : vector<16x1xi32> to vector<16xi32>
      %gather3A_533 = tpu.dynamic_gather %get3A_454[%gather3A_532] in [0] : vector<16xf32>, vector<16xi32> -> vector<16xf32>
      %add3A_534 = arith.addf %get3A_454, %gather3A_533 : vector<16xf32>
      %select_n3A_535 = arith.select %eq3A_463, %add3A_530, %add3A_534 : vector<16xi1>, vector<16xf32>
      %xor3A_536 = arith.constant 2 : i32
      %xor3A_537 = vector.broadcast %xor3A_536 : i32 to vector<16xi32>
      %xor3A_538 = arith.xori %iota3A, %xor3A_537 : vector<16xi32>
      %and3A_539 = arith.constant 2 : i32
      %and3A_540 = vector.broadcast %and3A_539 : i32 to vector<16xi32>
      %and3A_541 = arith.andi %iota3A, %and3A_540 : vector<16xi32>
      %eq3A_542 = arith.constant 0 : i32
      %eq3A_543 = vector.broadcast %eq3A_542 : i32 to vector<16xi32>
      %eq3A_544 = arith.cmpi eq, %and3A_541, %eq3A_543 : vector<16xi32>
      %broadcast_in_dim3A_545 = vector.shape_cast %xor3A_538 : vector<16xi32> to vector<16x1xi32>
      %gather3A_546 = vector.shape_cast %broadcast_in_dim3A_545 : vector<16x1xi32> to vector<16xi32>
      %gather3A_547 = tpu.dynamic_gather %select_n3A_472[%gather3A_546] in [0] : vector<16xf32>, vector<16xi32> -> vector<16xf32>
      %add3A_548 = arith.addf %select_n3A_472, %gather3A_547 : vector<16xf32>
      %broadcast_in_dim3A_549 = vector.shape_cast %xor3A_538 : vector<16xi32> to vector<16x1xi32>
      %gather3A_550 = vector.shape_cast %broadcast_in_dim3A_549 : vector<16x1xi32> to vector<16xi32>
      %gather3A_551 = tpu.dynamic_gather %select_n3A_481[%gather3A_550] in [0] : vector<16xf32>, vector<16xi32> -> vector<16xf32>
      %add3A_552 = arith.addf %select_n3A_481, %gather3A_551 : vector<16xf32>
      %select_n3A_553 = arith.select %eq3A_544, %add3A_548, %add3A_552 : vector<16xi1>, vector<16xf32>
      %broadcast_in_dim3A_554 = vector.shape_cast %xor3A_538 : vector<16xi32> to vector<16x1xi32>
      %gather3A_555 = vector.shape_cast %broadcast_in_dim3A_554 : vector<16x1xi32> to vector<16xi32>
      %gather3A_556 = tpu.dynamic_gather %select_n3A_490[%gather3A_555] in [0] : vector<16xf32>, vector<16xi32> -> vector<16xf32>
      %add3A_557 = arith.addf %select_n3A_490, %gather3A_556 : vector<16xf32>
      %broadcast_in_dim3A_558 = vector.shape_cast %xor3A_538 : vector<16xi32> to vector<16x1xi32>
      %gather3A_559 = vector.shape_cast %broadcast_in_dim3A_558 : vector<16x1xi32> to vector<16xi32>
      %gather3A_560 = tpu.dynamic_gather %select_n3A_499[%gather3A_559] in [0] : vector<16xf32>, vector<16xi32> -> vector<16xf32>
      %add3A_561 = arith.addf %select_n3A_499, %gather3A_560 : vector<16xf32>
      %select_n3A_562 = arith.select %eq3A_544, %add3A_557, %add3A_561 : vector<16xi1>, vector<16xf32>
      %broadcast_in_dim3A_563 = vector.shape_cast %xor3A_538 : vector<16xi32> to vector<16x1xi32>
      %gather3A_564 = vector.shape_cast %broadcast_in_dim3A_563 : vector<16x1xi32> to vector<16xi32>
      %gather3A_565 = tpu.dynamic_gather %select_n3A_508[%gather3A_564] in [0] : vector<16xf32>, vector<16xi32> -> vector<16xf32>
      %add3A_566 = arith.addf %select_n3A_508, %gather3A_565 : vector<16xf32>
      %broadcast_in_dim3A_567 = vector.shape_cast %xor3A_538 : vector<16xi32> to vector<16x1xi32>
      %gather3A_568 = vector.shape_cast %broadcast_in_dim3A_567 : vector<16x1xi32> to vector<16xi32>
      %gather3A_569 = tpu.dynamic_gather %select_n3A_517[%gather3A_568] in [0] : vector<16xf32>, vector<16xi32> -> vector<16xf32>
      %add3A_570 = arith.addf %select_n3A_517, %gather3A_569 : vector<16xf32>
      %select_n3A_571 = arith.select %eq3A_544, %add3A_566, %add3A_570 : vector<16xi1>, vector<16xf32>
      %broadcast_in_dim3A_572 = vector.shape_cast %xor3A_538 : vector<16xi32> to vector<16x1xi32>
      %gather3A_573 = vector.shape_cast %broadcast_in_dim3A_572 : vector<16x1xi32> to vector<16xi32>
      %gather3A_574 = tpu.dynamic_gather %select_n3A_526[%gather3A_573] in [0] : vector<16xf32>, vector<16xi32> -> vector<16xf32>
      %add3A_575 = arith.addf %select_n3A_526, %gather3A_574 : vector<16xf32>
      %broadcast_in_dim3A_576 = vector.shape_cast %xor3A_538 : vector<16xi32> to vector<16x1xi32>
      %gather3A_577 = vector.shape_cast %broadcast_in_dim3A_576 : vector<16x1xi32> to vector<16xi32>
      %gather3A_578 = tpu.dynamic_gather %select_n3A_535[%gather3A_577] in [0] : vector<16xf32>, vector<16xi32> -> vector<16xf32>
      %add3A_579 = arith.addf %select_n3A_535, %gather3A_578 : vector<16xf32>
      %select_n3A_580 = arith.select %eq3A_544, %add3A_575, %add3A_579 : vector<16xi1>, vector<16xf32>
      %xor3A_581 = arith.constant 4 : i32
      %xor3A_582 = vector.broadcast %xor3A_581 : i32 to vector<16xi32>
      %xor3A_583 = arith.xori %iota3A, %xor3A_582 : vector<16xi32>
      %and3A_584 = arith.constant 4 : i32
      %and3A_585 = vector.broadcast %and3A_584 : i32 to vector<16xi32>
      %and3A_586 = arith.andi %iota3A, %and3A_585 : vector<16xi32>
      %eq3A_587 = arith.constant 0 : i32
      %eq3A_588 = vector.broadcast %eq3A_587 : i32 to vector<16xi32>
      %eq3A_589 = arith.cmpi eq, %and3A_586, %eq3A_588 : vector<16xi32>
      %broadcast_in_dim3A_590 = vector.shape_cast %xor3A_583 : vector<16xi32> to vector<16x1xi32>
      %gather3A_591 = vector.shape_cast %broadcast_in_dim3A_590 : vector<16x1xi32> to vector<16xi32>
      %gather3A_592 = tpu.dynamic_gather %select_n3A_553[%gather3A_591] in [0] : vector<16xf32>, vector<16xi32> -> vector<16xf32>
      %add3A_593 = arith.addf %select_n3A_553, %gather3A_592 : vector<16xf32>
      %broadcast_in_dim3A_594 = vector.shape_cast %xor3A_583 : vector<16xi32> to vector<16x1xi32>
      %gather3A_595 = vector.shape_cast %broadcast_in_dim3A_594 : vector<16x1xi32> to vector<16xi32>
      %gather3A_596 = tpu.dynamic_gather %select_n3A_562[%gather3A_595] in [0] : vector<16xf32>, vector<16xi32> -> vector<16xf32>
      %add3A_597 = arith.addf %select_n3A_562, %gather3A_596 : vector<16xf32>
      %select_n3A_598 = arith.select %eq3A_589, %add3A_593, %add3A_597 : vector<16xi1>, vector<16xf32>
      %broadcast_in_dim3A_599 = vector.shape_cast %xor3A_583 : vector<16xi32> to vector<16x1xi32>
      %gather3A_600 = vector.shape_cast %broadcast_in_dim3A_599 : vector<16x1xi32> to vector<16xi32>
      %gather3A_601 = tpu.dynamic_gather %select_n3A_571[%gather3A_600] in [0] : vector<16xf32>, vector<16xi32> -> vector<16xf32>
      %add3A_602 = arith.addf %select_n3A_571, %gather3A_601 : vector<16xf32>
      %broadcast_in_dim3A_603 = vector.shape_cast %xor3A_583 : vector<16xi32> to vector<16x1xi32>
      %gather3A_604 = vector.shape_cast %broadcast_in_dim3A_603 : vector<16x1xi32> to vector<16xi32>
      %gather3A_605 = tpu.dynamic_gather %select_n3A_580[%gather3A_604] in [0] : vector<16xf32>, vector<16xi32> -> vector<16xf32>
      %add3A_606 = arith.addf %select_n3A_580, %gather3A_605 : vector<16xf32>
      %select_n3A_607 = arith.select %eq3A_589, %add3A_602, %add3A_606 : vector<16xi1>, vector<16xf32>
      %xor3A_608 = arith.constant 8 : i32
      %xor3A_609 = vector.broadcast %xor3A_608 : i32 to vector<16xi32>
      %xor3A_610 = arith.xori %iota3A, %xor3A_609 : vector<16xi32>
      %and3A_611 = arith.constant 8 : i32
      %and3A_612 = vector.broadcast %and3A_611 : i32 to vector<16xi32>
      %and3A_613 = arith.andi %iota3A, %and3A_612 : vector<16xi32>
      %eq3A_614 = arith.constant 0 : i32
      %eq3A_615 = vector.broadcast %eq3A_614 : i32 to vector<16xi32>
      %eq3A_616 = arith.cmpi eq, %and3A_613, %eq3A_615 : vector<16xi32>
      %broadcast_in_dim3A_617 = vector.shape_cast %xor3A_610 : vector<16xi32> to vector<16x1xi32>
      %gather3A_618 = vector.shape_cast %broadcast_in_dim3A_617 : vector<16x1xi32> to vector<16xi32>
      %gather3A_619 = tpu.dynamic_gather %select_n3A_598[%gather3A_618] in [0] : vector<16xf32>, vector<16xi32> -> vector<16xf32>
      %add3A_620 = arith.addf %select_n3A_598, %gather3A_619 : vector<16xf32>
      %broadcast_in_dim3A_621 = vector.shape_cast %xor3A_610 : vector<16xi32> to vector<16x1xi32>
      %gather3A_622 = vector.shape_cast %broadcast_in_dim3A_621 : vector<16x1xi32> to vector<16xi32>
      %gather3A_623 = tpu.dynamic_gather %select_n3A_607[%gather3A_622] in [0] : vector<16xf32>, vector<16xi32> -> vector<16xf32>
      %add3A_624 = arith.addf %select_n3A_607, %gather3A_623 : vector<16xf32>
      %select_n3A_625 = arith.select %eq3A_616, %add3A_620, %add3A_624 : vector<16xi1>, vector<16xf32>
      %mul3A_626 = vector.broadcast %scan3A_118 : f32 to vector<16xf32>
      %mul3A_627 = arith.mulf %select_n3A_625, %mul3A_626 : vector<16xf32>
      %mul3A_628 = arith.mulf %mul3A_390, %mul3A_390 : vector<16xf32>
      %sub3A = arith.subf %mul3A_627, %mul3A_628 : vector<16xf32>
      %max3A = arith.constant 0.000000e+00 : f32
      %max3A_629 = vector.broadcast %max3A : f32 to vector<16xf32>
      %max3A_630 = arith.maximumf %sub3A, %max3A_629 : vector<16xf32>
      %add3A_631 = arith.constant 9.99999996E-13 : f32
      %add3A_632 = vector.broadcast %add3A_631 : f32 to vector<16xf32>
      %add3A_633 = arith.addf %max3A_630, %add3A_632 : vector<16xf32>
      %bitcast3A = vector.bitcast %add3A_633 : vector<16xf32> to vector<16xi32>
      %broadcast_in_dim3A_634 = arith.constant 1597463007 : i32
      %broadcast_in_dim3A_635 = vector.broadcast %broadcast_in_dim3A_634 : i32 to vector<16xi32>
      %broadcast_in_dim3A_636 = arith.constant 1 : i32
      %broadcast_in_dim3A_637 = vector.broadcast %broadcast_in_dim3A_636 : i32 to vector<16xi32>
      %shift_right_logical3A = arith.shrui %bitcast3A, %broadcast_in_dim3A_637 : vector<16xi32>
      %sub3A_638 = arith.subi %broadcast_in_dim3A_635, %shift_right_logical3A : vector<16xi32>
      %bitcast3A_639 = vector.bitcast %sub3A_638 : vector<16xi32> to vector<16xf32>
      %mul3A_640 = arith.constant 5.000000e-01 : f32
      %mul3A_641 = vector.broadcast %mul3A_640 : f32 to vector<16xf32>
      %mul3A_642 = arith.mulf %add3A_633, %mul3A_641 : vector<16xf32>
      %mul3A_643 = arith.mulf %mul3A_642, %bitcast3A_639 : vector<16xf32>
      %mul3A_644 = arith.mulf %mul3A_643, %bitcast3A_639 : vector<16xf32>
      %sub3A_645 = arith.constant 1.500000e+00 : f32
      %sub3A_646 = vector.broadcast %sub3A_645 : f32 to vector<16xf32>
      %sub3A_647 = arith.subf %sub3A_646, %mul3A_644 : vector<16xf32>
      %mul3A_648 = arith.mulf %bitcast3A_639, %sub3A_647 : vector<16xf32>
      %mul3A_649 = arith.mulf %mul3A_642, %mul3A_648 : vector<16xf32>
      %mul3A_650 = arith.mulf %mul3A_649, %mul3A_648 : vector<16xf32>
      %sub3A_651 = arith.constant 1.500000e+00 : f32
      %sub3A_652 = vector.broadcast %sub3A_651 : f32 to vector<16xf32>
      %sub3A_653 = arith.subf %sub3A_652, %mul3A_650 : vector<16xf32>
      %mul3A_654 = arith.mulf %mul3A_648, %sub3A_653 : vector<16xf32>
      %mul3A_655 = arith.mulf %mul3A_642, %mul3A_654 : vector<16xf32>
      %mul3A_656 = arith.mulf %mul3A_655, %mul3A_654 : vector<16xf32>
      %sub3A_657 = arith.constant 1.500000e+00 : f32
      %sub3A_658 = vector.broadcast %sub3A_657 : f32 to vector<16xf32>
      %sub3A_659 = arith.subf %sub3A_658, %mul3A_656 : vector<16xf32>
      %mul3A_660 = arith.mulf %mul3A_654, %sub3A_659 : vector<16xf32>
      %neg3A = arith.constant 0.000000e+00 : f32
      %neg3A_661 = vector.broadcast %neg3A : f32 to vector<16xf32>
      %neg3A_662 = arith.subf %neg3A_661, %mul3A_390 : vector<16xf32>
      %mul3A_663 = arith.mulf %neg3A_662, %mul3A_660 : vector<16xf32>
      %mul3A_664 = arith.constant 512 : i32
      %mul3A_665 = arith.muli %add3A_138, %mul3A_664 : i32
      %add3A_666 = arith.addi %mul3A_665, %mul3A_2 : i32
      %dma_start3A_667 = arith.constant 0 : i32
      %dma_start3A_668 = tpu.memref_slice %arg9[%add3A_666, %dma_start3A_667] : memref<65536x768xf32, #tpu.memory_space<hbm>> -> memref<16x768xf32, #tpu.memory_space<hbm>>
      %dma_start3A_669 = arith.constant 0 : i32
      %dma_start3A_670 = tpu.memref_slice %arg9[%add3A_666, %dma_start3A_669] : memref<65536x768xf32, #tpu.memory_space<hbm>> -> memref<16x768xf32, #tpu.memory_space<hbm>>
      tpu.enqueue_dma source(%arg15 : memref<16x768xf32, #tpu.memory_space<vmem>>) target(%dma_start3A_670 : memref<16x768xf32, #tpu.memory_space<hbm>>) target_semaphore(%arg25 : memref<!tpu.dma_semaphore, #tpu.memory_space<semaphore_mem>>)
      %add3A_671 = arith.constant 1 : i32
      %add3A_672 = arith.addi %mul3A_136, %add3A_671 : i32
      %add3A_673 = arith.constant 1 : i32
      %add3A_674 = arith.addi %add3A_672, %add3A_673 : i32
      %lt3A_675 = arith.constant 128 : i32
      %lt3A_676 = arith.cmpi slt, %add3A_674, %lt3A_675 : i32
      %convert_element_type3A_677 = arith.extui %lt3A_676 : i1 to i32
      %cond3A_678 = arith.constant 0 : i32
      %cond3A_679 = arith.cmpi ne, %convert_element_type3A_677, %cond3A_678 : i32
      scf.if %cond3A_679 {
        %add3A_1220 = arith.constant 1 : i32
        %add3A_1221 = arith.addi %add3A_672, %add3A_1220 : i32
        %mul3A_1222 = arith.constant 16 : i32
        %mul3A_1223 = arith.muli %add3A_1221, %mul3A_1222 : i32
        %get3A_1224 = arith.index_cast %mul3A_1223 : i32 to index
        %get3A_1225 = tpu.vector_load %arg10[%get3A_1224] {strides = array<i32>} : memref<2048xi32, #tpu.memory_space<vmem>>, vector<16xi32>,
        %dma_start3A_1226 = arith.constant 0 : i32
        %dma_start3A_1227 = arith.constant 0 : i32
        %dma_start3A_1228 = tpu.memref_slice %arg4[%dma_start3A_1226, %dma_start3A_1227] : memref<30528x768xf32, #tpu.memory_space<hbm>> -> memref<30528x768xf32, #tpu.memory_space<hbm>>
        tpu.enqueue_indirect_dma source(%dma_start3A_1228 : memref<30528x768xf32, #tpu.memory_space<hbm>>) target(%arg13 : memref<16x768xf32, #tpu.memory_space<vmem>>) offsets(%get3A_1225 : vector<16xi32>) semaphore(%arg23 : memref<!tpu.dma_semaphore, #tpu.memory_space<semaphore_mem>>)
      } else {
      }
      %broadcast_in_dim3A_680 = arith.constant 0 : i32
      %broadcast_in_dim3A_681 = vector.broadcast %broadcast_in_dim3A_680 : i32 to vector<16xi32>
      %dma_wait3A_682 = arith.constant 0 : i32
      %dma_wait3A_683 = arith.constant 0 : i32
      %dma_wait3A_684 = tpu.memref_slice %arg4[%dma_wait3A_682, %dma_wait3A_683] : memref<30528x768xf32, #tpu.memory_space<hbm>> -> memref<30528x768xf32, #tpu.memory_space<hbm>>
      tpu.wait_indirect_dma semaphore(%arg24 : memref<!tpu.dma_semaphore, #tpu.memory_space<semaphore_mem>>) src(%dma_wait3A_684 : memref<30528x768xf32, #tpu.memory_space<hbm>>) dst(%arg14 : memref<16x768xf32, #tpu.memory_space<vmem>>)
      %ge3A_685 = arith.constant 2 : i32
      %ge3A_686 = arith.cmpi sge, %add3A_672, %ge3A_685 : i32
      %convert_element_type3A_687 = arith.extui %ge3A_686 : i1 to i32
      %cond3A_688 = arith.constant 0 : i32
      %cond3A_689 = arith.cmpi ne, %convert_element_type3A_687, %cond3A_688 : i32
      scf.if %cond3A_689 {
        %dma_wait3A_1220 = arith.constant 0 : i32
        %dma_wait3A_1221 = tpu.memref_slice %arg9[%mul3A_2, %dma_wait3A_1220] : memref<65536x768xf32, #tpu.memory_space<hbm>> -> memref<16x768xf32, #tpu.memory_space<hbm>>
        %dma_wait3A_1222 = arith.constant 0 : i32
        %dma_wait3A_1223 = tpu.memref_slice %arg9[%mul3A_2, %dma_wait3A_1222] : memref<65536x768xf32, #tpu.memory_space<hbm>> -> memref<16x768xf32, #tpu.memory_space<hbm>>
        tpu.wait_dma2 semaphore(%arg26 : memref<!tpu.dma_semaphore, #tpu.memory_space<semaphore_mem>>) src(%arg16 : memref<16x768xf32, #tpu.memory_space<vmem>>) dst(%dma_wait3A_1223 : memref<16x768xf32, #tpu.memory_space<hbm>>)
      } else {
      }
      %scan3A_690 = arith.constant 0 : i32
      %scan3A_691 = arith.constant 0 : i32
      %scan3A_692 = arith.constant 16 : i32
      %scan3A_693 = arith.addi %scan3A_691, %scan3A_692 : i32
      %scan3A_694 = arith.constant 1 : i32
      %scan3A_695 = scf.for %scan3A_1220 = %scan3A_691 to %scan3A_693 step %scan3A_694 iter_args(%scan3A_1221 = %scan3A_690) -> (i32)  : i32 {
        %mul3A_1222 = arith.constant 16 : i32
        %mul3A_1223 = arith.muli %add3A_672, %mul3A_1222 : i32
        %add3A_1224 = arith.addi %mul3A_1223, %scan3A_1220 : i32
        %broadcast_in_dim3A_1225 = vector.broadcast %add3A_1224 : i32 to vector<16xi32>
        %gather3A_1226 = tpu.vector_load_idx %arg11[%broadcast_in_dim3A_1225] : memref<2048xi32, #tpu.memory_space<vmem>>[vector<16xi32>], vector<16xi32>,
        %slice3A = vector.extract_strided_slice %gather3A_1226 {offsets = [0], sizes = [1], strides = [1]} : vector<16xi32> to vector<1xi32>
        %squeeze3A = vector.extract %slice3A[0] : i32 from vector<1xi32>
        %mul3A_1227 = arith.constant 2 : i32
        %mul3A_1228 = arith.muli %mul3A_1227, %scan3A_1220 : i32
        %add3A_1229 = arith.addi %mul3A_1228, %squeeze3A : i32
        %parallel_loop3A = arith.constant 0 : i32
        %parallel_loop3A_1230 = arith.constant 48 : i32
        %parallel_loop3A_1231 = arith.constant 1 : i32
        %parallel_loop3A_1232:2 = scf.for %parallel_loop3A_1239 = %parallel_loop3A to %parallel_loop3A_1230 step %parallel_loop3A_1231 iter_args(%parallel_loop3A_1240 = %broadcast_in_dim3A_114, %parallel_loop3A_1241 = %broadcast_in_dim3A_114) -> (vector<16xf32>, vector<16xf32>)  : i32 {
          %parallel_loop3A_1242 = arith.constant 16 : i32
          %parallel_loop3A_1243 = arith.muli %parallel_loop3A_1239, %parallel_loop3A_1242 : i32
          %parallel_loop3A_1244 = arith.index_cast %scan3A_1220 : i32 to index
          %parallel_loop3A_1245 = arith.index_cast %parallel_loop3A_1243 : i32 to index
          %parallel_loop3A_1246 = tpu.vector_load %arg14[%parallel_loop3A_1244, %parallel_loop3A_1245] {strides = array<i32>} : memref<16x768xf32, #tpu.memory_space<vmem>>, vector<16xf32>,
          %parallel_loop3A_1247 = arith.index_cast %add3A_1229 : i32 to index
          %parallel_loop3A_1248 = arith.index_cast %parallel_loop3A_1243 : i32 to index
          %parallel_loop3A_1249 = tpu.vector_load %arg12[%parallel_loop3A_1247, %parallel_loop3A_1248] {strides = array<i32>} : memref<32x768xf32, #tpu.memory_space<vmem>>, vector<16xf32>,
          %parallel_loop3A_1250 = arith.addf %parallel_loop3A_1246, %parallel_loop3A_1249 : vector<16xf32>
          %parallel_loop3A_1251 = arith.index_cast %scan3A_1220 : i32 to index
          %parallel_loop3A_1252 = arith.index_cast %parallel_loop3A_1243 : i32 to index
          %parallel_loop3A_1253 = tpu.vector_load %arg16[%parallel_loop3A_1251, %parallel_loop3A_1252] {strides = array<i32>} : memref<16x768xf32, #tpu.memory_space<vmem>>, vector<16xf32>,
          tpu.vector_store %arg16[%parallel_loop3A_1251, %parallel_loop3A_1252], %parallel_loop3A_1250 {strides = array<i32>} : memref<16x768xf32, #tpu.memory_space<vmem>>, vector<16xf32>,
          %parallel_loop3A_1254 = arith.addf %parallel_loop3A_1240, %parallel_loop3A_1250 : vector<16xf32>
          %parallel_loop3A_1255 = arith.mulf %parallel_loop3A_1250, %parallel_loop3A_1250 : vector<16xf32>
          %parallel_loop3A_1256 = arith.addf %parallel_loop3A_1241, %parallel_loop3A_1255 : vector<16xf32>
          scf.yield %parallel_loop3A_1254, %parallel_loop3A_1256 : vector<16xf32>, vector<16xf32>
        } {sc.loop_unroll_factor = 8 : i64, sc.parallel_access}
        %swap3A = arith.index_cast %scan3A_1220 : i32 to index
        %swap3A_1233 = arith.constant 0 : index
        %swap3A_1234 = tpu.vector_load %arg21[%swap3A, %swap3A_1233] {strides = array<i32>} : memref<16x17xf32, #tpu.memory_space<vmem>>, vector<16xf32>,
        tpu.vector_store %arg21[%swap3A, %swap3A_1233], %parallel_loop3A_1232#0 {strides = array<i32>} : memref<16x17xf32, #tpu.memory_space<vmem>>, vector<16xf32>,
        %swap3A_1235 = arith.index_cast %scan3A_1220 : i32 to index
        %swap3A_1236 = arith.constant 0 : index
        %swap3A_1237 = tpu.vector_load %arg22[%swap3A_1235, %swap3A_1236] {strides = array<i32>} : memref<16x17xf32, #tpu.memory_space<vmem>>, vector<16xf32>,
        tpu.vector_store %arg22[%swap3A_1235, %swap3A_1236], %parallel_loop3A_1232#1 {strides = array<i32>} : memref<16x17xf32, #tpu.memory_space<vmem>>, vector<16xf32>,
        %scan3A_1238 = arith.constant 0 : i32
        scf.yield %scan3A_1238 : i32
      }
      %scan3A_696 = arith.constant 16 : i32
      %get3A_697 = arith.constant 0 : i32
      %get3A_698 = arith.index_cast %get3A_697 : i32 to index
      %get3A_699 = arith.constant 0 : index
      %get3A_700 = tpu.vector_load %arg21[%get3A_698, %get3A_699] {strides = array<i32>} : memref<16x17xf32, #tpu.memory_space<vmem>>, vector<16xf32>,
      %get3A_701 = arith.constant 1 : i32
      %get3A_702 = arith.index_cast %get3A_701 : i32 to index
      %get3A_703 = arith.constant 0 : index
      %get3A_704 = tpu.vector_load %arg21[%get3A_702, %get3A_703] {strides = array<i32>} : memref<16x17xf32, #tpu.memory_space<vmem>>, vector<16xf32>,
      %get3A_705 = arith.constant 2 : i32
      %get3A_706 = arith.index_cast %get3A_705 : i32 to index
      %get3A_707 = arith.constant 0 : index
      %get3A_708 = tpu.vector_load %arg21[%get3A_706, %get3A_707] {strides = array<i32>} : memref<16x17xf32, #tpu.memory_space<vmem>>, vector<16xf32>,
      %get3A_709 = arith.constant 3 : i32
      %get3A_710 = arith.index_cast %get3A_709 : i32 to index
      %get3A_711 = arith.constant 0 : index
      %get3A_712 = tpu.vector_load %arg21[%get3A_710, %get3A_711] {strides = array<i32>} : memref<16x17xf32, #tpu.memory_space<vmem>>, vector<16xf32>,
      %get3A_713 = arith.constant 4 : i32
      %get3A_714 = arith.index_cast %get3A_713 : i32 to index
      %get3A_715 = arith.constant 0 : index
      %get3A_716 = tpu.vector_load %arg21[%get3A_714, %get3A_715] {strides = array<i32>} : memref<16x17xf32, #tpu.memory_space<vmem>>, vector<16xf32>,
      %get3A_717 = arith.constant 5 : i32
      %get3A_718 = arith.index_cast %get3A_717 : i32 to index
      %get3A_719 = arith.constant 0 : index
      %get3A_720 = tpu.vector_load %arg21[%get3A_718, %get3A_719] {strides = array<i32>} : memref<16x17xf32, #tpu.memory_space<vmem>>, vector<16xf32>,
      %get3A_721 = arith.constant 6 : i32
      %get3A_722 = arith.index_cast %get3A_721 : i32 to index
      %get3A_723 = arith.constant 0 : index
      %get3A_724 = tpu.vector_load %arg21[%get3A_722, %get3A_723] {strides = array<i32>} : memref<16x17xf32, #tpu.memory_space<vmem>>, vector<16xf32>,
      %get3A_725 = arith.constant 7 : i32
      %get3A_726 = arith.index_cast %get3A_725 : i32 to index
      %get3A_727 = arith.constant 0 : index
      %get3A_728 = tpu.vector_load %arg21[%get3A_726, %get3A_727] {strides = array<i32>} : memref<16x17xf32, #tpu.memory_space<vmem>>, vector<16xf32>,
      %get3A_729 = arith.constant 8 : i32
      %get3A_730 = arith.index_cast %get3A_729 : i32 to index
      %get3A_731 = arith.constant 0 : index
      %get3A_732 = tpu.vector_load %arg21[%get3A_730, %get3A_731] {strides = array<i32>} : memref<16x17xf32, #tpu.memory_space<vmem>>, vector<16xf32>,
      %get3A_733 = arith.constant 9 : i32
      %get3A_734 = arith.index_cast %get3A_733 : i32 to index
      %get3A_735 = arith.constant 0 : index
      %get3A_736 = tpu.vector_load %arg21[%get3A_734, %get3A_735] {strides = array<i32>} : memref<16x17xf32, #tpu.memory_space<vmem>>, vector<16xf32>,
      %get3A_737 = arith.constant 10 : i32
      %get3A_738 = arith.index_cast %get3A_737 : i32 to index
      %get3A_739 = arith.constant 0 : index
      %get3A_740 = tpu.vector_load %arg21[%get3A_738, %get3A_739] {strides = array<i32>} : memref<16x17xf32, #tpu.memory_space<vmem>>, vector<16xf32>,
      %get3A_741 = arith.constant 11 : i32
      %get3A_742 = arith.index_cast %get3A_741 : i32 to index
      %get3A_743 = arith.constant 0 : index
      %get3A_744 = tpu.vector_load %arg21[%get3A_742, %get3A_743] {strides = array<i32>} : memref<16x17xf32, #tpu.memory_space<vmem>>, vector<16xf32>,
      %get3A_745 = arith.constant 12 : i32
      %get3A_746 = arith.index_cast %get3A_745 : i32 to index
      %get3A_747 = arith.constant 0 : index
      %get3A_748 = tpu.vector_load %arg21[%get3A_746, %get3A_747] {strides = array<i32>} : memref<16x17xf32, #tpu.memory_space<vmem>>, vector<16xf32>,
      %get3A_749 = arith.constant 13 : i32
      %get3A_750 = arith.index_cast %get3A_749 : i32 to index
      %get3A_751 = arith.constant 0 : index
      %get3A_752 = tpu.vector_load %arg21[%get3A_750, %get3A_751] {strides = array<i32>} : memref<16x17xf32, #tpu.memory_space<vmem>>, vector<16xf32>,
      %get3A_753 = arith.constant 14 : i32
      %get3A_754 = arith.index_cast %get3A_753 : i32 to index
      %get3A_755 = arith.constant 0 : index
      %get3A_756 = tpu.vector_load %arg21[%get3A_754, %get3A_755] {strides = array<i32>} : memref<16x17xf32, #tpu.memory_space<vmem>>, vector<16xf32>,
      %get3A_757 = arith.constant 15 : i32
      %get3A_758 = arith.index_cast %get3A_757 : i32 to index
      %get3A_759 = arith.constant 0 : index
      %get3A_760 = tpu.vector_load %arg21[%get3A_758, %get3A_759] {strides = array<i32>} : memref<16x17xf32, #tpu.memory_space<vmem>>, vector<16xf32>,
      %xor3A_761 = arith.constant 1 : i32
      %xor3A_762 = vector.broadcast %xor3A_761 : i32 to vector<16xi32>
      %xor3A_763 = arith.xori %iota3A, %xor3A_762 : vector<16xi32>
      %and3A_764 = arith.constant 1 : i32
      %and3A_765 = vector.broadcast %and3A_764 : i32 to vector<16xi32>
      %and3A_766 = arith.andi %iota3A, %and3A_765 : vector<16xi32>
      %eq3A_767 = arith.constant 0 : i32
      %eq3A_768 = vector.broadcast %eq3A_767 : i32 to vector<16xi32>
      %eq3A_769 = arith.cmpi eq, %and3A_766, %eq3A_768 : vector<16xi32>
      %broadcast_in_dim3A_770 = vector.shape_cast %xor3A_763 : vector<16xi32> to vector<16x1xi32>
      %gather3A_771 = vector.shape_cast %broadcast_in_dim3A_770 : vector<16x1xi32> to vector<16xi32>
      %gather3A_772 = tpu.dynamic_gather %get3A_700[%gather3A_771] in [0] : vector<16xf32>, vector<16xi32> -> vector<16xf32>
      %add3A_773 = arith.addf %get3A_700, %gather3A_772 : vector<16xf32>
      %broadcast_in_dim3A_774 = vector.shape_cast %xor3A_763 : vector<16xi32> to vector<16x1xi32>
      %gather3A_775 = vector.shape_cast %broadcast_in_dim3A_774 : vector<16x1xi32> to vector<16xi32>
      %gather3A_776 = tpu.dynamic_gather %get3A_704[%gather3A_775] in [0] : vector<16xf32>, vector<16xi32> -> vector<16xf32>
      %add3A_777 = arith.addf %get3A_704, %gather3A_776 : vector<16xf32>
      %select_n3A_778 = arith.select %eq3A_769, %add3A_773, %add3A_777 : vector<16xi1>, vector<16xf32>
      %broadcast_in_dim3A_779 = vector.shape_cast %xor3A_763 : vector<16xi32> to vector<16x1xi32>
      %gather3A_780 = vector.shape_cast %broadcast_in_dim3A_779 : vector<16x1xi32> to vector<16xi32>
      %gather3A_781 = tpu.dynamic_gather %get3A_708[%gather3A_780] in [0] : vector<16xf32>, vector<16xi32> -> vector<16xf32>
      %add3A_782 = arith.addf %get3A_708, %gather3A_781 : vector<16xf32>
      %broadcast_in_dim3A_783 = vector.shape_cast %xor3A_763 : vector<16xi32> to vector<16x1xi32>
      %gather3A_784 = vector.shape_cast %broadcast_in_dim3A_783 : vector<16x1xi32> to vector<16xi32>
      %gather3A_785 = tpu.dynamic_gather %get3A_712[%gather3A_784] in [0] : vector<16xf32>, vector<16xi32> -> vector<16xf32>
      %add3A_786 = arith.addf %get3A_712, %gather3A_785 : vector<16xf32>
      %select_n3A_787 = arith.select %eq3A_769, %add3A_782, %add3A_786 : vector<16xi1>, vector<16xf32>
      %broadcast_in_dim3A_788 = vector.shape_cast %xor3A_763 : vector<16xi32> to vector<16x1xi32>
      %gather3A_789 = vector.shape_cast %broadcast_in_dim3A_788 : vector<16x1xi32> to vector<16xi32>
      %gather3A_790 = tpu.dynamic_gather %get3A_716[%gather3A_789] in [0] : vector<16xf32>, vector<16xi32> -> vector<16xf32>
      %add3A_791 = arith.addf %get3A_716, %gather3A_790 : vector<16xf32>
      %broadcast_in_dim3A_792 = vector.shape_cast %xor3A_763 : vector<16xi32> to vector<16x1xi32>
      %gather3A_793 = vector.shape_cast %broadcast_in_dim3A_792 : vector<16x1xi32> to vector<16xi32>
      %gather3A_794 = tpu.dynamic_gather %get3A_720[%gather3A_793] in [0] : vector<16xf32>, vector<16xi32> -> vector<16xf32>
      %add3A_795 = arith.addf %get3A_720, %gather3A_794 : vector<16xf32>
      %select_n3A_796 = arith.select %eq3A_769, %add3A_791, %add3A_795 : vector<16xi1>, vector<16xf32>
      %broadcast_in_dim3A_797 = vector.shape_cast %xor3A_763 : vector<16xi32> to vector<16x1xi32>
      %gather3A_798 = vector.shape_cast %broadcast_in_dim3A_797 : vector<16x1xi32> to vector<16xi32>
      %gather3A_799 = tpu.dynamic_gather %get3A_724[%gather3A_798] in [0] : vector<16xf32>, vector<16xi32> -> vector<16xf32>
      %add3A_800 = arith.addf %get3A_724, %gather3A_799 : vector<16xf32>
      %broadcast_in_dim3A_801 = vector.shape_cast %xor3A_763 : vector<16xi32> to vector<16x1xi32>
      %gather3A_802 = vector.shape_cast %broadcast_in_dim3A_801 : vector<16x1xi32> to vector<16xi32>
      %gather3A_803 = tpu.dynamic_gather %get3A_728[%gather3A_802] in [0] : vector<16xf32>, vector<16xi32> -> vector<16xf32>
      %add3A_804 = arith.addf %get3A_728, %gather3A_803 : vector<16xf32>
      %select_n3A_805 = arith.select %eq3A_769, %add3A_800, %add3A_804 : vector<16xi1>, vector<16xf32>
      %broadcast_in_dim3A_806 = vector.shape_cast %xor3A_763 : vector<16xi32> to vector<16x1xi32>
      %gather3A_807 = vector.shape_cast %broadcast_in_dim3A_806 : vector<16x1xi32> to vector<16xi32>
      %gather3A_808 = tpu.dynamic_gather %get3A_732[%gather3A_807] in [0] : vector<16xf32>, vector<16xi32> -> vector<16xf32>
      %add3A_809 = arith.addf %get3A_732, %gather3A_808 : vector<16xf32>
      %broadcast_in_dim3A_810 = vector.shape_cast %xor3A_763 : vector<16xi32> to vector<16x1xi32>
      %gather3A_811 = vector.shape_cast %broadcast_in_dim3A_810 : vector<16x1xi32> to vector<16xi32>
      %gather3A_812 = tpu.dynamic_gather %get3A_736[%gather3A_811] in [0] : vector<16xf32>, vector<16xi32> -> vector<16xf32>
      %add3A_813 = arith.addf %get3A_736, %gather3A_812 : vector<16xf32>
      %select_n3A_814 = arith.select %eq3A_769, %add3A_809, %add3A_813 : vector<16xi1>, vector<16xf32>
      %broadcast_in_dim3A_815 = vector.shape_cast %xor3A_763 : vector<16xi32> to vector<16x1xi32>
      %gather3A_816 = vector.shape_cast %broadcast_in_dim3A_815 : vector<16x1xi32> to vector<16xi32>
      %gather3A_817 = tpu.dynamic_gather %get3A_740[%gather3A_816] in [0] : vector<16xf32>, vector<16xi32> -> vector<16xf32>
      %add3A_818 = arith.addf %get3A_740, %gather3A_817 : vector<16xf32>
      %broadcast_in_dim3A_819 = vector.shape_cast %xor3A_763 : vector<16xi32> to vector<16x1xi32>
      %gather3A_820 = vector.shape_cast %broadcast_in_dim3A_819 : vector<16x1xi32> to vector<16xi32>
      %gather3A_821 = tpu.dynamic_gather %get3A_744[%gather3A_820] in [0] : vector<16xf32>, vector<16xi32> -> vector<16xf32>
      %add3A_822 = arith.addf %get3A_744, %gather3A_821 : vector<16xf32>
      %select_n3A_823 = arith.select %eq3A_769, %add3A_818, %add3A_822 : vector<16xi1>, vector<16xf32>
      %broadcast_in_dim3A_824 = vector.shape_cast %xor3A_763 : vector<16xi32> to vector<16x1xi32>
      %gather3A_825 = vector.shape_cast %broadcast_in_dim3A_824 : vector<16x1xi32> to vector<16xi32>
      %gather3A_826 = tpu.dynamic_gather %get3A_748[%gather3A_825] in [0] : vector<16xf32>, vector<16xi32> -> vector<16xf32>
      %add3A_827 = arith.addf %get3A_748, %gather3A_826 : vector<16xf32>
      %broadcast_in_dim3A_828 = vector.shape_cast %xor3A_763 : vector<16xi32> to vector<16x1xi32>
      %gather3A_829 = vector.shape_cast %broadcast_in_dim3A_828 : vector<16x1xi32> to vector<16xi32>
      %gather3A_830 = tpu.dynamic_gather %get3A_752[%gather3A_829] in [0] : vector<16xf32>, vector<16xi32> -> vector<16xf32>
      %add3A_831 = arith.addf %get3A_752, %gather3A_830 : vector<16xf32>
      %select_n3A_832 = arith.select %eq3A_769, %add3A_827, %add3A_831 : vector<16xi1>, vector<16xf32>
      %broadcast_in_dim3A_833 = vector.shape_cast %xor3A_763 : vector<16xi32> to vector<16x1xi32>
      %gather3A_834 = vector.shape_cast %broadcast_in_dim3A_833 : vector<16x1xi32> to vector<16xi32>
      %gather3A_835 = tpu.dynamic_gather %get3A_756[%gather3A_834] in [0] : vector<16xf32>, vector<16xi32> -> vector<16xf32>
      %add3A_836 = arith.addf %get3A_756, %gather3A_835 : vector<16xf32>
      %broadcast_in_dim3A_837 = vector.shape_cast %xor3A_763 : vector<16xi32> to vector<16x1xi32>
      %gather3A_838 = vector.shape_cast %broadcast_in_dim3A_837 : vector<16x1xi32> to vector<16xi32>
      %gather3A_839 = tpu.dynamic_gather %get3A_760[%gather3A_838] in [0] : vector<16xf32>, vector<16xi32> -> vector<16xf32>
      %add3A_840 = arith.addf %get3A_760, %gather3A_839 : vector<16xf32>
      %select_n3A_841 = arith.select %eq3A_769, %add3A_836, %add3A_840 : vector<16xi1>, vector<16xf32>
      %xor3A_842 = arith.constant 2 : i32
      %xor3A_843 = vector.broadcast %xor3A_842 : i32 to vector<16xi32>
      %xor3A_844 = arith.xori %iota3A, %xor3A_843 : vector<16xi32>
      %and3A_845 = arith.constant 2 : i32
      %and3A_846 = vector.broadcast %and3A_845 : i32 to vector<16xi32>
      %and3A_847 = arith.andi %iota3A, %and3A_846 : vector<16xi32>
      %eq3A_848 = arith.constant 0 : i32
      %eq3A_849 = vector.broadcast %eq3A_848 : i32 to vector<16xi32>
      %eq3A_850 = arith.cmpi eq, %and3A_847, %eq3A_849 : vector<16xi32>
      %broadcast_in_dim3A_851 = vector.shape_cast %xor3A_844 : vector<16xi32> to vector<16x1xi32>
      %gather3A_852 = vector.shape_cast %broadcast_in_dim3A_851 : vector<16x1xi32> to vector<16xi32>
      %gather3A_853 = tpu.dynamic_gather %select_n3A_778[%gather3A_852] in [0] : vector<16xf32>, vector<16xi32> -> vector<16xf32>
      %add3A_854 = arith.addf %select_n3A_778, %gather3A_853 : vector<16xf32>
      %broadcast_in_dim3A_855 = vector.shape_cast %xor3A_844 : vector<16xi32> to vector<16x1xi32>
      %gather3A_856 = vector.shape_cast %broadcast_in_dim3A_855 : vector<16x1xi32> to vector<16xi32>
      %gather3A_857 = tpu.dynamic_gather %select_n3A_787[%gather3A_856] in [0] : vector<16xf32>, vector<16xi32> -> vector<16xf32>
      %add3A_858 = arith.addf %select_n3A_787, %gather3A_857 : vector<16xf32>
      %select_n3A_859 = arith.select %eq3A_850, %add3A_854, %add3A_858 : vector<16xi1>, vector<16xf32>
      %broadcast_in_dim3A_860 = vector.shape_cast %xor3A_844 : vector<16xi32> to vector<16x1xi32>
      %gather3A_861 = vector.shape_cast %broadcast_in_dim3A_860 : vector<16x1xi32> to vector<16xi32>
      %gather3A_862 = tpu.dynamic_gather %select_n3A_796[%gather3A_861] in [0] : vector<16xf32>, vector<16xi32> -> vector<16xf32>
      %add3A_863 = arith.addf %select_n3A_796, %gather3A_862 : vector<16xf32>
      %broadcast_in_dim3A_864 = vector.shape_cast %xor3A_844 : vector<16xi32> to vector<16x1xi32>
      %gather3A_865 = vector.shape_cast %broadcast_in_dim3A_864 : vector<16x1xi32> to vector<16xi32>
      %gather3A_866 = tpu.dynamic_gather %select_n3A_805[%gather3A_865] in [0] : vector<16xf32>, vector<16xi32> -> vector<16xf32>
      %add3A_867 = arith.addf %select_n3A_805, %gather3A_866 : vector<16xf32>
      %select_n3A_868 = arith.select %eq3A_850, %add3A_863, %add3A_867 : vector<16xi1>, vector<16xf32>
      %broadcast_in_dim3A_869 = vector.shape_cast %xor3A_844 : vector<16xi32> to vector<16x1xi32>
      %gather3A_870 = vector.shape_cast %broadcast_in_dim3A_869 : vector<16x1xi32> to vector<16xi32>
      %gather3A_871 = tpu.dynamic_gather %select_n3A_814[%gather3A_870] in [0] : vector<16xf32>, vector<16xi32> -> vector<16xf32>
      %add3A_872 = arith.addf %select_n3A_814, %gather3A_871 : vector<16xf32>
      %broadcast_in_dim3A_873 = vector.shape_cast %xor3A_844 : vector<16xi32> to vector<16x1xi32>
      %gather3A_874 = vector.shape_cast %broadcast_in_dim3A_873 : vector<16x1xi32> to vector<16xi32>
      %gather3A_875 = tpu.dynamic_gather %select_n3A_823[%gather3A_874] in [0] : vector<16xf32>, vector<16xi32> -> vector<16xf32>
      %add3A_876 = arith.addf %select_n3A_823, %gather3A_875 : vector<16xf32>
      %select_n3A_877 = arith.select %eq3A_850, %add3A_872, %add3A_876 : vector<16xi1>, vector<16xf32>
      %broadcast_in_dim3A_878 = vector.shape_cast %xor3A_844 : vector<16xi32> to vector<16x1xi32>
      %gather3A_879 = vector.shape_cast %broadcast_in_dim3A_878 : vector<16x1xi32> to vector<16xi32>
      %gather3A_880 = tpu.dynamic_gather %select_n3A_832[%gather3A_879] in [0] : vector<16xf32>, vector<16xi32> -> vector<16xf32>
      %add3A_881 = arith.addf %select_n3A_832, %gather3A_880 : vector<16xf32>
      %broadcast_in_dim3A_882 = vector.shape_cast %xor3A_844 : vector<16xi32> to vector<16x1xi32>
      %gather3A_883 = vector.shape_cast %broadcast_in_dim3A_882 : vector<16x1xi32> to vector<16xi32>
      %gather3A_884 = tpu.dynamic_gather %select_n3A_841[%gather3A_883] in [0] : vector<16xf32>, vector<16xi32> -> vector<16xf32>
      %add3A_885 = arith.addf %select_n3A_841, %gather3A_884 : vector<16xf32>
      %select_n3A_886 = arith.select %eq3A_850, %add3A_881, %add3A_885 : vector<16xi1>, vector<16xf32>
      %xor3A_887 = arith.constant 4 : i32
      %xor3A_888 = vector.broadcast %xor3A_887 : i32 to vector<16xi32>
      %xor3A_889 = arith.xori %iota3A, %xor3A_888 : vector<16xi32>
      %and3A_890 = arith.constant 4 : i32
      %and3A_891 = vector.broadcast %and3A_890 : i32 to vector<16xi32>
      %and3A_892 = arith.andi %iota3A, %and3A_891 : vector<16xi32>
      %eq3A_893 = arith.constant 0 : i32
      %eq3A_894 = vector.broadcast %eq3A_893 : i32 to vector<16xi32>
      %eq3A_895 = arith.cmpi eq, %and3A_892, %eq3A_894 : vector<16xi32>
      %broadcast_in_dim3A_896 = vector.shape_cast %xor3A_889 : vector<16xi32> to vector<16x1xi32>
      %gather3A_897 = vector.shape_cast %broadcast_in_dim3A_896 : vector<16x1xi32> to vector<16xi32>
      %gather3A_898 = tpu.dynamic_gather %select_n3A_859[%gather3A_897] in [0] : vector<16xf32>, vector<16xi32> -> vector<16xf32>
      %add3A_899 = arith.addf %select_n3A_859, %gather3A_898 : vector<16xf32>
      %broadcast_in_dim3A_900 = vector.shape_cast %xor3A_889 : vector<16xi32> to vector<16x1xi32>
      %gather3A_901 = vector.shape_cast %broadcast_in_dim3A_900 : vector<16x1xi32> to vector<16xi32>
      %gather3A_902 = tpu.dynamic_gather %select_n3A_868[%gather3A_901] in [0] : vector<16xf32>, vector<16xi32> -> vector<16xf32>
      %add3A_903 = arith.addf %select_n3A_868, %gather3A_902 : vector<16xf32>
      %select_n3A_904 = arith.select %eq3A_895, %add3A_899, %add3A_903 : vector<16xi1>, vector<16xf32>
      %broadcast_in_dim3A_905 = vector.shape_cast %xor3A_889 : vector<16xi32> to vector<16x1xi32>
      %gather3A_906 = vector.shape_cast %broadcast_in_dim3A_905 : vector<16x1xi32> to vector<16xi32>
      %gather3A_907 = tpu.dynamic_gather %select_n3A_877[%gather3A_906] in [0] : vector<16xf32>, vector<16xi32> -> vector<16xf32>
      %add3A_908 = arith.addf %select_n3A_877, %gather3A_907 : vector<16xf32>
      %broadcast_in_dim3A_909 = vector.shape_cast %xor3A_889 : vector<16xi32> to vector<16x1xi32>
      %gather3A_910 = vector.shape_cast %broadcast_in_dim3A_909 : vector<16x1xi32> to vector<16xi32>
      %gather3A_911 = tpu.dynamic_gather %select_n3A_886[%gather3A_910] in [0] : vector<16xf32>, vector<16xi32> -> vector<16xf32>
      %add3A_912 = arith.addf %select_n3A_886, %gather3A_911 : vector<16xf32>
      %select_n3A_913 = arith.select %eq3A_895, %add3A_908, %add3A_912 : vector<16xi1>, vector<16xf32>
      %xor3A_914 = arith.constant 8 : i32
      %xor3A_915 = vector.broadcast %xor3A_914 : i32 to vector<16xi32>
      %xor3A_916 = arith.xori %iota3A, %xor3A_915 : vector<16xi32>
      %and3A_917 = arith.constant 8 : i32
      %and3A_918 = vector.broadcast %and3A_917 : i32 to vector<16xi32>
      %and3A_919 = arith.andi %iota3A, %and3A_918 : vector<16xi32>
      %eq3A_920 = arith.constant 0 : i32
      %eq3A_921 = vector.broadcast %eq3A_920 : i32 to vector<16xi32>
      %eq3A_922 = arith.cmpi eq, %and3A_919, %eq3A_921 : vector<16xi32>
      %broadcast_in_dim3A_923 = vector.shape_cast %xor3A_916 : vector<16xi32> to vector<16x1xi32>
      %gather3A_924 = vector.shape_cast %broadcast_in_dim3A_923 : vector<16x1xi32> to vector<16xi32>
      %gather3A_925 = tpu.dynamic_gather %select_n3A_904[%gather3A_924] in [0] : vector<16xf32>, vector<16xi32> -> vector<16xf32>
      %add3A_926 = arith.addf %select_n3A_904, %gather3A_925 : vector<16xf32>
      %broadcast_in_dim3A_927 = vector.shape_cast %xor3A_916 : vector<16xi32> to vector<16x1xi32>
      %gather3A_928 = vector.shape_cast %broadcast_in_dim3A_927 : vector<16x1xi32> to vector<16xi32>
      %gather3A_929 = tpu.dynamic_gather %select_n3A_913[%gather3A_928] in [0] : vector<16xf32>, vector<16xi32> -> vector<16xf32>
      %add3A_930 = arith.addf %select_n3A_913, %gather3A_929 : vector<16xf32>
      %select_n3A_931 = arith.select %eq3A_922, %add3A_926, %add3A_930 : vector<16xi1>, vector<16xf32>
      %mul3A_932 = vector.broadcast %scan3A_118 : f32 to vector<16xf32>
      %mul3A_933 = arith.mulf %select_n3A_931, %mul3A_932 : vector<16xf32>
      %get3A_934 = arith.constant 0 : i32
      %get3A_935 = arith.index_cast %get3A_934 : i32 to index
      %get3A_936 = arith.constant 0 : index
      %get3A_937 = tpu.vector_load %arg22[%get3A_935, %get3A_936] {strides = array<i32>} : memref<16x17xf32, #tpu.memory_space<vmem>>, vector<16xf32>,
      %get3A_938 = arith.constant 1 : i32
      %get3A_939 = arith.index_cast %get3A_938 : i32 to index
      %get3A_940 = arith.constant 0 : index
      %get3A_941 = tpu.vector_load %arg22[%get3A_939, %get3A_940] {strides = array<i32>} : memref<16x17xf32, #tpu.memory_space<vmem>>, vector<16xf32>,
      %get3A_942 = arith.constant 2 : i32
      %get3A_943 = arith.index_cast %get3A_942 : i32 to index
      %get3A_944 = arith.constant 0 : index
      %get3A_945 = tpu.vector_load %arg22[%get3A_943, %get3A_944] {strides = array<i32>} : memref<16x17xf32, #tpu.memory_space<vmem>>, vector<16xf32>,
      %get3A_946 = arith.constant 3 : i32
      %get3A_947 = arith.index_cast %get3A_946 : i32 to index
      %get3A_948 = arith.constant 0 : index
      %get3A_949 = tpu.vector_load %arg22[%get3A_947, %get3A_948] {strides = array<i32>} : memref<16x17xf32, #tpu.memory_space<vmem>>, vector<16xf32>,
      %get3A_950 = arith.constant 4 : i32
      %get3A_951 = arith.index_cast %get3A_950 : i32 to index
      %get3A_952 = arith.constant 0 : index
      %get3A_953 = tpu.vector_load %arg22[%get3A_951, %get3A_952] {strides = array<i32>} : memref<16x17xf32, #tpu.memory_space<vmem>>, vector<16xf32>,
      %get3A_954 = arith.constant 5 : i32
      %get3A_955 = arith.index_cast %get3A_954 : i32 to index
      %get3A_956 = arith.constant 0 : index
      %get3A_957 = tpu.vector_load %arg22[%get3A_955, %get3A_956] {strides = array<i32>} : memref<16x17xf32, #tpu.memory_space<vmem>>, vector<16xf32>,
      %get3A_958 = arith.constant 6 : i32
      %get3A_959 = arith.index_cast %get3A_958 : i32 to index
      %get3A_960 = arith.constant 0 : index
      %get3A_961 = tpu.vector_load %arg22[%get3A_959, %get3A_960] {strides = array<i32>} : memref<16x17xf32, #tpu.memory_space<vmem>>, vector<16xf32>,
      %get3A_962 = arith.constant 7 : i32
      %get3A_963 = arith.index_cast %get3A_962 : i32 to index
      %get3A_964 = arith.constant 0 : index
      %get3A_965 = tpu.vector_load %arg22[%get3A_963, %get3A_964] {strides = array<i32>} : memref<16x17xf32, #tpu.memory_space<vmem>>, vector<16xf32>,
      %get3A_966 = arith.constant 8 : i32
      %get3A_967 = arith.index_cast %get3A_966 : i32 to index
      %get3A_968 = arith.constant 0 : index
      %get3A_969 = tpu.vector_load %arg22[%get3A_967, %get3A_968] {strides = array<i32>} : memref<16x17xf32, #tpu.memory_space<vmem>>, vector<16xf32>,
      %get3A_970 = arith.constant 9 : i32
      %get3A_971 = arith.index_cast %get3A_970 : i32 to index
      %get3A_972 = arith.constant 0 : index
      %get3A_973 = tpu.vector_load %arg22[%get3A_971, %get3A_972] {strides = array<i32>} : memref<16x17xf32, #tpu.memory_space<vmem>>, vector<16xf32>,
      %get3A_974 = arith.constant 10 : i32
      %get3A_975 = arith.index_cast %get3A_974 : i32 to index
      %get3A_976 = arith.constant 0 : index
      %get3A_977 = tpu.vector_load %arg22[%get3A_975, %get3A_976] {strides = array<i32>} : memref<16x17xf32, #tpu.memory_space<vmem>>, vector<16xf32>,
      %get3A_978 = arith.constant 11 : i32
      %get3A_979 = arith.index_cast %get3A_978 : i32 to index
      %get3A_980 = arith.constant 0 : index
      %get3A_981 = tpu.vector_load %arg22[%get3A_979, %get3A_980] {strides = array<i32>} : memref<16x17xf32, #tpu.memory_space<vmem>>, vector<16xf32>,
      %get3A_982 = arith.constant 12 : i32
      %get3A_983 = arith.index_cast %get3A_982 : i32 to index
      %get3A_984 = arith.constant 0 : index
      %get3A_985 = tpu.vector_load %arg22[%get3A_983, %get3A_984] {strides = array<i32>} : memref<16x17xf32, #tpu.memory_space<vmem>>, vector<16xf32>,
      %get3A_986 = arith.constant 13 : i32
      %get3A_987 = arith.index_cast %get3A_986 : i32 to index
      %get3A_988 = arith.constant 0 : index
      %get3A_989 = tpu.vector_load %arg22[%get3A_987, %get3A_988] {strides = array<i32>} : memref<16x17xf32, #tpu.memory_space<vmem>>, vector<16xf32>,
      %get3A_990 = arith.constant 14 : i32
      %get3A_991 = arith.index_cast %get3A_990 : i32 to index
      %get3A_992 = arith.constant 0 : index
      %get3A_993 = tpu.vector_load %arg22[%get3A_991, %get3A_992] {strides = array<i32>} : memref<16x17xf32, #tpu.memory_space<vmem>>, vector<16xf32>,
      %get3A_994 = arith.constant 15 : i32
      %get3A_995 = arith.index_cast %get3A_994 : i32 to index
      %get3A_996 = arith.constant 0 : index
      %get3A_997 = tpu.vector_load %arg22[%get3A_995, %get3A_996] {strides = array<i32>} : memref<16x17xf32, #tpu.memory_space<vmem>>, vector<16xf32>,
      %xor3A_998 = arith.constant 1 : i32
      %xor3A_999 = vector.broadcast %xor3A_998 : i32 to vector<16xi32>
      %xor3A_1000 = arith.xori %iota3A, %xor3A_999 : vector<16xi32>
      %and3A_1001 = arith.constant 1 : i32
      %and3A_1002 = vector.broadcast %and3A_1001 : i32 to vector<16xi32>
      %and3A_1003 = arith.andi %iota3A, %and3A_1002 : vector<16xi32>
      %eq3A_1004 = arith.constant 0 : i32
      %eq3A_1005 = vector.broadcast %eq3A_1004 : i32 to vector<16xi32>
      %eq3A_1006 = arith.cmpi eq, %and3A_1003, %eq3A_1005 : vector<16xi32>
      %broadcast_in_dim3A_1007 = vector.shape_cast %xor3A_1000 : vector<16xi32> to vector<16x1xi32>
      %gather3A_1008 = vector.shape_cast %broadcast_in_dim3A_1007 : vector<16x1xi32> to vector<16xi32>
      %gather3A_1009 = tpu.dynamic_gather %get3A_937[%gather3A_1008] in [0] : vector<16xf32>, vector<16xi32> -> vector<16xf32>
      %add3A_1010 = arith.addf %get3A_937, %gather3A_1009 : vector<16xf32>
      %broadcast_in_dim3A_1011 = vector.shape_cast %xor3A_1000 : vector<16xi32> to vector<16x1xi32>
      %gather3A_1012 = vector.shape_cast %broadcast_in_dim3A_1011 : vector<16x1xi32> to vector<16xi32>
      %gather3A_1013 = tpu.dynamic_gather %get3A_941[%gather3A_1012] in [0] : vector<16xf32>, vector<16xi32> -> vector<16xf32>
      %add3A_1014 = arith.addf %get3A_941, %gather3A_1013 : vector<16xf32>
      %select_n3A_1015 = arith.select %eq3A_1006, %add3A_1010, %add3A_1014 : vector<16xi1>, vector<16xf32>
      %broadcast_in_dim3A_1016 = vector.shape_cast %xor3A_1000 : vector<16xi32> to vector<16x1xi32>
      %gather3A_1017 = vector.shape_cast %broadcast_in_dim3A_1016 : vector<16x1xi32> to vector<16xi32>
      %gather3A_1018 = tpu.dynamic_gather %get3A_945[%gather3A_1017] in [0] : vector<16xf32>, vector<16xi32> -> vector<16xf32>
      %add3A_1019 = arith.addf %get3A_945, %gather3A_1018 : vector<16xf32>
      %broadcast_in_dim3A_1020 = vector.shape_cast %xor3A_1000 : vector<16xi32> to vector<16x1xi32>
      %gather3A_1021 = vector.shape_cast %broadcast_in_dim3A_1020 : vector<16x1xi32> to vector<16xi32>
      %gather3A_1022 = tpu.dynamic_gather %get3A_949[%gather3A_1021] in [0] : vector<16xf32>, vector<16xi32> -> vector<16xf32>
      %add3A_1023 = arith.addf %get3A_949, %gather3A_1022 : vector<16xf32>
      %select_n3A_1024 = arith.select %eq3A_1006, %add3A_1019, %add3A_1023 : vector<16xi1>, vector<16xf32>
      %broadcast_in_dim3A_1025 = vector.shape_cast %xor3A_1000 : vector<16xi32> to vector<16x1xi32>
      %gather3A_1026 = vector.shape_cast %broadcast_in_dim3A_1025 : vector<16x1xi32> to vector<16xi32>
      %gather3A_1027 = tpu.dynamic_gather %get3A_953[%gather3A_1026] in [0] : vector<16xf32>, vector<16xi32> -> vector<16xf32>
      %add3A_1028 = arith.addf %get3A_953, %gather3A_1027 : vector<16xf32>
      %broadcast_in_dim3A_1029 = vector.shape_cast %xor3A_1000 : vector<16xi32> to vector<16x1xi32>
      %gather3A_1030 = vector.shape_cast %broadcast_in_dim3A_1029 : vector<16x1xi32> to vector<16xi32>
      %gather3A_1031 = tpu.dynamic_gather %get3A_957[%gather3A_1030] in [0] : vector<16xf32>, vector<16xi32> -> vector<16xf32>
      %add3A_1032 = arith.addf %get3A_957, %gather3A_1031 : vector<16xf32>
      %select_n3A_1033 = arith.select %eq3A_1006, %add3A_1028, %add3A_1032 : vector<16xi1>, vector<16xf32>
      %broadcast_in_dim3A_1034 = vector.shape_cast %xor3A_1000 : vector<16xi32> to vector<16x1xi32>
      %gather3A_1035 = vector.shape_cast %broadcast_in_dim3A_1034 : vector<16x1xi32> to vector<16xi32>
      %gather3A_1036 = tpu.dynamic_gather %get3A_961[%gather3A_1035] in [0] : vector<16xf32>, vector<16xi32> -> vector<16xf32>
      %add3A_1037 = arith.addf %get3A_961, %gather3A_1036 : vector<16xf32>
      %broadcast_in_dim3A_1038 = vector.shape_cast %xor3A_1000 : vector<16xi32> to vector<16x1xi32>
      %gather3A_1039 = vector.shape_cast %broadcast_in_dim3A_1038 : vector<16x1xi32> to vector<16xi32>
      %gather3A_1040 = tpu.dynamic_gather %get3A_965[%gather3A_1039] in [0] : vector<16xf32>, vector<16xi32> -> vector<16xf32>
      %add3A_1041 = arith.addf %get3A_965, %gather3A_1040 : vector<16xf32>
      %select_n3A_1042 = arith.select %eq3A_1006, %add3A_1037, %add3A_1041 : vector<16xi1>, vector<16xf32>
      %broadcast_in_dim3A_1043 = vector.shape_cast %xor3A_1000 : vector<16xi32> to vector<16x1xi32>
      %gather3A_1044 = vector.shape_cast %broadcast_in_dim3A_1043 : vector<16x1xi32> to vector<16xi32>
      %gather3A_1045 = tpu.dynamic_gather %get3A_969[%gather3A_1044] in [0] : vector<16xf32>, vector<16xi32> -> vector<16xf32>
      %add3A_1046 = arith.addf %get3A_969, %gather3A_1045 : vector<16xf32>
      %broadcast_in_dim3A_1047 = vector.shape_cast %xor3A_1000 : vector<16xi32> to vector<16x1xi32>
      %gather3A_1048 = vector.shape_cast %broadcast_in_dim3A_1047 : vector<16x1xi32> to vector<16xi32>
      %gather3A_1049 = tpu.dynamic_gather %get3A_973[%gather3A_1048] in [0] : vector<16xf32>, vector<16xi32> -> vector<16xf32>
      %add3A_1050 = arith.addf %get3A_973, %gather3A_1049 : vector<16xf32>
      %select_n3A_1051 = arith.select %eq3A_1006, %add3A_1046, %add3A_1050 : vector<16xi1>, vector<16xf32>
      %broadcast_in_dim3A_1052 = vector.shape_cast %xor3A_1000 : vector<16xi32> to vector<16x1xi32>
      %gather3A_1053 = vector.shape_cast %broadcast_in_dim3A_1052 : vector<16x1xi32> to vector<16xi32>
      %gather3A_1054 = tpu.dynamic_gather %get3A_977[%gather3A_1053] in [0] : vector<16xf32>, vector<16xi32> -> vector<16xf32>
      %add3A_1055 = arith.addf %get3A_977, %gather3A_1054 : vector<16xf32>
      %broadcast_in_dim3A_1056 = vector.shape_cast %xor3A_1000 : vector<16xi32> to vector<16x1xi32>
      %gather3A_1057 = vector.shape_cast %broadcast_in_dim3A_1056 : vector<16x1xi32> to vector<16xi32>
      %gather3A_1058 = tpu.dynamic_gather %get3A_981[%gather3A_1057] in [0] : vector<16xf32>, vector<16xi32> -> vector<16xf32>
      %add3A_1059 = arith.addf %get3A_981, %gather3A_1058 : vector<16xf32>
      %select_n3A_1060 = arith.select %eq3A_1006, %add3A_1055, %add3A_1059 : vector<16xi1>, vector<16xf32>
      %broadcast_in_dim3A_1061 = vector.shape_cast %xor3A_1000 : vector<16xi32> to vector<16x1xi32>
      %gather3A_1062 = vector.shape_cast %broadcast_in_dim3A_1061 : vector<16x1xi32> to vector<16xi32>
      %gather3A_1063 = tpu.dynamic_gather %get3A_985[%gather3A_1062] in [0] : vector<16xf32>, vector<16xi32> -> vector<16xf32>
      %add3A_1064 = arith.addf %get3A_985, %gather3A_1063 : vector<16xf32>
      %broadcast_in_dim3A_1065 = vector.shape_cast %xor3A_1000 : vector<16xi32> to vector<16x1xi32>
      %gather3A_1066 = vector.shape_cast %broadcast_in_dim3A_1065 : vector<16x1xi32> to vector<16xi32>
      %gather3A_1067 = tpu.dynamic_gather %get3A_989[%gather3A_1066] in [0] : vector<16xf32>, vector<16xi32> -> vector<16xf32>
      %add3A_1068 = arith.addf %get3A_989, %gather3A_1067 : vector<16xf32>
      %select_n3A_1069 = arith.select %eq3A_1006, %add3A_1064, %add3A_1068 : vector<16xi1>, vector<16xf32>
      %broadcast_in_dim3A_1070 = vector.shape_cast %xor3A_1000 : vector<16xi32> to vector<16x1xi32>
      %gather3A_1071 = vector.shape_cast %broadcast_in_dim3A_1070 : vector<16x1xi32> to vector<16xi32>
      %gather3A_1072 = tpu.dynamic_gather %get3A_993[%gather3A_1071] in [0] : vector<16xf32>, vector<16xi32> -> vector<16xf32>
      %add3A_1073 = arith.addf %get3A_993, %gather3A_1072 : vector<16xf32>
      %broadcast_in_dim3A_1074 = vector.shape_cast %xor3A_1000 : vector<16xi32> to vector<16x1xi32>
      %gather3A_1075 = vector.shape_cast %broadcast_in_dim3A_1074 : vector<16x1xi32> to vector<16xi32>
      %gather3A_1076 = tpu.dynamic_gather %get3A_997[%gather3A_1075] in [0] : vector<16xf32>, vector<16xi32> -> vector<16xf32>
      %add3A_1077 = arith.addf %get3A_997, %gather3A_1076 : vector<16xf32>
      %select_n3A_1078 = arith.select %eq3A_1006, %add3A_1073, %add3A_1077 : vector<16xi1>, vector<16xf32>
      %xor3A_1079 = arith.constant 2 : i32
      %xor3A_1080 = vector.broadcast %xor3A_1079 : i32 to vector<16xi32>
      %xor3A_1081 = arith.xori %iota3A, %xor3A_1080 : vector<16xi32>
      %and3A_1082 = arith.constant 2 : i32
      %and3A_1083 = vector.broadcast %and3A_1082 : i32 to vector<16xi32>
      %and3A_1084 = arith.andi %iota3A, %and3A_1083 : vector<16xi32>
      %eq3A_1085 = arith.constant 0 : i32
      %eq3A_1086 = vector.broadcast %eq3A_1085 : i32 to vector<16xi32>
      %eq3A_1087 = arith.cmpi eq, %and3A_1084, %eq3A_1086 : vector<16xi32>
      %broadcast_in_dim3A_1088 = vector.shape_cast %xor3A_1081 : vector<16xi32> to vector<16x1xi32>
      %gather3A_1089 = vector.shape_cast %broadcast_in_dim3A_1088 : vector<16x1xi32> to vector<16xi32>
      %gather3A_1090 = tpu.dynamic_gather %select_n3A_1015[%gather3A_1089] in [0] : vector<16xf32>, vector<16xi32> -> vector<16xf32>
      %add3A_1091 = arith.addf %select_n3A_1015, %gather3A_1090 : vector<16xf32>
      %broadcast_in_dim3A_1092 = vector.shape_cast %xor3A_1081 : vector<16xi32> to vector<16x1xi32>
      %gather3A_1093 = vector.shape_cast %broadcast_in_dim3A_1092 : vector<16x1xi32> to vector<16xi32>
      %gather3A_1094 = tpu.dynamic_gather %select_n3A_1024[%gather3A_1093] in [0] : vector<16xf32>, vector<16xi32> -> vector<16xf32>
      %add3A_1095 = arith.addf %select_n3A_1024, %gather3A_1094 : vector<16xf32>
      %select_n3A_1096 = arith.select %eq3A_1087, %add3A_1091, %add3A_1095 : vector<16xi1>, vector<16xf32>
      %broadcast_in_dim3A_1097 = vector.shape_cast %xor3A_1081 : vector<16xi32> to vector<16x1xi32>
      %gather3A_1098 = vector.shape_cast %broadcast_in_dim3A_1097 : vector<16x1xi32> to vector<16xi32>
      %gather3A_1099 = tpu.dynamic_gather %select_n3A_1033[%gather3A_1098] in [0] : vector<16xf32>, vector<16xi32> -> vector<16xf32>
      %add3A_1100 = arith.addf %select_n3A_1033, %gather3A_1099 : vector<16xf32>
      %broadcast_in_dim3A_1101 = vector.shape_cast %xor3A_1081 : vector<16xi32> to vector<16x1xi32>
      %gather3A_1102 = vector.shape_cast %broadcast_in_dim3A_1101 : vector<16x1xi32> to vector<16xi32>
      %gather3A_1103 = tpu.dynamic_gather %select_n3A_1042[%gather3A_1102] in [0] : vector<16xf32>, vector<16xi32> -> vector<16xf32>
      %add3A_1104 = arith.addf %select_n3A_1042, %gather3A_1103 : vector<16xf32>
      %select_n3A_1105 = arith.select %eq3A_1087, %add3A_1100, %add3A_1104 : vector<16xi1>, vector<16xf32>
      %broadcast_in_dim3A_1106 = vector.shape_cast %xor3A_1081 : vector<16xi32> to vector<16x1xi32>
      %gather3A_1107 = vector.shape_cast %broadcast_in_dim3A_1106 : vector<16x1xi32> to vector<16xi32>
      %gather3A_1108 = tpu.dynamic_gather %select_n3A_1051[%gather3A_1107] in [0] : vector<16xf32>, vector<16xi32> -> vector<16xf32>
      %add3A_1109 = arith.addf %select_n3A_1051, %gather3A_1108 : vector<16xf32>
      %broadcast_in_dim3A_1110 = vector.shape_cast %xor3A_1081 : vector<16xi32> to vector<16x1xi32>
      %gather3A_1111 = vector.shape_cast %broadcast_in_dim3A_1110 : vector<16x1xi32> to vector<16xi32>
      %gather3A_1112 = tpu.dynamic_gather %select_n3A_1060[%gather3A_1111] in [0] : vector<16xf32>, vector<16xi32> -> vector<16xf32>
      %add3A_1113 = arith.addf %select_n3A_1060, %gather3A_1112 : vector<16xf32>
      %select_n3A_1114 = arith.select %eq3A_1087, %add3A_1109, %add3A_1113 : vector<16xi1>, vector<16xf32>
      %broadcast_in_dim3A_1115 = vector.shape_cast %xor3A_1081 : vector<16xi32> to vector<16x1xi32>
      %gather3A_1116 = vector.shape_cast %broadcast_in_dim3A_1115 : vector<16x1xi32> to vector<16xi32>
      %gather3A_1117 = tpu.dynamic_gather %select_n3A_1069[%gather3A_1116] in [0] : vector<16xf32>, vector<16xi32> -> vector<16xf32>
      %add3A_1118 = arith.addf %select_n3A_1069, %gather3A_1117 : vector<16xf32>
      %broadcast_in_dim3A_1119 = vector.shape_cast %xor3A_1081 : vector<16xi32> to vector<16x1xi32>
      %gather3A_1120 = vector.shape_cast %broadcast_in_dim3A_1119 : vector<16x1xi32> to vector<16xi32>
      %gather3A_1121 = tpu.dynamic_gather %select_n3A_1078[%gather3A_1120] in [0] : vector<16xf32>, vector<16xi32> -> vector<16xf32>
      %add3A_1122 = arith.addf %select_n3A_1078, %gather3A_1121 : vector<16xf32>
      %select_n3A_1123 = arith.select %eq3A_1087, %add3A_1118, %add3A_1122 : vector<16xi1>, vector<16xf32>
      %xor3A_1124 = arith.constant 4 : i32
      %xor3A_1125 = vector.broadcast %xor3A_1124 : i32 to vector<16xi32>
      %xor3A_1126 = arith.xori %iota3A, %xor3A_1125 : vector<16xi32>
      %and3A_1127 = arith.constant 4 : i32
      %and3A_1128 = vector.broadcast %and3A_1127 : i32 to vector<16xi32>
      %and3A_1129 = arith.andi %iota3A, %and3A_1128 : vector<16xi32>
      %eq3A_1130 = arith.constant 0 : i32
      %eq3A_1131 = vector.broadcast %eq3A_1130 : i32 to vector<16xi32>
      %eq3A_1132 = arith.cmpi eq, %and3A_1129, %eq3A_1131 : vector<16xi32>
      %broadcast_in_dim3A_1133 = vector.shape_cast %xor3A_1126 : vector<16xi32> to vector<16x1xi32>
      %gather3A_1134 = vector.shape_cast %broadcast_in_dim3A_1133 : vector<16x1xi32> to vector<16xi32>
      %gather3A_1135 = tpu.dynamic_gather %select_n3A_1096[%gather3A_1134] in [0] : vector<16xf32>, vector<16xi32> -> vector<16xf32>
      %add3A_1136 = arith.addf %select_n3A_1096, %gather3A_1135 : vector<16xf32>
      %broadcast_in_dim3A_1137 = vector.shape_cast %xor3A_1126 : vector<16xi32> to vector<16x1xi32>
      %gather3A_1138 = vector.shape_cast %broadcast_in_dim3A_1137 : vector<16x1xi32> to vector<16xi32>
      %gather3A_1139 = tpu.dynamic_gather %select_n3A_1105[%gather3A_1138] in [0] : vector<16xf32>, vector<16xi32> -> vector<16xf32>
      %add3A_1140 = arith.addf %select_n3A_1105, %gather3A_1139 : vector<16xf32>
      %select_n3A_1141 = arith.select %eq3A_1132, %add3A_1136, %add3A_1140 : vector<16xi1>, vector<16xf32>
      %broadcast_in_dim3A_1142 = vector.shape_cast %xor3A_1126 : vector<16xi32> to vector<16x1xi32>
      %gather3A_1143 = vector.shape_cast %broadcast_in_dim3A_1142 : vector<16x1xi32> to vector<16xi32>
      %gather3A_1144 = tpu.dynamic_gather %select_n3A_1114[%gather3A_1143] in [0] : vector<16xf32>, vector<16xi32> -> vector<16xf32>
      %add3A_1145 = arith.addf %select_n3A_1114, %gather3A_1144 : vector<16xf32>
      %broadcast_in_dim3A_1146 = vector.shape_cast %xor3A_1126 : vector<16xi32> to vector<16x1xi32>
      %gather3A_1147 = vector.shape_cast %broadcast_in_dim3A_1146 : vector<16x1xi32> to vector<16xi32>
      %gather3A_1148 = tpu.dynamic_gather %select_n3A_1123[%gather3A_1147] in [0] : vector<16xf32>, vector<16xi32> -> vector<16xf32>
      %add3A_1149 = arith.addf %select_n3A_1123, %gather3A_1148 : vector<16xf32>
      %select_n3A_1150 = arith.select %eq3A_1132, %add3A_1145, %add3A_1149 : vector<16xi1>, vector<16xf32>
      %xor3A_1151 = arith.constant 8 : i32
      %xor3A_1152 = vector.broadcast %xor3A_1151 : i32 to vector<16xi32>
      %xor3A_1153 = arith.xori %iota3A, %xor3A_1152 : vector<16xi32>
      %and3A_1154 = arith.constant 8 : i32
      %and3A_1155 = vector.broadcast %and3A_1154 : i32 to vector<16xi32>
      %and3A_1156 = arith.andi %iota3A, %and3A_1155 : vector<16xi32>
      %eq3A_1157 = arith.constant 0 : i32
      %eq3A_1158 = vector.broadcast %eq3A_1157 : i32 to vector<16xi32>
      %eq3A_1159 = arith.cmpi eq, %and3A_1156, %eq3A_1158 : vector<16xi32>
      %broadcast_in_dim3A_1160 = vector.shape_cast %xor3A_1153 : vector<16xi32> to vector<16x1xi32>
      %gather3A_1161 = vector.shape_cast %broadcast_in_dim3A_1160 : vector<16x1xi32> to vector<16xi32>
      %gather3A_1162 = tpu.dynamic_gather %select_n3A_1141[%gather3A_1161] in [0] : vector<16xf32>, vector<16xi32> -> vector<16xf32>
      %add3A_1163 = arith.addf %select_n3A_1141, %gather3A_1162 : vector<16xf32>
      %broadcast_in_dim3A_1164 = vector.shape_cast %xor3A_1153 : vector<16xi32> to vector<16x1xi32>
      %gather3A_1165 = vector.shape_cast %broadcast_in_dim3A_1164 : vector<16x1xi32> to vector<16xi32>
      %gather3A_1166 = tpu.dynamic_gather %select_n3A_1150[%gather3A_1165] in [0] : vector<16xf32>, vector<16xi32> -> vector<16xf32>
      %add3A_1167 = arith.addf %select_n3A_1150, %gather3A_1166 : vector<16xf32>
      %select_n3A_1168 = arith.select %eq3A_1159, %add3A_1163, %add3A_1167 : vector<16xi1>, vector<16xf32>
      %mul3A_1169 = vector.broadcast %scan3A_118 : f32 to vector<16xf32>
      %mul3A_1170 = arith.mulf %select_n3A_1168, %mul3A_1169 : vector<16xf32>
      %mul3A_1171 = arith.mulf %mul3A_933, %mul3A_933 : vector<16xf32>
      %sub3A_1172 = arith.subf %mul3A_1170, %mul3A_1171 : vector<16xf32>
      %max3A_1173 = arith.constant 0.000000e+00 : f32
      %max3A_1174 = vector.broadcast %max3A_1173 : f32 to vector<16xf32>
      %max3A_1175 = arith.maximumf %sub3A_1172, %max3A_1174 : vector<16xf32>
      %add3A_1176 = arith.constant 9.99999996E-13 : f32
      %add3A_1177 = vector.broadcast %add3A_1176 : f32 to vector<16xf32>
      %add3A_1178 = arith.addf %max3A_1175, %add3A_1177 : vector<16xf32>
      %bitcast3A_1179 = vector.bitcast %add3A_1178 : vector<16xf32> to vector<16xi32>
      %broadcast_in_dim3A_1180 = arith.constant 1597463007 : i32
      %broadcast_in_dim3A_1181 = vector.broadcast %broadcast_in_dim3A_1180 : i32 to vector<16xi32>
      %broadcast_in_dim3A_1182 = arith.constant 1 : i32
      %broadcast_in_dim3A_1183 = vector.broadcast %broadcast_in_dim3A_1182 : i32 to vector<16xi32>
      %shift_right_logical3A_1184 = arith.shrui %bitcast3A_1179, %broadcast_in_dim3A_1183 : vector<16xi32>
      %sub3A_1185 = arith.subi %broadcast_in_dim3A_1181, %shift_right_logical3A_1184 : vector<16xi32>
      %bitcast3A_1186 = vector.bitcast %sub3A_1185 : vector<16xi32> to vector<16xf32>
      %mul3A_1187 = arith.constant 5.000000e-01 : f32
      %mul3A_1188 = vector.broadcast %mul3A_1187 : f32 to vector<16xf32>
      %mul3A_1189 = arith.mulf %add3A_1178, %mul3A_1188 : vector<16xf32>
      %mul3A_1190 = arith.mulf %mul3A_1189, %bitcast3A_1186 : vector<16xf32>
      %mul3A_1191 = arith.mulf %mul3A_1190, %bitcast3A_1186 : vector<16xf32>
      %sub3A_1192 = arith.constant 1.500000e+00 : f32
      %sub3A_1193 = vector.broadcast %sub3A_1192 : f32 to vector<16xf32>
      %sub3A_1194 = arith.subf %sub3A_1193, %mul3A_1191 : vector<16xf32>
      %mul3A_1195 = arith.mulf %bitcast3A_1186, %sub3A_1194 : vector<16xf32>
      %mul3A_1196 = arith.mulf %mul3A_1189, %mul3A_1195 : vector<16xf32>
      %mul3A_1197 = arith.mulf %mul3A_1196, %mul3A_1195 : vector<16xf32>
      %sub3A_1198 = arith.constant 1.500000e+00 : f32
      %sub3A_1199 = vector.broadcast %sub3A_1198 : f32 to vector<16xf32>
      %sub3A_1200 = arith.subf %sub3A_1199, %mul3A_1197 : vector<16xf32>
      %mul3A_1201 = arith.mulf %mul3A_1195, %sub3A_1200 : vector<16xf32>
      %mul3A_1202 = arith.mulf %mul3A_1189, %mul3A_1201 : vector<16xf32>
      %mul3A_1203 = arith.mulf %mul3A_1202, %mul3A_1201 : vector<16xf32>
      %sub3A_1204 = arith.constant 1.500000e+00 : f32
      %sub3A_1205 = vector.broadcast %sub3A_1204 : f32 to vector<16xf32>
      %sub3A_1206 = arith.subf %sub3A_1205, %mul3A_1203 : vector<16xf32>
      %mul3A_1207 = arith.mulf %mul3A_1201, %sub3A_1206 : vector<16xf32>
      %neg3A_1208 = arith.constant 0.000000e+00 : f32
      %neg3A_1209 = vector.broadcast %neg3A_1208 : f32 to vector<16xf32>
      %neg3A_1210 = arith.subf %neg3A_1209, %mul3A_933 : vector<16xf32>
      %mul3A_1211 = arith.mulf %neg3A_1210, %mul3A_1207 : vector<16xf32>
      %mul3A_1212 = arith.constant 512 : i32
      %mul3A_1213 = arith.muli %add3A_672, %mul3A_1212 : i32
      %add3A_1214 = arith.addi %mul3A_1213, %mul3A_2 : i32
      %dma_start3A_1215 = arith.constant 0 : i32
      %dma_start3A_1216 = tpu.memref_slice %arg9[%add3A_1214, %dma_start3A_1215] : memref<65536x768xf32, #tpu.memory_space<hbm>> -> memref<16x768xf32, #tpu.memory_space<hbm>>
      %dma_start3A_1217 = arith.constant 0 : i32
      %dma_start3A_1218 = tpu.memref_slice %arg9[%add3A_1214, %dma_start3A_1217] : memref<65536x768xf32, #tpu.memory_space<hbm>> -> memref<16x768xf32, #tpu.memory_space<hbm>>
      tpu.enqueue_dma source(%arg16 : memref<16x768xf32, #tpu.memory_space<vmem>>) target(%dma_start3A_1218 : memref<16x768xf32, #tpu.memory_space<hbm>>) target_semaphore(%arg26 : memref<!tpu.dma_semaphore, #tpu.memory_space<semaphore_mem>>)
      %scan3A_1219 = arith.constant 0 : i32
      scf.yield %scan3A_1219 : i32
    }
    %scan3A_125 = arith.constant 64 : i32
    %dma_wait3A = arith.constant 0 : i32
    %dma_wait3A_126 = tpu.memref_slice %arg9[%mul3A_2, %dma_wait3A] : memref<65536x768xf32, #tpu.memory_space<hbm>> -> memref<16x768xf32, #tpu.memory_space<hbm>>
    %dma_wait3A_127 = arith.constant 0 : i32
    %dma_wait3A_128 = tpu.memref_slice %arg9[%mul3A_2, %dma_wait3A_127] : memref<65536x768xf32, #tpu.memory_space<hbm>> -> memref<16x768xf32, #tpu.memory_space<hbm>>
    tpu.wait_dma2 semaphore(%arg25 : memref<!tpu.dma_semaphore, #tpu.memory_space<semaphore_mem>>) src(%arg15 : memref<16x768xf32, #tpu.memory_space<vmem>>) dst(%dma_wait3A_128 : memref<16x768xf32, #tpu.memory_space<hbm>>)
    %dma_wait3A_129 = arith.constant 0 : i32
    %dma_wait3A_130 = tpu.memref_slice %arg9[%mul3A_2, %dma_wait3A_129] : memref<65536x768xf32, #tpu.memory_space<hbm>> -> memref<16x768xf32, #tpu.memory_space<hbm>>
    %dma_wait3A_131 = arith.constant 0 : i32
    %dma_wait3A_132 = tpu.memref_slice %arg9[%mul3A_2, %dma_wait3A_131] : memref<65536x768xf32, #tpu.memory_space<hbm>> -> memref<16x768xf32, #tpu.memory_space<hbm>>
    tpu.wait_dma2 semaphore(%arg26 : memref<!tpu.dma_semaphore, #tpu.memory_space<semaphore_mem>>) src(%arg16 : memref<16x768xf32, #tpu.memory_space<vmem>>) dst(%dma_wait3A_132 : memref<16x768xf32, #tpu.memory_space<hbm>>)
    return
  }
}

</mosaic_0001>

<sc_bundles>
// kernel: kernel.3.cloned.1.call-start
scs
__scs_entry_jumppad:
0x0: {  	(pc) =	sbr.rel $0x88, $3  }
0x1: {  	(tag) =	ssettag $0x0;
	lr =	simm.s32 $0x1  }
0x2: {  	[smem:$0x3F9A] =	sst lr;
	_ =	strace $0xD0000000  }
0x3: {  	_ = 	snop  }
0x4: {  	_ = 	snop  }
0x5: {  	_ = 	snop  }
0x6: {  	_ = 	snop  }
0x7: {  	_ = 	snop  }
__scs_overlays_trampoline_lowered:
0x8: {  	[smem:$0x3FA9] =	sst s0  }
0x9: {  	[smem:$0x3FAA] =	sst s1  }
0xa: {  	[smem:$0x3FAB] =	sst s2  }
0xb: {  	[smem:$0x3FAC] =	sst s3  }
0xc: {  	[smem:$0x3FAD] =	sst s4  }
0xd: {  	[smem:$0x3FAE] =	sst s5  }
0xe: {  	[smem:$0x3FAF] =	sst s6  }
0xf: {  	[smem:$0x3FB0] =	sst s7  }
0x10: {  	[smem:$0x3FB1] =	sst s8  }
0x11: {  	[smem:$0x3FB2] =	sst s9;
	s0 =	simm.s32 @!p0 $0x0  }
0x12: {  	s1 =	sld [smem:$0x3F98];
	s0 =	simm.s32 @p0 $0x1  }
0x13: {  	[smem:$0x3FB3] =	sst s0;
	s0 =	simm.s32 @!p1 $0x0  }
0x14: {  	s2 =	sld [smem:$0x3F97];
	s0 =	simm.s32 @p1 $0x1  }
0x15: {  	[smem:$0x3FB4] =	sst s0;
	s0 =	simm.s32 @!p2 $0x0  }
0x16: {  	s3 =	sld [smem:$0x3FDB];
	s0 =	simm.s32 @p2 $0x1  }
0x17: {  	s4 =	simm.s32 $0x1BF5;
	[smem:$0x3FB6] =	sst s0  }
0x18: {  	s0 =	sld [smem:$0x3F99];
	_ =	swait.ge [sflag:s4], $0x0  }
0x19: {  	s7 =	sld [smem:$0x3F9A]  }
0x1a: {  	s8 =	sadd.s32 $0xFFFFE003, lr  }
0x1b: {  	s9 =	sadd.s32 $0xFFFFFEF7, lr;
	s5 =	simm.s32 $0xFFFFFFFF;
	p2 =	slt.u32 s8, $0xFFFFF086  }
0x1c: {  	p1 =	slt.u32 s9, $0xF7A;
	s5 =	simm.s32 @!p2 $0x0  }
0x1d: {  	s5 =	simm.s32 @p1 $0x1;
	p0 =	seq.s32 s7, s2  }
0x1e: {  	s7 =	smul.u32 @!p0 $0xF7A, s2;
	p2 =	seq.s32 @!p0 s5, $0x0  }
0x1f: {  	s9 =	smul.u32 $0xF7A, s1;
	s8 =	simm.s32 @!p0 $0x1BF5;
	p2 =	por !p2, p0  }
0x20: {  	[sflag:s8] =	ssyncset.s32 @!p0 $0xFFFFF086;
	s6 =	sadd.s32 @!p0 s3, s7;
	s7 =	simm.s32 @!p0 $0x108  }
0x21: {  	s3 =	sadd.s32 s3, s9;
	s6 =	sadd.s32 @!p0 $0x88, s6;
	s7 =	simm.s32 @p2 $0x1082  }
0x22: {  	[simem:s7], [sflag:s8] =	dma.local @!p0 [hbm:s6], $0xF7A  }
0x23: {  	s9 =	sor.u32 $0xD0000000, s2;
	s6 =	simm.s32 $0x108;
	_ =	swait.ge @!p0 [sflag:s8], $0x0  }
0x24: {  	s3 =	sadd.s32 $0x88, s3;
	s6 =	simm.s32 @!p1 $0x1082;
	[sflag:s4] =	ssyncset.s32 $0xFFFFF086  }
0x25: {  	[simem:s6], [sflag:s4] =	dma.local [hbm:s3], $0xF7A  }
0x26: {  	[smem:$0x3F9A] =	sst s1;
	(tag) =	ssettag s2;
	_ =	strace s9  }
0x27: {  	s1 =	sld [smem:$0x3FAA]  }
0x28: {  	s2 =	sld [smem:$0x3FAB]  }
0x29: {  	s4 =	sld [smem:$0x3FAD]  }
0x2a: {  	p0 =	seq.s32 s5, $0x0;
	s5 =	sld [smem:$0x3FAE]  }
0x2b: {  	s6 =	sld [smem:$0x3FAF]  }
0x2c: {  	s7 =	sld [smem:$0x3FB0]  }
0x2d: {  	s3 =	simm.s32 $0x108;
	s8 =	sld [smem:$0x3FB1]  }
0x2e: {  	s3 =	simm.s32 @!p0 $0x1082;
	s9 =	sld [smem:$0x3FB2]  }
0x2f: {  	lr =	sadd.s32 s0, s3;
	s0 =	sld [smem:$0x3FA9]  }
0x30: {  	s3 =	sld [smem:$0x3FAC]  }
0x31: {  	[smem:$0x3FB5] =	sst s10  }
0x32: {  	s10 =	sld [smem:$0x3FB3];
	_ =	sdelay $0x3  }
0x33: {  	p0 =	seq.s32 s10, $0x1;
	s10 =	sld [smem:$0x3FB5];
	_ =	sdelay $0x3  }
0x34: {  	[smem:$0x3FB5] =	sst s10  }
0x35: {  	s10 =	sld [smem:$0x3FB4];
	_ =	sdelay $0x3  }
0x36: {  	p1 =	seq.s32 s10, $0x1;
	s10 =	sld [smem:$0x3FB5];
	_ =	sdelay $0x3  }
0x37: {  	[smem:$0x3FB5] =	sst s10  }
0x38: {  	s10 =	sld [smem:$0x3FB6]  }
0x39: {  	_ = 	snop;
	(pc) =	sbr.ind lr, $3  }
0x3a: {  	_ = 	snop  }
0x3b: {  	_ = 	snop  }
0x3c: {  	p2 =	seq.s32 s10, $0x1;
	s10 =	sld [smem:$0x3FB5]  }
0x3d: {  	_ =	shalt  }
0x3e: {  	_ =	shalt  }
0x3f: {  	_ =	shalt  }
0x40: {  	_ =	shalt  }
0x41: {  	_ =	shalt  }
0x42: {  	_ =	shalt  }
0x43: {  	_ =	shalt  }
0x44: {  	_ =	shalt  }
0x45: {  	_ =	shalt  }
0x46: {  	_ =	shalt  }
0x47: {  	_ =	shalt  }
0x48: {  	_ =	shalt  }
0x49: {  	_ =	shalt  }
0x4a: {  	_ =	shalt  }
0x4b: {  	_ =	shalt  }
0x4c: {  	_ =	shalt  }
0x4d: {  	_ =	shalt  }
0x4e: {  	_ =	shalt  }
0x4f: {  	_ =	shalt  }
0x50: {  	_ =	shalt  }
0x51: {  	_ =	shalt  }
0x52: {  	_ =	shalt  }
0x53: {  	_ =	shalt  }
0x54: {  	_ =	shalt  }
0x55: {  	_ =	shalt  }
0x56: {  	_ =	shalt  }
0x57: {  	_ =	shalt  }
0x58: {  	_ =	shalt  }
0x59: {  	_ =	shalt  }
0x5a: {  	_ =	shalt  }
0x5b: {  	_ =	shalt  }
0x5c: {  	_ =	shalt  }
0x5d: {  	_ =	shalt  }
0x5e: {  	_ =	shalt  }
0x5f: {  	_ =	shalt  }
0x60: {  	_ =	shalt  }
0x61: {  	_ =	shalt  }
0x62: {  	_ =	shalt  }
0x63: {  	_ =	shalt  }
0x64: {  	_ =	shalt  }
0x65: {  	_ =	shalt  }
0x66: {  	_ =	shalt  }
0x67: {  	_ =	shalt  }
0x68: {  	_ =	shalt  }
0x69: {  	_ =	shalt  }
0x6a: {  	_ =	shalt  }
0x6b: {  	_ =	shalt  }
0x6c: {  	_ =	shalt  }
0x6d: {  	_ =	shalt  }
0x6e: {  	_ =	shalt  }
0x6f: {  	_ =	shalt  }
0x70: {  	_ =	shalt  }
0x71: {  	_ =	shalt  }
0x72: {  	_ =	shalt  }
0x73: {  	_ =	shalt  }
0x74: {  	_ =	shalt  }
0x75: {  	_ =	shalt  }
0x76: {  	_ =	shalt  }
0x77: {  	_ =	shalt  }
0x78: {  	_ =	shalt  }
0x79: {  	_ =	shalt  }
0x7a: {  	_ =	shalt  }
0x7b: {  	_ =	shalt  }
0x7c: {  	_ =	shalt  }
0x7d: {  	_ =	shalt  }
0x7e: {  	_ =	shalt  }
0x7f: {  	_ =	shalt  }
0x80: {  	_ =	shalt  }
0x81: {  	_ =	shalt  }
0x82: {  	_ =	shalt  }
0x83: {  	_ =	shalt  }
0x84: {  	_ =	shalt  }
0x85: {  	_ =	shalt  }
0x86: {  	_ =	shalt  }
0x87: {  	_ =	shalt  }
.Lfunc_end0:
.L_simem_size_0:
called_computation_lowered:
.L_overlay_start_0:
0x88: {  	s2 =	sld [smem:$0x3FD9]  }
0x89: {  	s3 =	sld [smem:$0x3FFE];
	_ =	sdelay $0x1  }
0x8a: {  	s1 =	srdreg.scid  }
0x8b: {  	s0 =	sand.u32 $0x1, s1  }
0x8c: {  	s17 =	sshll.u32 s0, $0xA;
	s2 =	sadd.s32 s3, s2  }
0x8d: {  	s2 =	sadd.s32 s2, s17  }
0x8e: {  	[smem:$0x3FC1] =	sst s2  }
0x8f: {  	_ = 	snop  }
0x90: {  	s2 =	sld [smem:$0x3FC7]  }
0x91: {  	s18 =	sld [smem:$0x3FC6]  }
0x92: {  	s4 =	sld [smem:$0x3FC5]  }
0x93: {  	s5 =	sld [smem:$0x3FC4]  }
0x94: {  	s6 =	sld [smem:$0x3FC3]  }
0x95: {  	s7 =	sld [smem:$0x3FD0];
	(tm) =	ssettm $0x1  }
0x96: {  	s8 =	sld [smem:$0x3FFB];
	_ =	sdelay $0x3  }
0x97: {  	_ =	strace s8  }
0x98: {  	s8 =	sld [smem:$0x3FFC];
	_ =	sdelay $0x3  }
0x99: {  	_ =	strace s8  }
0x9a: {  	s8 =	sld [smem:$0x3FFD];
	_ =	sdelay $0x3  }
0x9b: {  	_ =	strace s8  }
0x9c: {  	_ =	strace $0x8FFFFFFF  }
0x9d: {  	s19 =	sld [smem:$0x3FDB];
	_ =	sdelay $0x1  }
0x9e: {  	s9 =	simm.s32 $_scs_section_size  }
0x9f: {  	s10 =	simm.s32 $_size__tile_overlayer_lowered;
	s11 =	simm.s32 $_tile_overlayer_lowered  }
0xa0: {  	s22 =	simm.s32 $0x1BFF;
	s21 =	sshll.u32 s11, $0x1;
	s8 =	sadd.s32 s9, s19  }
0xa1: {  	s12 =	simm.s32 $0x0;
	s20 =	sshll.u32 s10, $0x1;
	s10 =	sadd.s32 s21, s8  }
0xa2: {  	[timem:s12], [sflag:s22] =	dma.local [hbm:s10], s20  }
0xa3: {  	_ =	swait.ge [sflag:s22], s20  }
0xa4: {  	s9 =	ssub.s32 $0x0, s20;
	[sflag:s22] =	ssyncset.done $0x0  }
0xa5: {  	[sflag:s22] =	ssyncadd.s32 s9;
	_ =	sdelay $0x1  }
0xa6: {  	s23 =	simm.s32 $0x1B8B  }
0xa7: {  	_ =	swait.ge [sflag:s23], $0x1  }
0xa8: {  	[sflag:s23] =	ssyncset.done $0x0  }
0xa9: {  	s25 =	simm.s32 $0x1B8E;
	s24 =	sld [smem:$0x3FFE];
	[sflag:s23] =	ssyncadd.s32 $0xFFFFFFFF  }
0xaa: {  	s26 =	simm.s32 $execute0_lowered;
	[smem:$0x3FD2] =	sst s25  }
0xab: {  	s10 =	sshll.u32 s26, $0x1;
	_ =	strace $0x80000046;
	[dreg:$0x1] =	wrdreg $0xFFFFFFFF  }
0xac: {  	s28 =	simm.s32 $_size_execute0_lowered;
	s8 =	sadd.s32 s8, s10;
	[dreg:$0x0] =	wrdreg $0x0  }
0xad: {  	s10 =	sshll.u32 s28, $0x1;
	[dreg:$0x2] =	wrdreg s8  }
0xae: {  	[dreg:$0x3] =	wrdreg s10  }
0xaf: {  	[dreg:$0x4] =	wrdreg $0xC0  }
0xb0: {  	_ =	task [dreg:s12], $0x5FFFF  }
0xb1: {  	[dreg:$0x1] =	wrdreg $0xFFFFFFFF  }
0xb2: {  	[dreg:$0x0] =	wrdreg $0x60  }
0xb3: {  	[dreg:$0x2] =	wrdreg s24  }
0xb4: {  	[dreg:$0x3] =	wrdreg s2  }
0xb5: {  	[dreg:$0x4] =	wrdreg s18  }
0xb6: {  	[dreg:$0x5] =	wrdreg s4  }
0xb7: {  	[dreg:$0x6] =	wrdreg s5  }
0xb8: {  	[dreg:$0x7] =	wrdreg s6  }
0xb9: {  	[dreg:$0x8] =	wrdreg s7  }
0xba: {  	[dreg:$0x9] =	wrdreg $0x9  }
0xbb: {  	_ =	task.clear_ibuf [dreg:s12], $0xAFFFF;
	_ =	strace $0x90000046  }
0xbc: {  	s29 =	simm.s32 $0x9;
	_ =	strace $0x80000048  }
0xbd: {  	_ =	swait.ge [sflag:s29], $0x1  }
0xbe: {  	[sflag:s29] =	ssyncadd.s32 $0xFFFFFFFF  }
0xbf: {  	_ =	strace $0x90000048  }
0xc0: {  	_ =	sfence  }
0xc1: {  	s30 =	sld [smem:$0x0];
	_ =	sdelay $0x2  }
0xc2: {  	s31 =	sshll.u32 s1, $0xD;
	s1 =	sshrl.u32 s1, $0x2  }
0xc3: {  	s3 =	sand.u32 $0x4000, s31;
	s1 =	sadd.s32 s1, s30  }
0xc4: {  	s0 =	sor.u32 s3, s0;
	s1 =	sshll.u32 s1, $0x11  }
0xc5: {  	s0 =	sor.u32 s1, s0  }
0xc6: {  	s0 =	sadd.s32 $0x8F2B, s0  }
0xc7: {  	[sflag:s0] =	ssyncadd.remote.s32 $0x1  }
0xc8: {  	_ =	sfence.sel $0xFFFF  }
0xc9: {  	[dreg:$0x0] =	wrdreg $0xFFFFFFFF;
	(pc) =	sbr.abs _section_cstart, $3  }
0xca: {  	[dreg:$0x1] =	wrdreg $0xFFFFFFFF  }
0xcb: {  	_ =	task.clear_ibuf [dreg:s12], $0x2FFFF;
	_ =	strace $0x9FFFFFFF  }
0xcc: {  	(tm) =	ssettm $0x7FFFFFFF  }
0xcd: {  	_ =	shalt  }
tec
execute0_lowered:
.L_overlay_start_1:
0x0: {  	(tag) =	ssettag $0x1  }
0x1: {  	s1 =	rddreg [dreg:$0x0]  }
0x2: {  	s0 =	rddreg [dreg:$0x1]  }
0x3: {  	s2 =	rddreg [dreg:$0x2]  }
0x4: {  	s3 =	srdreg.scid;
	s6 =	rddreg [dreg:$0x6]  }
0x5: {  	s8 =	stileid.u32;
	s7 =	simm.s32 $0x0;
	s18 =	simm.s32 $0x800  }
0x6: {  	s31 =	simm.s32 $0xA800;
	s19 =	simm.s32 $0xD000;
	s20 =	simm.s32 $0x2  }
0x7: {  	s21 =	simm.s32 $0x4;
	s22 =	simm.s32 $0x10000;
	s10 =	simm.s32 $0x0  }
0x8: {  	s3 =	sand.u32 $0x1, s3;
	[smem:$0x7FF] =	sst s7;
	s12 =	sadd.s32 $0x100, s0  }
0x9: {  	s13 =	sadd.s32 $0x200, s0;
	s4 =	sshll.u32 s3, $0x4;
	_ =	strace $0x80000047  }
0xa: {  	s3 =	ssub.s32 $0x2, s3;
	s4 =	sor.u32 s8, s4;
	s8 =	sshll.u32 s8, $0x4  }
0xb: {  	s26 =	sshrl.u32 s3, $0x1;
	s5 =	sshll.u32 s4, $0x8;
	s9 =	smul.u32 $0x600, s4  }
0xc: {  	s3 =	ssub.s32 s3, s26;
	s5 =	sor.u32 s8, s5;
	s8 =	sshll.u32 s4, $0x4  }
0xd: {  	s30 =	smax.u32 s3, $0x1;
	s3 =	simm.s32 $0xB000;
	s5 =	sand.u32 $0x1870, s5  }
0xe: {  	s29 =	sadd.s32 s2, s9;
	[dreg:$0xb] =	wrdreg s30;
	s1 =	sadd.s32 s5, s1  }
0xf: {  	v2 =	vlaneseq.u32;
	s4 =	simm.s32 $0xB800;
	[dreg:$0xa] =	wrdreg s29;
	s28 =	sadd.s32 $0x2400, s1  }
0x10: {  	vm0 =	vmmov $0xffff;
	v1 =	vshrl.u32 v2, $0x3;
	s2 =	simm.s32 $0xC800;
	s1 =	sadd.s32 $0x400, s1;
	[dreg:$0x8] =	wrdreg s28  }
0x11: {  	v0 =	vand.u32 $0x7, v2;
	v2 =	vor.u32 $0x8, v2;
	v1 =	vmul.u32 $0x8, v1;
	s5 =	simm.s32 $0x1;
	[dreg:$0x9] =	wrdreg s1;
	s1 =	simm.s32 $0xC000  }
.LBB2_1:
0x12: {  	[dreg:$0xc] =	wrdreg s10  }
0x13: {  	s9 =	rddreg [dreg:$0x8]  }
0x14: {  	s29 =	simm.s32 $0x80;
	s11 =	simm.s32 $0x400;
	s14 =	simm.s32 $0x5  }
0x15: {  	[tilespmem:s7], [sflag:$0x5] =	stream.strided.gather [hbm4b:s9+s29], $0x800, s11, s29, $0x38;
	[tilespmem:$0x17C00] =	vst v63  }
0x16: {  	_ =	swait.ge [sflag:s14], $0x800  }
0x17: {  	[sflag:s14] =	ssyncset.done $0x0  }
0x18: {  	s30 =	rddreg [dreg:$0x9];
	[sflag:s14] =	ssyncadd.s32 $0xFFFFF800  }
0x19: {  	[tilespmem:s18], [sflag:$0x5] =	stream.strided.gather [hbm4b:s30+s29], $0x800, s11, s29, $0x38;
	[tilespmem:$0x17C00] =	vst v63  }
0x1a: {  	_ =	swait.ge [sflag:s14], $0x800  }
0x1b: {  	[sflag:s14] =	ssyncset.done $0x0  }
0x1c: {  	s15 =	simm.s32 $0x13000;
	s11 =	rddreg [dreg:$0xa];
	[sflag:s14] =	ssyncadd.s32 $0xFFFFF800  }
0x1d: {  	[tilespmem:s15], [sflag:$0x5] =	stream.linear.gather [hbm4b:s11+s7], $0x3000, $0x38;
	[tilespmem:$0x17C00] =	vst v63  }
0x1e: {  	_ =	swait.ge [sflag:s14], $0x3000  }
0x1f: {  	[sflag:s14] =	ssyncset.done $0x0  }
0x20: {  	[sflag:s14] =	ssyncadd.s32 $0xFFFFD000  }
0x21: {  	s17 =	simm.s32 $0x16000;
	s16 =	rddreg [dreg:$0x3]  }
0x22: {  	[tilespmem:s17], [sflag:$0x5] =	stream.linear.gather [hbm4b:s16+s7], $0x600, $0x38;
	[tilespmem:$0x17C00] =	vst v63  }
0x23: {  	_ =	swait.ge [sflag:s14], $0x600  }
0x24: {  	[sflag:s14] =	ssyncset.done $0x0  }
0x25: {  	[sflag:s14] =	ssyncadd.s32 $0xFFFFFA00  }
0x26: {  	s24 =	simm.s32 $0x16600;
	s23 =	rddreg [dreg:$0x4]  }
0x27: {  	[tilespmem:s24], [sflag:$0x5] =	stream.linear.gather [hbm4b:s23+s7], $0x300, $0x38;
	[tilespmem:$0x17C00] =	vst v63  }
0x28: {  	_ =	swait.ge [sflag:s14], $0x300  }
0x29: {  	[sflag:s14] =	ssyncset.done $0x0  }
0x2a: {  	[sflag:s14] =	ssyncadd.s32 $0xFFFFFD00  }
0x2b: {  	s26 =	simm.s32 $0x16900;
	s25 =	rddreg [dreg:$0x5]  }
0x2c: {  	[tilespmem:s26], [sflag:$0x5] =	stream.linear.gather [hbm4b:s25+s7], $0x300, $0x38;
	[tilespmem:$0x17C00] =	vst v63  }
0x2d: {  	_ =	swait.ge [sflag:s14], $0x300  }
0x2e: {  	s28 =	sand.u32 $0x70, s7;
	s29 =	sand.u32 $0x7FFFFC00, s7;
	[sflag:s14] =	ssyncset.done $0x0  }
0x2f: {  	s9 =	sor.u32 s28, s29;
	s11 =	sshrl.u32 s29, $0x2;
	[sflag:s14] =	ssyncadd.s32 $0xFFFFFD00  }
0x30: {  	s10 =	sor.u32 s28, s11;
	v3 =	vld [tilespmem:s9+$0x13000]  }
0x31: {  	v4 =	vld [tilespmem:s10+$0x16000];
	_ =	sdelay $0x4  }
0x32: {  	v4 =	vadd.f32 v4, v3;
	_ =	sdelay $0x1  }
0x33: {  	s10 =	sadd.s32 $0x16000, s10;
	[tilespmem:s9+$0x1000] =	vst v4  }
0x34: {  	v4 =	vld [tilespmem:s10+$0x80];
	_ =	sdelay $0x3  }
0x35: {  	s30 =	simm.s32 $0x80;
	s10 =	simm.s32 $0x10  }
0x36: {  	s15 =	sand.u32 $0x7FFFFC00, s30;
	s11 =	simm.s32 $0x100;
	s14 =	sand.u32 $0x70, s10;
	v3 =	vadd.f32 v4, v3  }
.LBB2_2:
0x37: {  	p0 =	sne.s32 s11, $0x1780;
	s16 =	sor.u32 s14, s15;
	s15 =	sshrl.u32 s15, $0x2  }
0x38: {  	v4 =	vld [tilespmem:s16+$0x13000];
	s14 =	sor.u32 s14, s15;
	[tilespmem:s9+$0x1080] =	vst v3;
	s9 =	smov.u32 s16  }
0x39: {  	v3 =	vld [tilespmem:s14+$0x16000];
	_ =	sdelay $0x4  }
0x3a: {  	v3 =	vadd.f32 v3, v4;
	_ =	sdelay $0x1  }
0x3b: {  	s14 =	sadd.s32 $0x16000, s14;
	[tilespmem:s9+$0x1000] =	vst v3  }
0x3c: {  	v3 =	vld [tilespmem:s14+$0x80]  }
.Ltmp0:
0x3d: {  	(pc) =	sbr.rel @p0 .LBB2_2-.Ltmp0, $3  }
0x3e: {  	_ =	sdelay $0x1  }
0x3f: {  	s10 =	sadd.s32 $0x10, s10  }
0x40: {  	s15 =	sand.u32 $0x7FFFFC00, s11;
	s11 =	sadd.s32 $0x80, s11;
	s14 =	sand.u32 $0x70, s10;
	v3 =	vadd.f32 v3, v4  }
0x41: {  	s10 =	sor.u32 s14, s15;
	s11 =	sshrl.u32 s15, $0x2  }
0x42: {  	v4 =	vld [tilespmem:s10+$0x13000];
	s11 =	sor.u32 s14, s11;
	[tilespmem:s9+$0x1080] =	vst v3  }
0x43: {  	v3 =	vld [tilespmem:s11+$0x16000];
	_ =	sdelay $0x4  }
0x44: {  	v3 =	vadd.f32 v3, v4;
	_ =	sdelay $0x1  }
0x45: {  	s25 =	sadd.s32 $0x16000, s11;
	[tilespmem:s10+$0x1000] =	vst v3  }
0x46: {  	v3 =	vld [tilespmem:s25+$0x80];
	_ =	sdelay $0x4  }
0x47: {  	s26 =	simm.s32 $0x0;
	v3 =	vadd.f32 v3, v4  }
0x48: {  	s28 =	sand.u32 $0x70, s26;
	s29 =	sand.u32 $0x7FFFFC00, s26  }
0x49: {  	s9 =	sor.u32 s28, s29;
	s30 =	sshrl.u32 s29, $0x2;
	[tilespmem:s10+$0x1080] =	vst v3  }
0x4a: {  	s11 =	sor.u32 s28, s30;
	v3 =	vld [tilespmem:s9+$0x13080]  }
0x4b: {  	v4 =	vld [tilespmem:s11+$0x16000];
	_ =	sdelay $0x4  }
0x4c: {  	v4 =	vadd.f32 v4, v3;
	_ =	sdelay $0x1  }
0x4d: {  	s14 =	sadd.s32 $0x16000, s11;
	[tilespmem:s9+$0x1100] =	vst v4  }
0x4e: {  	v4 =	vld [tilespmem:s14+$0x80];
	_ =	sdelay $0x3  }
0x4f: {  	s15 =	simm.s32 $0x10;
	s17 =	simm.s32 $0x100;
	s10 =	simm.s32 $0x80  }
0x50: {  	s23 =	sand.u32 $0x70, s15;
	s16 =	smov.u32 s9;
	s24 =	sand.u32 $0x7FFFFC00, s10;
	v3 =	vadd.f32 v4, v3  }
.LBB2_4:
0x51: {  	p0 =	sne.s32 s17, $0x1780;
	s25 =	sor.u32 s23, s24;
	s24 =	sshrl.u32 s24, $0x2  }
0x52: {  	v4 =	vld [tilespmem:s25+$0x13080];
	s23 =	sor.u32 s23, s24;
	[tilespmem:s16+$0x1180] =	vst v3;
	s16 =	smov.u32 s25  }
0x53: {  	v3 =	vld [tilespmem:s23+$0x16000];
	_ =	sdelay $0x4  }
0x54: {  	v3 =	vadd.f32 v3, v4;
	_ =	sdelay $0x1  }
0x55: {  	s23 =	sadd.s32 $0x16000, s23;
	[tilespmem:s16+$0x1100] =	vst v3  }
0x56: {  	v3 =	vld [tilespmem:s23+$0x80]  }
.Ltmp1:
0x57: {  	(pc) =	sbr.rel @p0 .LBB2_4-.Ltmp1, $3  }
0x58: {  	_ =	sdelay $0x1  }
0x59: {  	s15 =	sadd.s32 $0x10, s15  }
0x5a: {  	s24 =	sand.u32 $0x7FFFFC00, s17;
	s17 =	sadd.s32 $0x80, s17;
	s23 =	sand.u32 $0x70, s15;
	v3 =	vadd.f32 v3, v4  }
0x5b: {  	s15 =	sor.u32 s23, s24;
	s17 =	sshrl.u32 s24, $0x2  }
0x5c: {  	v4 =	vld [tilespmem:s15+$0x13080];
	s17 =	sor.u32 s23, s17;
	[tilespmem:s16+$0x1180] =	vst v3  }
0x5d: {  	v3 =	vld [tilespmem:s17+$0x16000];
	_ =	sdelay $0x4  }
0x5e: {  	v3 =	vadd.f32 v3, v4;
	_ =	sdelay $0x1  }
0x5f: {  	s30 =	sadd.s32 $0x16000, s17;
	[tilespmem:s15+$0x1100] =	vst v3  }
0x60: {  	v3 =	vld [tilespmem:s30+$0x80];
	_ =	sdelay $0x4  }
0x61: {  	v3 =	vadd.f32 v3, v4;
	_ =	sdelay $0x1  }
0x62: {  	[tilespmem:s15+$0x1180] =	vst v3  }
0x63: {  	v3 =	vld [tilespmem:s9+$0x13100]  }
0x64: {  	v4 =	vld [tilespmem:s11+$0x16000];
	_ =	sdelay $0x4  }
0x65: {  	v4 =	vadd.f32 v4, v3;
	_ =	sdelay $0x1  }
0x66: {  	[tilespmem:s9+$0x1200] =	vst v4  }
0x67: {  	v4 =	vld [tilespmem:s14+$0x80];
	_ =	sdelay $0x3  }
0x68: {  	s11 =	simm.s32 $0x10  }
0x69: {  	s15 =	sand.u32 $0x7FFFFC00, s10;
	s10 =	simm.s32 $0x100;
	s14 =	sand.u32 $0x70, s11;
	v3 =	vadd.f32 v4, v3  }
.LBB2_6:
0x6a: {  	p0 =	sne.s32 s10, $0x1780;
	s16 =	sor.u32 s14, s15;
	s15 =	sshrl.u32 s15, $0x2  }
0x6b: {  	v4 =	vld [tilespmem:s16+$0x13100];
	s14 =	sor.u32 s14, s15;
	[tilespmem:s9+$0x1280] =	vst v3;
	s9 =	smov.u32 s16  }
0x6c: {  	v3 =	vld [tilespmem:s14+$0x16000];
	_ =	sdelay $0x4  }
0x6d: {  	v3 =	vadd.f32 v3, v4;
	_ =	sdelay $0x1  }
0x6e: {  	s14 =	sadd.s32 $0x16000, s14;
	[tilespmem:s9+$0x1200] =	vst v3  }
0x6f: {  	v3 =	vld [tilespmem:s14+$0x80]  }
.Ltmp2:
0x70: {  	(pc) =	sbr.rel @p0 .LBB2_6-.Ltmp2, $3  }
0x71: {  	_ =	sdelay $0x1  }
0x72: {  	s11 =	sadd.s32 $0x10, s11  }
0x73: {  	s15 =	sand.u32 $0x7FFFFC00, s10;
	s10 =	sadd.s32 $0x80, s10;
	s14 =	sand.u32 $0x70, s11;
	v3 =	vadd.f32 v3, v4  }
0x74: {  	s10 =	sor.u32 s14, s15;
	s11 =	sshrl.u32 s15, $0x2  }
0x75: {  	v4 =	vld [tilespmem:s10+$0x13100];
	s11 =	sor.u32 s14, s11;
	[tilespmem:s9+$0x1280] =	vst v3  }
0x76: {  	v3 =	vld [tilespmem:s11+$0x16000];
	_ =	sdelay $0x4  }
0x77: {  	v3 =	vadd.f32 v3, v4;
	_ =	sdelay $0x1  }
0x78: {  	s25 =	sadd.s32 $0x16000, s11;
	[tilespmem:s10+$0x1200] =	vst v3  }
0x79: {  	v3 =	vld [tilespmem:s25+$0x80];
	_ =	sdelay $0x4  }
0x7a: {  	s26 =	simm.s32 $0x0;
	v3 =	vadd.f32 v3, v4  }
0x7b: {  	s28 =	sand.u32 $0x70, s26;
	s29 =	sand.u32 $0x7FFFFC00, s26  }
0x7c: {  	s9 =	sor.u32 s28, s29;
	s30 =	sshrl.u32 s29, $0x2;
	[tilespmem:s10+$0x1280] =	vst v3  }
0x7d: {  	s11 =	sor.u32 s28, s30;
	v3 =	vld [tilespmem:s9+$0x13180]  }
0x7e: {  	v4 =	vld [tilespmem:s11+$0x16000];
	_ =	sdelay $0x4  }
0x7f: {  	v4 =	vadd.f32 v4, v3;
	_ =	sdelay $0x1  }
0x80: {  	s14 =	sadd.s32 $0x16000, s11;
	[tilespmem:s9+$0x1300] =	vst v4  }
0x81: {  	v4 =	vld [tilespmem:s14+$0x80];
	_ =	sdelay $0x3  }
0x82: {  	s15 =	simm.s32 $0x10;
	s17 =	simm.s32 $0x100;
	s10 =	simm.s32 $0x80  }
0x83: {  	s23 =	sand.u32 $0x70, s15;
	s16 =	smov.u32 s9;
	s24 =	sand.u32 $0x7FFFFC00, s10;
	v3 =	vadd.f32 v4, v3  }
.LBB2_8:
0x84: {  	p0 =	sne.s32 s17, $0x1780;
	s25 =	sor.u32 s23, s24;
	s24 =	sshrl.u32 s24, $0x2  }
0x85: {  	v4 =	vld [tilespmem:s25+$0x13180];
	s23 =	sor.u32 s23, s24;
	[tilespmem:s16+$0x1380] =	vst v3;
	s16 =	smov.u32 s25  }
0x86: {  	v3 =	vld [tilespmem:s23+$0x16000];
	_ =	sdelay $0x4  }
0x87: {  	v3 =	vadd.f32 v3, v4;
	_ =	sdelay $0x1  }
0x88: {  	s23 =	sadd.s32 $0x16000, s23;
	[tilespmem:s16+$0x1300] =	vst v3  }
0x89: {  	v3 =	vld [tilespmem:s23+$0x80]  }
.Ltmp3:
0x8a: {  	(pc) =	sbr.rel @p0 .LBB2_8-.Ltmp3, $3  }
0x8b: {  	_ =	sdelay $0x1  }
0x8c: {  	s15 =	sadd.s32 $0x10, s15  }
0x8d: {  	s24 =	sand.u32 $0x7FFFFC00, s17;
	s17 =	sadd.s32 $0x80, s17;
	s23 =	sand.u32 $0x70, s15;
	v3 =	vadd.f32 v3, v4  }
0x8e: {  	s15 =	sor.u32 s23, s24;
	s17 =	sshrl.u32 s24, $0x2  }
0x8f: {  	v4 =	vld [tilespmem:s15+$0x13180];
	s17 =	sor.u32 s23, s17;
	[tilespmem:s16+$0x1380] =	vst v3  }
0x90: {  	v3 =	vld [tilespmem:s17+$0x16000];
	_ =	sdelay $0x4  }
0x91: {  	v3 =	vadd.f32 v3, v4;
	_ =	sdelay $0x1  }
0x92: {  	s30 =	sadd.s32 $0x16000, s17;
	[tilespmem:s15+$0x1300] =	vst v3  }
0x93: {  	v3 =	vld [tilespmem:s30+$0x80];
	_ =	sdelay $0x4  }
0x94: {  	v3 =	vadd.f32 v3, v4;
	_ =	sdelay $0x1  }
0x95: {  	[tilespmem:s15+$0x1380] =	vst v3  }
0x96: {  	v3 =	vld [tilespmem:s9+$0x13200]  }
0x97: {  	v4 =	vld [tilespmem:s11+$0x16000];
	_ =	sdelay $0x4  }
0x98: {  	v4 =	vadd.f32 v4, v3;
	_ =	sdelay $0x1  }
0x99: {  	[tilespmem:s9+$0x2800] =	vst v4  }
0x9a: {  	v4 =	vld [tilespmem:s14+$0x80];
	_ =	sdelay $0x3  }
0x9b: {  	s11 =	simm.s32 $0x10  }
0x9c: {  	s15 =	sand.u32 $0x7FFFFC00, s10;
	s10 =	simm.s32 $0x100;
	s14 =	sand.u32 $0x70, s11;
	v3 =	vadd.f32 v4, v3  }
.LBB2_10:
0x9d: {  	p0 =	sne.s32 s10, $0x1780;
	s16 =	sor.u32 s14, s15;
	s15 =	sshrl.u32 s15, $0x2  }
0x9e: {  	v4 =	vld [tilespmem:s16+$0x13200];
	s14 =	sor.u32 s14, s15;
	[tilespmem:s9+$0x2880] =	vst v3;
	s9 =	smov.u32 s16  }
0x9f: {  	v3 =	vld [tilespmem:s14+$0x16000];
	_ =	sdelay $0x4  }
0xa0: {  	v3 =	vadd.f32 v3, v4;
	_ =	sdelay $0x1  }
0xa1: {  	s14 =	sadd.s32 $0x16000, s14;
	[tilespmem:s9+$0x2800] =	vst v3  }
0xa2: {  	v3 =	vld [tilespmem:s14+$0x80]  }
.Ltmp4:
0xa3: {  	(pc) =	sbr.rel @p0 .LBB2_10-.Ltmp4, $3  }
0xa4: {  	_ =	sdelay $0x1  }
0xa5: {  	s11 =	sadd.s32 $0x10, s11  }
0xa6: {  	s15 =	sand.u32 $0x7FFFFC00, s10;
	s10 =	sadd.s32 $0x80, s10;
	s14 =	sand.u32 $0x70, s11;
	v3 =	vadd.f32 v3, v4  }
0xa7: {  	s10 =	sor.u32 s14, s15;
	s11 =	sshrl.u32 s15, $0x2  }
0xa8: {  	v4 =	vld [tilespmem:s10+$0x13200];
	s11 =	sor.u32 s14, s11;
	[tilespmem:s9+$0x2880] =	vst v3  }
0xa9: {  	v3 =	vld [tilespmem:s11+$0x16000];
	_ =	sdelay $0x4  }
0xaa: {  	v3 =	vadd.f32 v3, v4;
	_ =	sdelay $0x1  }
0xab: {  	s25 =	sadd.s32 $0x16000, s11;
	[tilespmem:s10+$0x2800] =	vst v3  }
0xac: {  	v3 =	vld [tilespmem:s25+$0x80];
	_ =	sdelay $0x4  }
0xad: {  	s26 =	simm.s32 $0x0;
	v3 =	vadd.f32 v3, v4  }
0xae: {  	s28 =	sand.u32 $0x70, s26;
	s29 =	sand.u32 $0x7FFFFC00, s26  }
0xaf: {  	s9 =	sor.u32 s28, s29;
	s30 =	sshrl.u32 s29, $0x2;
	[tilespmem:s10+$0x2880] =	vst v3  }
0xb0: {  	s11 =	sor.u32 s28, s30;
	v3 =	vld [tilespmem:s9+$0x13280]  }
0xb1: {  	v4 =	vld [tilespmem:s11+$0x16000];
	_ =	sdelay $0x4  }
0xb2: {  	v4 =	vadd.f32 v4, v3;
	_ =	sdelay $0x1  }
0xb3: {  	s14 =	sadd.s32 $0x16000, s11;
	[tilespmem:s9+$0x2900] =	vst v4  }
0xb4: {  	v4 =	vld [tilespmem:s14+$0x80];
	_ =	sdelay $0x3  }
0xb5: {  	s15 =	simm.s32 $0x10;
	s17 =	simm.s32 $0x100;
	s10 =	simm.s32 $0x80  }
0xb6: {  	s23 =	sand.u32 $0x70, s15;
	s16 =	smov.u32 s9;
	s24 =	sand.u32 $0x7FFFFC00, s10;
	v3 =	vadd.f32 v4, v3  }
.LBB2_12:
0xb7: {  	p0 =	sne.s32 s17, $0x1780;
	s25 =	sor.u32 s23, s24;
	s24 =	sshrl.u32 s24, $0x2  }
0xb8: {  	v4 =	vld [tilespmem:s25+$0x13280];
	s23 =	sor.u32 s23, s24;
	[tilespmem:s16+$0x2980] =	vst v3;
	s16 =	smov.u32 s25  }
0xb9: {  	v3 =	vld [tilespmem:s23+$0x16000];
	_ =	sdelay $0x4  }
0xba: {  	v3 =	vadd.f32 v3, v4;
	_ =	sdelay $0x1  }
0xbb: {  	s23 =	sadd.s32 $0x16000, s23;
	[tilespmem:s16+$0x2900] =	vst v3  }
0xbc: {  	v3 =	vld [tilespmem:s23+$0x80]  }
.Ltmp5:
0xbd: {  	(pc) =	sbr.rel @p0 .LBB2_12-.Ltmp5, $3  }
0xbe: {  	_ =	sdelay $0x1  }
0xbf: {  	s15 =	sadd.s32 $0x10, s15  }
0xc0: {  	s24 =	sand.u32 $0x7FFFFC00, s17;
	s17 =	sadd.s32 $0x80, s17;
	s23 =	sand.u32 $0x70, s15;
	v3 =	vadd.f32 v3, v4  }
0xc1: {  	s15 =	sor.u32 s23, s24;
	s17 =	sshrl.u32 s24, $0x2  }
0xc2: {  	v4 =	vld [tilespmem:s15+$0x13280];
	s17 =	sor.u32 s23, s17;
	[tilespmem:s16+$0x2980] =	vst v3  }
0xc3: {  	v3 =	vld [tilespmem:s17+$0x16000];
	_ =	sdelay $0x4  }
0xc4: {  	v3 =	vadd.f32 v3, v4;
	_ =	sdelay $0x1  }
0xc5: {  	s30 =	sadd.s32 $0x16000, s17;
	[tilespmem:s15+$0x2900] =	vst v3  }
0xc6: {  	v3 =	vld [tilespmem:s30+$0x80];
	_ =	sdelay $0x4  }
0xc7: {  	v3 =	vadd.f32 v3, v4;
	_ =	sdelay $0x1  }
0xc8: {  	[tilespmem:s15+$0x2980] =	vst v3  }
0xc9: {  	v3 =	vld [tilespmem:s9+$0x13300]  }
0xca: {  	v4 =	vld [tilespmem:s11+$0x16000];
	_ =	sdelay $0x4  }
0xcb: {  	v4 =	vadd.f32 v4, v3;
	_ =	sdelay $0x1  }
0xcc: {  	[tilespmem:s9+$0x2A00] =	vst v4  }
0xcd: {  	v4 =	vld [tilespmem:s14+$0x80];
	_ =	sdelay $0x3  }
0xce: {  	s11 =	simm.s32 $0x10  }
0xcf: {  	s15 =	sand.u32 $0x7FFFFC00, s10;
	s10 =	simm.s32 $0x100;
	s14 =	sand.u32 $0x70, s11;
	v3 =	vadd.f32 v4, v3  }
.LBB2_14:
0xd0: {  	p0 =	sne.s32 s10, $0x1780;
	s16 =	sor.u32 s14, s15;
	s15 =	sshrl.u32 s15, $0x2  }
0xd1: {  	v4 =	vld [tilespmem:s16+$0x13300];
	s14 =	sor.u32 s14, s15;
	[tilespmem:s9+$0x2A80] =	vst v3;
	s9 =	smov.u32 s16  }
0xd2: {  	v3 =	vld [tilespmem:s14+$0x16000];
	_ =	sdelay $0x4  }
0xd3: {  	v3 =	vadd.f32 v3, v4;
	_ =	sdelay $0x1  }
0xd4: {  	s14 =	sadd.s32 $0x16000, s14;
	[tilespmem:s9+$0x2A00] =	vst v3  }
0xd5: {  	v3 =	vld [tilespmem:s14+$0x80]  }
.Ltmp6:
0xd6: {  	(pc) =	sbr.rel @p0 .LBB2_14-.Ltmp6, $3  }
0xd7: {  	_ =	sdelay $0x1  }
0xd8: {  	s11 =	sadd.s32 $0x10, s11  }
0xd9: {  	s15 =	sand.u32 $0x7FFFFC00, s10;
	s10 =	sadd.s32 $0x80, s10;
	s14 =	sand.u32 $0x70, s11;
	v3 =	vadd.f32 v3, v4  }
0xda: {  	s10 =	sor.u32 s14, s15;
	s11 =	sshrl.u32 s15, $0x2  }
0xdb: {  	v4 =	vld [tilespmem:s10+$0x13300];
	s11 =	sor.u32 s14, s11;
	[tilespmem:s9+$0x2A80] =	vst v3  }
0xdc: {  	v3 =	vld [tilespmem:s11+$0x16000];
	_ =	sdelay $0x4  }
0xdd: {  	v3 =	vadd.f32 v3, v4;
	_ =	sdelay $0x1  }
0xde: {  	s25 =	sadd.s32 $0x16000, s11;
	[tilespmem:s10+$0x2A00] =	vst v3  }
0xdf: {  	v3 =	vld [tilespmem:s25+$0x80];
	_ =	sdelay $0x4  }
0xe0: {  	s26 =	simm.s32 $0x0;
	v3 =	vadd.f32 v3, v4  }
0xe1: {  	s28 =	sand.u32 $0x70, s26;
	s29 =	sand.u32 $0x7FFFFC00, s26  }
0xe2: {  	s9 =	sor.u32 s28, s29;
	s30 =	sshrl.u32 s29, $0x2;
	[tilespmem:s10+$0x2A80] =	vst v3  }
0xe3: {  	s11 =	sor.u32 s28, s30;
	v3 =	vld [tilespmem:s9+$0x13380]  }
0xe4: {  	v4 =	vld [tilespmem:s11+$0x16000];
	_ =	sdelay $0x4  }
0xe5: {  	v4 =	vadd.f32 v4, v3;
	_ =	sdelay $0x1  }
0xe6: {  	s14 =	sadd.s32 $0x16000, s11;
	[tilespmem:s9+$0x2B00] =	vst v4  }
0xe7: {  	v4 =	vld [tilespmem:s14+$0x80];
	_ =	sdelay $0x3  }
0xe8: {  	s15 =	simm.s32 $0x10;
	s17 =	simm.s32 $0x100;
	s10 =	simm.s32 $0x80  }
0xe9: {  	s23 =	sand.u32 $0x70, s15;
	s16 =	smov.u32 s9;
	s24 =	sand.u32 $0x7FFFFC00, s10;
	v3 =	vadd.f32 v4, v3  }
.LBB2_16:
0xea: {  	p0 =	sne.s32 s17, $0x1780;
	s25 =	sor.u32 s23, s24;
	s24 =	sshrl.u32 s24, $0x2  }
0xeb: {  	v4 =	vld [tilespmem:s25+$0x13380];
	s23 =	sor.u32 s23, s24;
	[tilespmem:s16+$0x2B80] =	vst v3;
	s16 =	smov.u32 s25  }
0xec: {  	v3 =	vld [tilespmem:s23+$0x16000];
	_ =	sdelay $0x4  }
0xed: {  	v3 =	vadd.f32 v3, v4;
	_ =	sdelay $0x1  }
0xee: {  	s23 =	sadd.s32 $0x16000, s23;
	[tilespmem:s16+$0x2B00] =	vst v3  }
0xef: {  	v3 =	vld [tilespmem:s23+$0x80]  }
.Ltmp7:
0xf0: {  	(pc) =	sbr.rel @p0 .LBB2_16-.Ltmp7, $3  }
0xf1: {  	_ =	sdelay $0x1  }
0xf2: {  	s15 =	sadd.s32 $0x10, s15  }
0xf3: {  	s24 =	sand.u32 $0x7FFFFC00, s17;
	s17 =	sadd.s32 $0x80, s17;
	s23 =	sand.u32 $0x70, s15;
	v3 =	vadd.f32 v3, v4  }
0xf4: {  	s15 =	sor.u32 s23, s24;
	s17 =	sshrl.u32 s24, $0x2  }
0xf5: {  	v4 =	vld [tilespmem:s15+$0x13380];
	s17 =	sor.u32 s23, s17;
	[tilespmem:s16+$0x2B80] =	vst v3  }
0xf6: {  	v3 =	vld [tilespmem:s17+$0x16000];
	_ =	sdelay $0x4  }
0xf7: {  	v3 =	vadd.f32 v3, v4;
	_ =	sdelay $0x1  }
0xf8: {  	s30 =	sadd.s32 $0x16000, s17;
	[tilespmem:s15+$0x2B00] =	vst v3  }
0xf9: {  	v3 =	vld [tilespmem:s30+$0x80];
	_ =	sdelay $0x4  }
0xfa: {  	v3 =	vadd.f32 v3, v4;
	_ =	sdelay $0x1  }
0xfb: {  	[tilespmem:s15+$0x2B80] =	vst v3  }
0xfc: {  	v3 =	vld [tilespmem:s9+$0x14800]  }
0xfd: {  	v4 =	vld [tilespmem:s11+$0x16000];
	_ =	sdelay $0x4  }
0xfe: {  	v4 =	vadd.f32 v4, v3;
	_ =	sdelay $0x1  }
0xff: {  	[tilespmem:s9+$0x4000] =	vst v4  }
0x100: {  	v4 =	vld [tilespmem:s14+$0x80];
	_ =	sdelay $0x3  }
0x101: {  	s11 =	simm.s32 $0x10  }
0x102: {  	s15 =	sand.u32 $0x7FFFFC00, s10;
	s10 =	simm.s32 $0x100;
	s14 =	sand.u32 $0x70, s11;
	v3 =	vadd.f32 v4, v3  }
.LBB2_18:
0x103: {  	p0 =	sne.s32 s10, $0x1780;
	s16 =	sor.u32 s14, s15;
	s15 =	sshrl.u32 s15, $0x2  }
0x104: {  	v4 =	vld [tilespmem:s16+$0x14800];
	s14 =	sor.u32 s14, s15;
	[tilespmem:s9+$0x4080] =	vst v3;
	s9 =	smov.u32 s16  }
0x105: {  	v3 =	vld [tilespmem:s14+$0x16000];
	_ =	sdelay $0x4  }
0x106: {  	v3 =	vadd.f32 v3, v4;
	_ =	sdelay $0x1  }
0x107: {  	s14 =	sadd.s32 $0x16000, s14;
	[tilespmem:s9+$0x4000] =	vst v3  }
0x108: {  	v3 =	vld [tilespmem:s14+$0x80]  }
.Ltmp8:
0x109: {  	(pc) =	sbr.rel @p0 .LBB2_18-.Ltmp8, $3  }
0x10a: {  	_ =	sdelay $0x1  }
0x10b: {  	s11 =	sadd.s32 $0x10, s11  }
0x10c: {  	s15 =	sand.u32 $0x7FFFFC00, s10;
	s10 =	sadd.s32 $0x80, s10;
	s14 =	sand.u32 $0x70, s11;
	v3 =	vadd.f32 v3, v4  }
0x10d: {  	s10 =	sor.u32 s14, s15;
	s11 =	sshrl.u32 s15, $0x2  }
0x10e: {  	v4 =	vld [tilespmem:s10+$0x14800];
	s11 =	sor.u32 s14, s11;
	[tilespmem:s9+$0x4080] =	vst v3  }
0x10f: {  	v3 =	vld [tilespmem:s11+$0x16000];
	_ =	sdelay $0x4  }
0x110: {  	v3 =	vadd.f32 v3, v4;
	_ =	sdelay $0x1  }
0x111: {  	s25 =	sadd.s32 $0x16000, s11;
	[tilespmem:s10+$0x4000] =	vst v3  }
0x112: {  	v3 =	vld [tilespmem:s25+$0x80];
	_ =	sdelay $0x4  }
0x113: {  	s26 =	simm.s32 $0x0;
	v3 =	vadd.f32 v3, v4  }
0x114: {  	s28 =	sand.u32 $0x70, s26;
	s29 =	sand.u32 $0x7FFFFC00, s26  }
0x115: {  	s9 =	sor.u32 s28, s29;
	s30 =	sshrl.u32 s29, $0x2;
	[tilespmem:s10+$0x4080] =	vst v3  }
0x116: {  	s11 =	sor.u32 s28, s30;
	v3 =	vld [tilespmem:s9+$0x14880]  }
0x117: {  	v4 =	vld [tilespmem:s11+$0x16000];
	_ =	sdelay $0x4  }
0x118: {  	v4 =	vadd.f32 v4, v3;
	_ =	sdelay $0x1  }
0x119: {  	s14 =	sadd.s32 $0x16000, s11;
	[tilespmem:s9+$0x4100] =	vst v4  }
0x11a: {  	v4 =	vld [tilespmem:s14+$0x80];
	_ =	sdelay $0x3  }
0x11b: {  	s15 =	simm.s32 $0x10;
	s17 =	simm.s32 $0x100;
	s10 =	simm.s32 $0x80  }
0x11c: {  	s23 =	sand.u32 $0x70, s15;
	s16 =	smov.u32 s9;
	s24 =	sand.u32 $0x7FFFFC00, s10;
	v3 =	vadd.f32 v4, v3  }
.LBB2_20:
0x11d: {  	p0 =	sne.s32 s17, $0x1780;
	s25 =	sor.u32 s23, s24;
	s24 =	sshrl.u32 s24, $0x2  }
0x11e: {  	v4 =	vld [tilespmem:s25+$0x14880];
	s23 =	sor.u32 s23, s24;
	[tilespmem:s16+$0x4180] =	vst v3;
	s16 =	smov.u32 s25  }
0x11f: {  	v3 =	vld [tilespmem:s23+$0x16000];
	_ =	sdelay $0x4  }
0x120: {  	v3 =	vadd.f32 v3, v4;
	_ =	sdelay $0x1  }
0x121: {  	s23 =	sadd.s32 $0x16000, s23;
	[tilespmem:s16+$0x4100] =	vst v3  }
0x122: {  	v3 =	vld [tilespmem:s23+$0x80]  }
.Ltmp9:
0x123: {  	(pc) =	sbr.rel @p0 .LBB2_20-.Ltmp9, $3  }
0x124: {  	_ =	sdelay $0x1  }
0x125: {  	s15 =	sadd.s32 $0x10, s15  }
0x126: {  	s24 =	sand.u32 $0x7FFFFC00, s17;
	s17 =	sadd.s32 $0x80, s17;
	s23 =	sand.u32 $0x70, s15;
	v3 =	vadd.f32 v3, v4  }
0x127: {  	s15 =	sor.u32 s23, s24;
	s17 =	sshrl.u32 s24, $0x2  }
0x128: {  	v4 =	vld [tilespmem:s15+$0x14880];
	s17 =	sor.u32 s23, s17;
	[tilespmem:s16+$0x4180] =	vst v3  }
0x129: {  	v3 =	vld [tilespmem:s17+$0x16000];
	_ =	sdelay $0x4  }
0x12a: {  	v3 =	vadd.f32 v3, v4;
	_ =	sdelay $0x1  }
0x12b: {  	s30 =	sadd.s32 $0x16000, s17;
	[tilespmem:s15+$0x4100] =	vst v3  }
0x12c: {  	v3 =	vld [tilespmem:s30+$0x80];
	_ =	sdelay $0x4  }
0x12d: {  	v3 =	vadd.f32 v3, v4;
	_ =	sdelay $0x1  }
0x12e: {  	[tilespmem:s15+$0x4180] =	vst v3  }
0x12f: {  	v3 =	vld [tilespmem:s9+$0x14900]  }
0x130: {  	v4 =	vld [tilespmem:s11+$0x16000];
	_ =	sdelay $0x4  }
0x131: {  	v4 =	vadd.f32 v4, v3;
	_ =	sdelay $0x1  }
0x132: {  	[tilespmem:s9+$0x4200] =	vst v4  }
0x133: {  	v4 =	vld [tilespmem:s14+$0x80];
	_ =	sdelay $0x3  }
0x134: {  	s11 =	simm.s32 $0x10  }
0x135: {  	s15 =	sand.u32 $0x7FFFFC00, s10;
	s10 =	simm.s32 $0x100;
	s14 =	sand.u32 $0x70, s11;
	v3 =	vadd.f32 v4, v3  }
.LBB2_22:
0x136: {  	p0 =	sne.s32 s10, $0x1780;
	s16 =	sor.u32 s14, s15;
	s15 =	sshrl.u32 s15, $0x2  }
0x137: {  	v4 =	vld [tilespmem:s16+$0x14900];
	s14 =	sor.u32 s14, s15;
	[tilespmem:s9+$0x4280] =	vst v3;
	s9 =	smov.u32 s16  }
0x138: {  	v3 =	vld [tilespmem:s14+$0x16000];
	_ =	sdelay $0x4  }
0x139: {  	v3 =	vadd.f32 v3, v4;
	_ =	sdelay $0x1  }
0x13a: {  	s14 =	sadd.s32 $0x16000, s14;
	[tilespmem:s9+$0x4200] =	vst v3  }
0x13b: {  	v3 =	vld [tilespmem:s14+$0x80]  }
.Ltmp10:
0x13c: {  	(pc) =	sbr.rel @p0 .LBB2_22-.Ltmp10, $3  }
0x13d: {  	_ =	sdelay $0x1  }
0x13e: {  	s11 =	sadd.s32 $0x10, s11  }
0x13f: {  	s15 =	sand.u32 $0x7FFFFC00, s10;
	s10 =	sadd.s32 $0x80, s10;
	s14 =	sand.u32 $0x70, s11;
	v3 =	vadd.f32 v3, v4  }
0x140: {  	s10 =	sor.u32 s14, s15;
	s11 =	sshrl.u32 s15, $0x2  }
0x141: {  	v4 =	vld [tilespmem:s10+$0x14900];
	s11 =	sor.u32 s14, s11;
	[tilespmem:s9+$0x4280] =	vst v3  }
0x142: {  	v3 =	vld [tilespmem:s11+$0x16000];
	_ =	sdelay $0x4  }
0x143: {  	v3 =	vadd.f32 v3, v4;
	_ =	sdelay $0x1  }
0x144: {  	s25 =	sadd.s32 $0x16000, s11;
	[tilespmem:s10+$0x4200] =	vst v3  }
0x145: {  	v3 =	vld [tilespmem:s25+$0x80];
	_ =	sdelay $0x4  }
0x146: {  	s26 =	simm.s32 $0x0;
	v3 =	vadd.f32 v3, v4  }
0x147: {  	s28 =	sand.u32 $0x70, s26;
	s29 =	sand.u32 $0x7FFFFC00, s26  }
0x148: {  	s9 =	sor.u32 s28, s29;
	s30 =	sshrl.u32 s29, $0x2;
	[tilespmem:s10+$0x4280] =	vst v3  }
0x149: {  	s11 =	sor.u32 s28, s30;
	v3 =	vld [tilespmem:s9+$0x14980]  }
0x14a: {  	v4 =	vld [tilespmem:s11+$0x16000];
	_ =	sdelay $0x4  }
0x14b: {  	v4 =	vadd.f32 v4, v3;
	_ =	sdelay $0x1  }
0x14c: {  	s14 =	sadd.s32 $0x16000, s11;
	[tilespmem:s9+$0x4300] =	vst v4  }
0x14d: {  	v4 =	vld [tilespmem:s14+$0x80];
	_ =	sdelay $0x3  }
0x14e: {  	s15 =	simm.s32 $0x10;
	s17 =	simm.s32 $0x100;
	s10 =	simm.s32 $0x80  }
0x14f: {  	s23 =	sand.u32 $0x70, s15;
	s16 =	smov.u32 s9;
	s24 =	sand.u32 $0x7FFFFC00, s10;
	v3 =	vadd.f32 v4, v3  }
.LBB2_24:
0x150: {  	p0 =	sne.s32 s17, $0x1780;
	s25 =	sor.u32 s23, s24;
	s24 =	sshrl.u32 s24, $0x2  }
0x151: {  	v4 =	vld [tilespmem:s25+$0x14980];
	s23 =	sor.u32 s23, s24;
	[tilespmem:s16+$0x4380] =	vst v3;
	s16 =	smov.u32 s25  }
0x152: {  	v3 =	vld [tilespmem:s23+$0x16000];
	_ =	sdelay $0x4  }
0x153: {  	v3 =	vadd.f32 v3, v4;
	_ =	sdelay $0x1  }
0x154: {  	s23 =	sadd.s32 $0x16000, s23;
	[tilespmem:s16+$0x4300] =	vst v3  }
0x155: {  	v3 =	vld [tilespmem:s23+$0x80]  }
.Ltmp11:
0x156: {  	(pc) =	sbr.rel @p0 .LBB2_24-.Ltmp11, $3  }
0x157: {  	_ =	sdelay $0x1  }
0x158: {  	s15 =	sadd.s32 $0x10, s15  }
0x159: {  	s24 =	sand.u32 $0x7FFFFC00, s17;
	s17 =	sadd.s32 $0x80, s17;
	s23 =	sand.u32 $0x70, s15;
	v3 =	vadd.f32 v3, v4  }
0x15a: {  	s15 =	sor.u32 s23, s24;
	s17 =	sshrl.u32 s24, $0x2  }
0x15b: {  	v4 =	vld [tilespmem:s15+$0x14980];
	s17 =	sor.u32 s23, s17;
	[tilespmem:s16+$0x4380] =	vst v3  }
0x15c: {  	v3 =	vld [tilespmem:s17+$0x16000];
	_ =	sdelay $0x4  }
0x15d: {  	v3 =	vadd.f32 v3, v4;
	_ =	sdelay $0x1  }
0x15e: {  	s30 =	sadd.s32 $0x16000, s17;
	[tilespmem:s15+$0x4300] =	vst v3  }
0x15f: {  	v3 =	vld [tilespmem:s30+$0x80];
	_ =	sdelay $0x4  }
0x160: {  	v3 =	vadd.f32 v3, v4;
	_ =	sdelay $0x1  }
0x161: {  	[tilespmem:s15+$0x4380] =	vst v3  }
0x162: {  	v3 =	vld [tilespmem:s9+$0x14A00]  }
0x163: {  	v4 =	vld [tilespmem:s11+$0x16000];
	_ =	sdelay $0x4  }
0x164: {  	v4 =	vadd.f32 v4, v3;
	_ =	sdelay $0x1  }
0x165: {  	[tilespmem:s9+$0x5800] =	vst v4  }
0x166: {  	v4 =	vld [tilespmem:s14+$0x80];
	_ =	sdelay $0x3  }
0x167: {  	s11 =	simm.s32 $0x10  }
0x168: {  	s15 =	sand.u32 $0x7FFFFC00, s10;
	s10 =	simm.s32 $0x100;
	s14 =	sand.u32 $0x70, s11;
	v3 =	vadd.f32 v4, v3  }
.LBB2_26:
0x169: {  	p0 =	sne.s32 s10, $0x1780;
	s16 =	sor.u32 s14, s15;
	s15 =	sshrl.u32 s15, $0x2  }
0x16a: {  	v4 =	vld [tilespmem:s16+$0x14A00];
	s14 =	sor.u32 s14, s15;
	[tilespmem:s9+$0x5880] =	vst v3;
	s9 =	smov.u32 s16  }
0x16b: {  	v3 =	vld [tilespmem:s14+$0x16000];
	_ =	sdelay $0x4  }
0x16c: {  	v3 =	vadd.f32 v3, v4;
	_ =	sdelay $0x1  }
0x16d: {  	s14 =	sadd.s32 $0x16000, s14;
	[tilespmem:s9+$0x5800] =	vst v3  }
0x16e: {  	v3 =	vld [tilespmem:s14+$0x80]  }
.Ltmp12:
0x16f: {  	(pc) =	sbr.rel @p0 .LBB2_26-.Ltmp12, $3  }
0x170: {  	_ =	sdelay $0x1  }
0x171: {  	s11 =	sadd.s32 $0x10, s11  }
0x172: {  	s15 =	sand.u32 $0x7FFFFC00, s10;
	s10 =	sadd.s32 $0x80, s10;
	s14 =	sand.u32 $0x70, s11;
	v3 =	vadd.f32 v3, v4  }
0x173: {  	s10 =	sor.u32 s14, s15;
	s11 =	sshrl.u32 s15, $0x2  }
0x174: {  	v4 =	vld [tilespmem:s10+$0x14A00];
	s11 =	sor.u32 s14, s11;
	[tilespmem:s9+$0x5880] =	vst v3  }
0x175: {  	v3 =	vld [tilespmem:s11+$0x16000];
	_ =	sdelay $0x4  }
0x176: {  	v3 =	vadd.f32 v3, v4;
	_ =	sdelay $0x1  }
0x177: {  	s25 =	sadd.s32 $0x16000, s11;
	[tilespmem:s10+$0x5800] =	vst v3  }
0x178: {  	v3 =	vld [tilespmem:s25+$0x80];
	_ =	sdelay $0x4  }
0x179: {  	s26 =	simm.s32 $0x0;
	v3 =	vadd.f32 v3, v4  }
0x17a: {  	s28 =	sand.u32 $0x70, s26;
	s29 =	sand.u32 $0x7FFFFC00, s26  }
0x17b: {  	s9 =	sor.u32 s28, s29;
	s30 =	sshrl.u32 s29, $0x2;
	[tilespmem:s10+$0x5880] =	vst v3  }
0x17c: {  	s11 =	sor.u32 s28, s30;
	v3 =	vld [tilespmem:s9+$0x14A80]  }
0x17d: {  	v4 =	vld [tilespmem:s11+$0x16000];
	_ =	sdelay $0x4  }
0x17e: {  	v4 =	vadd.f32 v4, v3;
	_ =	sdelay $0x1  }
0x17f: {  	s14 =	sadd.s32 $0x16000, s11;
	[tilespmem:s9+$0x5900] =	vst v4  }
0x180: {  	v4 =	vld [tilespmem:s14+$0x80];
	_ =	sdelay $0x3  }
0x181: {  	s15 =	simm.s32 $0x10;
	s17 =	simm.s32 $0x100;
	s10 =	simm.s32 $0x80  }
0x182: {  	s23 =	sand.u32 $0x70, s15;
	s16 =	smov.u32 s9;
	s24 =	sand.u32 $0x7FFFFC00, s10;
	v3 =	vadd.f32 v4, v3  }
.LBB2_28:
0x183: {  	p0 =	sne.s32 s17, $0x1780;
	s25 =	sor.u32 s23, s24;
	s24 =	sshrl.u32 s24, $0x2  }
0x184: {  	v4 =	vld [tilespmem:s25+$0x14A80];
	s23 =	sor.u32 s23, s24;
	[tilespmem:s16+$0x5980] =	vst v3;
	s16 =	smov.u32 s25  }
0x185: {  	v3 =	vld [tilespmem:s23+$0x16000];
	_ =	sdelay $0x4  }
0x186: {  	v3 =	vadd.f32 v3, v4;
	_ =	sdelay $0x1  }
0x187: {  	s23 =	sadd.s32 $0x16000, s23;
	[tilespmem:s16+$0x5900] =	vst v3  }
0x188: {  	v3 =	vld [tilespmem:s23+$0x80]  }
.Ltmp13:
0x189: {  	(pc) =	sbr.rel @p0 .LBB2_28-.Ltmp13, $3  }
0x18a: {  	_ =	sdelay $0x1  }
0x18b: {  	s15 =	sadd.s32 $0x10, s15  }
0x18c: {  	s24 =	sand.u32 $0x7FFFFC00, s17;
	s17 =	sadd.s32 $0x80, s17;
	s23 =	sand.u32 $0x70, s15;
	v3 =	vadd.f32 v3, v4  }
0x18d: {  	s15 =	sor.u32 s23, s24;
	s17 =	sshrl.u32 s24, $0x2  }
0x18e: {  	v4 =	vld [tilespmem:s15+$0x14A80];
	s17 =	sor.u32 s23, s17;
	[tilespmem:s16+$0x5980] =	vst v3  }
0x18f: {  	v3 =	vld [tilespmem:s17+$0x16000];
	_ =	sdelay $0x4  }
0x190: {  	v3 =	vadd.f32 v3, v4;
	_ =	sdelay $0x1  }
0x191: {  	s30 =	sadd.s32 $0x16000, s17;
	[tilespmem:s15+$0x5900] =	vst v3  }
0x192: {  	v3 =	vld [tilespmem:s30+$0x80];
	_ =	sdelay $0x4  }
0x193: {  	v3 =	vadd.f32 v3, v4;
	_ =	sdelay $0x1  }
0x194: {  	[tilespmem:s15+$0x5980] =	vst v3  }
0x195: {  	v3 =	vld [tilespmem:s9+$0x14B00]  }
0x196: {  	v4 =	vld [tilespmem:s11+$0x16000];
	_ =	sdelay $0x4  }
0x197: {  	v4 =	vadd.f32 v4, v3;
	_ =	sdelay $0x1  }
0x198: {  	[tilespmem:s9+$0x5A00] =	vst v4  }
0x199: {  	v4 =	vld [tilespmem:s14+$0x80];
	_ =	sdelay $0x3  }
0x19a: {  	s11 =	simm.s32 $0x10  }
0x19b: {  	s15 =	sand.u32 $0x7FFFFC00, s10;
	s10 =	simm.s32 $0x100;
	s14 =	sand.u32 $0x70, s11;
	v3 =	vadd.f32 v4, v3  }
.LBB2_30:
0x19c: {  	p0 =	sne.s32 s10, $0x1780;
	s16 =	sor.u32 s14, s15;
	s15 =	sshrl.u32 s15, $0x2  }
0x19d: {  	v4 =	vld [tilespmem:s16+$0x14B00];
	s14 =	sor.u32 s14, s15;
	[tilespmem:s9+$0x5A80] =	vst v3;
	s9 =	smov.u32 s16  }
0x19e: {  	v3 =	vld [tilespmem:s14+$0x16000];
	_ =	sdelay $0x4  }
0x19f: {  	v3 =	vadd.f32 v3, v4;
	_ =	sdelay $0x1  }
0x1a0: {  	s14 =	sadd.s32 $0x16000, s14;
	[tilespmem:s9+$0x5A00] =	vst v3  }
0x1a1: {  	v3 =	vld [tilespmem:s14+$0x80]  }
.Ltmp14:
0x1a2: {  	(pc) =	sbr.rel @p0 .LBB2_30-.Ltmp14, $3  }
0x1a3: {  	_ =	sdelay $0x1  }
0x1a4: {  	s11 =	sadd.s32 $0x10, s11  }
0x1a5: {  	s15 =	sand.u32 $0x7FFFFC00, s10;
	s10 =	sadd.s32 $0x80, s10;
	s14 =	sand.u32 $0x70, s11;
	v3 =	vadd.f32 v3, v4  }
0x1a6: {  	s10 =	sor.u32 s14, s15;
	s11 =	sshrl.u32 s15, $0x2  }
0x1a7: {  	v4 =	vld [tilespmem:s10+$0x14B00];
	s11 =	sor.u32 s14, s11;
	[tilespmem:s9+$0x5A80] =	vst v3  }
0x1a8: {  	v3 =	vld [tilespmem:s11+$0x16000];
	_ =	sdelay $0x4  }
0x1a9: {  	v3 =	vadd.f32 v3, v4;
	_ =	sdelay $0x1  }
0x1aa: {  	s24 =	sadd.s32 $0x16000, s11;
	[tilespmem:s10+$0x5A00] =	vst v3  }
0x1ab: {  	v3 =	vld [tilespmem:s24+$0x80];
	_ =	sdelay $0x4  }
0x1ac: {  	s25 =	simm.s32 $0x0;
	v3 =	vadd.f32 v3, v4  }
0x1ad: {  	s26 =	sand.u32 $0x70, s25;
	s28 =	sand.u32 $0x7FFFFC00, s25  }
0x1ae: {  	s9 =	sor.u32 s26, s28;
	s29 =	sshrl.u32 s28, $0x2;
	[tilespmem:s10+$0x5A80] =	vst v3  }
0x1af: {  	s10 =	sor.u32 s26, s29;
	v3 =	vld [tilespmem:s9+$0x14B80]  }
0x1b0: {  	v4 =	vld [tilespmem:s10+$0x16000];
	_ =	sdelay $0x4  }
0x1b1: {  	v4 =	vadd.f32 v4, v3;
	_ =	sdelay $0x1  }
0x1b2: {  	s10 =	sadd.s32 $0x16000, s10;
	[tilespmem:s9+$0x5B00] =	vst v4  }
0x1b3: {  	v4 =	vld [tilespmem:s10+$0x80];
	_ =	sdelay $0x3  }
0x1b4: {  	s30 =	simm.s32 $0x80;
	s10 =	simm.s32 $0x10  }
0x1b5: {  	s15 =	sand.u32 $0x7FFFFC00, s30;
	s11 =	simm.s32 $0x100;
	s14 =	sand.u32 $0x70, s10;
	v3 =	vadd.f32 v4, v3  }
.LBB2_32:
0x1b6: {  	p0 =	sne.s32 s11, $0x1780;
	s16 =	sor.u32 s14, s15;
	s15 =	sshrl.u32 s15, $0x2  }
0x1b7: {  	v4 =	vld [tilespmem:s16+$0x14B80];
	s14 =	sor.u32 s14, s15;
	[tilespmem:s9+$0x5B80] =	vst v3;
	s9 =	smov.u32 s16  }
0x1b8: {  	v3 =	vld [tilespmem:s14+$0x16000];
	_ =	sdelay $0x4  }
0x1b9: {  	v3 =	vadd.f32 v3, v4;
	_ =	sdelay $0x1  }
0x1ba: {  	s14 =	sadd.s32 $0x16000, s14;
	[tilespmem:s9+$0x5B00] =	vst v3  }
0x1bb: {  	v3 =	vld [tilespmem:s14+$0x80]  }
.Ltmp15:
0x1bc: {  	(pc) =	sbr.rel @p0 .LBB2_32-.Ltmp15, $3  }
0x1bd: {  	_ =	sdelay $0x1  }
0x1be: {  	s10 =	sadd.s32 $0x10, s10  }
0x1bf: {  	s15 =	sand.u32 $0x7FFFFC00, s11;
	s11 =	sadd.s32 $0x80, s11;
	s14 =	sand.u32 $0x70, s10;
	v3 =	vadd.f32 v3, v4  }
0x1c0: {  	s10 =	sor.u32 s14, s15;
	s11 =	sshrl.u32 s15, $0x2  }
0x1c1: {  	v4 =	vld [tilespmem:s10+$0x14B80];
	s11 =	sor.u32 s14, s11;
	[tilespmem:s9+$0x5B80] =	vst v3  }
0x1c2: {  	v3 =	vld [tilespmem:s11+$0x16000];
	_ =	sdelay $0x4  }
0x1c3: {  	v3 =	vadd.f32 v3, v4;
	_ =	sdelay $0x1  }
0x1c4: {  	s23 =	sadd.s32 $0x16000, s11;
	[tilespmem:s10+$0x5B00] =	vst v3  }
0x1c5: {  	v3 =	vld [tilespmem:s23+$0x80];
	_ =	sdelay $0x4  }
0x1c6: {  	v3 =	vadd.f32 v3, v4;
	_ =	sdelay $0x1  }
0x1c7: {  	[tilespmem:s10+$0x5B80] =	vst v3  }
0x1c8: {  	v3 =	vld [tilespmem:$0x0];
	_ =	sdelay $0x4  }
0x1c9: {  	v63 =	vshrl.u32 v3, $0x3  }
0x1ca: {  	v4 =	vmul.u32 $0x30, v63  }
0x1cb: {  	v3 =	vand.u32 $0x7, v3  }
0x1cc: {  	v3 =	vor.u32 v3, v4  }
0x1cd: {  	v4 =	vperm.xlane v3, v0;
	_ =	sdelay $0x1  }
0x1ce: {  	v4 =	vadd.s32 v1, v4;
	_ =	sdelay $0x3  }
0x1cf: {  	s24 =	simm.s32 $0x7000;
	s9 =	simm.s32 $0x0;
	v3 =	vperm.xlane v3, v2  }
0x1d0: {  	[tilespmem:s24], [sflag:$0x1] =	stream.indirect_vreg.gather [hbm4b:s0+s9], $0x80, v4, vm0, $0xb8;
	[tilespmem:$0x17C00] =	vst v63  }
0x1d1: {  	s25 =	simm.s32 $0x7800;
	v3 =	vadd.s32 v1, v3  }
0x1d2: {  	[tilespmem:s25], [sflag:$0x1] =	stream.indirect_vreg.gather [hbm4b:s12+s9], $0x80, v4, vm0, $0xb8;
	[tilespmem:$0x17C00] =	vst v63  }
0x1d3: {  	s26 =	simm.s32 $0x8000  }
0x1d4: {  	[tilespmem:s26], [sflag:$0x1] =	stream.indirect_vreg.gather [hbm4b:s13+s9], $0x80, v4, vm0, $0xb8;
	[tilespmem:$0x17C00] =	vst v63  }
0x1d5: {  	s28 =	simm.s32 $0x8800  }
0x1d6: {  	[tilespmem:s28], [sflag:$0x1] =	stream.indirect_vreg.gather [hbm4b:s0+s9], $0x80, v3, vm0, $0xb8;
	[tilespmem:$0x17C00] =	vst v63  }
0x1d7: {  	s29 =	simm.s32 $0x9000  }
0x1d8: {  	[tilespmem:s29], [sflag:$0x1] =	stream.indirect_vreg.gather [hbm4b:s12+s9], $0x80, v3, vm0, $0xb8;
	[tilespmem:$0x17C00] =	vst v63  }
0x1d9: {  	s30 =	simm.s32 $0x9800  }
0x1da: {  	[tilespmem:s30], [sflag:$0x1] =	stream.indirect_vreg.gather [hbm4b:s13+s9], $0x80, v3, vm0, $0xb8;
	[tilespmem:$0x17C00] =	vst v63  }
.LBB2_34:
0x1db: {  	s10 =	sshllo.u32 s9, $0x1  }
0x1dc: {  	s11 =	sshll.u32 s10, $0x4  }
0x1dd: {  	s14 =	sand.u32 $0x3FFFFFF0, s11  }
0x1de: {  	v3 =	vld [tilespmem:s14+$0x0];
	_ =	sdelay $0x4  }
0x1df: {  	v4 =	vshrl.u32 v3, $0x3  }
0x1e0: {  	v4 =	vmul.u32 $0x30, v4  }
0x1e1: {  	v3 =	vand.u32 $0x7, v3  }
0x1e2: {  	v3 =	vor.u32 v3, v4  }
0x1e3: {  	v4 =	vperm.xlane v3, v0;
	_ =	sdelay $0x1  }
0x1e4: {  	v4 =	vadd.s32 v1, v4;
	_ =	sdelay $0x3  }
0x1e5: {  	s30 =	simm.s32 $0xA000;
	v3 =	vperm.xlane v3, v2  }
0x1e6: {  	[tilespmem:s30], [sflag:$0x2] =	stream.indirect_vreg.gather [hbm4b:s0+s7], $0x80, v4, vm0, $0xb8;
	[tilespmem:$0x17C00] =	vst v63  }
0x1e7: {  	v3 =	vadd.s32 v1, v3  }
0x1e8: {  	[tilespmem:s31], [sflag:$0x2] =	stream.indirect_vreg.gather [hbm4b:s12+s7], $0x80, v4, vm0, $0xb8;
	[tilespmem:$0x17C00] =	vst v63  }
0x1e9: {  	_ = 	snop  }
0x1ea: {  	[tilespmem:s3], [sflag:$0x2] =	stream.indirect_vreg.gather [hbm4b:s13+s7], $0x80, v4, vm0, $0xb8;
	[tilespmem:$0x17C00] =	vst v63  }
0x1eb: {  	_ = 	snop  }
0x1ec: {  	[tilespmem:s4], [sflag:$0x2] =	stream.indirect_vreg.gather [hbm4b:s0+s7], $0x80, v3, vm0, $0xb8;
	[tilespmem:$0x17C00] =	vst v63  }
0x1ed: {  	_ = 	snop  }
0x1ee: {  	[tilespmem:s1], [sflag:$0x2] =	stream.indirect_vreg.gather [hbm4b:s12+s7], $0x80, v3, vm0, $0xb8;
	[tilespmem:$0x17C00] =	vst v63  }
0x1ef: {  	_ = 	snop  }
0x1f0: {  	[tilespmem:s2], [sflag:$0x2] =	stream.indirect_vreg.gather [hbm4b:s13+s7], $0x80, v3, vm0, $0xb8;
	[tilespmem:$0x17C00] =	vst v63  }
0x1f1: {  	_ =	swait.ge [sflag:s5], $0x3000  }
0x1f2: {  	p0 =	seq.s32 s9, $0x0;
	[sflag:s5] =	ssyncset.done $0x0  }
0x1f3: {  	s14 =	simm.s32 @!p0 $0x3;
	[sflag:s5] =	ssyncadd.s32 $0xFFFFD000  }
0x1f4: {  	s15 =	simm.s32 $0x0;
	_ =	swait.ge @!p0 [sflag:s14], $0x3000  }
0x1f5: {  	s16 =	simm.s32 $0x0;
	s23 =	simm.s32 $0x0;
	[sflag:s14] =	ssyncset.done @!p0 $0x0  }
0x1f6: {  	s24 =	simm.s32 $0x0;
	[sflag:s14] =	ssyncadd.s32 @!p0 $0xFFFFD000;
	s14 =	sshll.u32 s9, $0x5  }
.LBB2_35:
0x1f7: {  	s17 =	sadd.s32 s14, s24  }
0x1f8: {  	v3 =	vmov s17;
	_ =	sdelay $0x4  }
0x1f9: {  	v3 =	vld.idx.msk [tilespmem:v3+s18+$0x0], $0xffff;
	_ =	sdelay $0x4  }
0x1fa: {  	(v2sf) =	vpush v3, $0x0;
	_ =	sdelay $0xe  }
0x1fb: {  	s30 =	sshrl.u32 s24, $0x3;
	s25 =	spop (v2sf)  }
0x1fc: {  	s28 =	sand.u32 $0x7, s23;
	s17 =	smul.u32 $0x6000, s30;
	s26 =	sadd.s32 s16, s25  }
0x1fd: {  	s28 =	sshll.u32 s28, $0x9;
	s25 =	sadd.s32 s25, s15;
	s26 =	sshrl.u32 s26, $0x3  }
0x1fe: {  	s17 =	sor.u32 s28, s17;
	s25 =	sand.u32 $0x7, s25;
	s26 =	smul.u32 $0x6000, s26  }
0x1ff: {  	s17 =	sshra.s32 s17, $0x2;
	s25 =	sshll.u32 s25, $0x9  }
0x200: {  	s30 =	sadd.s32 $0x7040, s17;
	s25 =	sor.u32 s25, s26  }
0x201: {  	v5 =	vld [tilespmem:s30+$0xFFFFFFD0];
	s25 =	sshra.s32 s25, $0x2  }
0x202: {  	v3 =	vld [tilespmem:s30+$0xFFFFFFC0];
	s26 =	sadd.s32 $0x1040, s25  }
0x203: {  	v4 =	vld [tilespmem:s26+$0xFFFFFFC0]  }
0x204: {  	v7 =	vld [tilespmem:s30+$0xFFFFFFE0]  }
0x205: {  	v6 =	vld [tilespmem:s26+$0xFFFFFFD0]  }
0x206: {  	v8 =	vld [tilespmem:s26+$0xFFFFFFE0]  }
0x207: {  	v9 =	vld [tilespmem:s30+$0xFFFFFFF0]  }
0x208: {  	v10 =	vld [tilespmem:s26+$0xFFFFFFF0];
	v4 =	vadd.f32 v4, v3  }
0x209: {  	v11 =	vld [tilespmem:s30+$0x0]  }
0x20a: {  	v12 =	vld [tilespmem:s26+$0x0];
	v5 =	vadd.f32 v6, v5;
	v6 =	vmul.f32 v4, v4  }
0x20b: {  	v13 =	vimm.f32 $0.0e+00;
	v14 =	vadd.f32 v8, v7;
	v3 =	vld [tilespmem:s30+$0x10]  }
0x20c: {  	s25 =	sadd.s32 $0xD040, s17;
	v7 =	vld [tilespmem:s26+$0x10];
	v15 =	vadd.f32 v4, v13;
	v6 =	vadd.f32 v6, v13;
	v13 =	vmul.f32 v5, v5  }
0x20d: {  	v8 =	vadd.f32 v10, v9;
	v9 =	vld [tilespmem:s26+$0x20];
	[tilespmem:s25+$0xFFFFFFC0] =	vst v4  }
0x20e: {  	v4 =	vld [tilespmem:s30+$0x20];
	[tilespmem:s25+$0xFFFFFFD0] =	vst v5;
	v10 =	vadd.f32 v5, v15;
	v15 =	vmul.f32 v14, v14;
	v13 =	vadd.f32 v13, v6  }
0x20f: {  	[tilespmem:s25+$0xFFFFFFE0] =	vst v14;
	v5 =	vld [tilespmem:s30+$0x30];
	v6 =	vadd.f32 v12, v11  }
0x210: {  	s29 =	simm.s32 $0x0;
	s28 =	sshll.u32 s24, $0x7;
	s17 =	sadd.s32 $0x400, s30;
	[tilespmem:s25+$0xFFFFFFF0] =	vst v8;
	v12 =	vadd.f32 v14, v10;
	v10 =	vld [tilespmem:s26+$0x30];
	v11 =	vadd.f32 v15, v13;
	v13 =	vmul.f32 v8, v8  }
.LBB2_36:
0x211: {  	v14 =	vld [tilespmem:s17+$0xFFFFFFC0];
	[tilespmem:s25+$0x0] =	vst v6;
	v3 =	vadd.f32 v7, v3;
	s26 =	sadd.s32 $0x400, s26  }
0x212: {  	v7 =	vld [tilespmem:s26+$0xFFFFFFC0];
	v8 =	vadd.f32 v8, v12;
	v11 =	vadd.f32 v13, v11;
	v12 =	vmul.f32 v6, v6  }
0x213: {  	s29 =	sadd.s32 $0x8, s29;
	v13 =	vld [tilespmem:s17+$0xFFFFFFD0];
	[tilespmem:s25+$0x10] =	vst v3;
	v4 =	vadd.f32 v9, v4  }
0x214: {  	p1 =	slt.u32 s29, $0x28;
	v9 =	vld [tilespmem:s26+$0xFFFFFFD0];
	v6 =	vadd.f32 v6, v8;
	v8 =	vadd.f32 v12, v11;
	v11 =	vmul.f32 v3, v3  }
0x215: {  	v12 =	vld [tilespmem:s17+$0xFFFFFFE0];
	[tilespmem:s25+$0x20] =	vst v4;
	v5 =	vadd.f32 v10, v5  }
0x216: {  	v10 =	vld [tilespmem:s26+$0xFFFFFFE0];
	v3 =	vadd.f32 v3, v6;
	v6 =	vadd.f32 v11, v8;
	v8 =	vmul.f32 v4, v4  }
0x217: {  	v7 =	vadd.f32 v7, v14;
	v11 =	vld [tilespmem:s17+$0xFFFFFFF0];
	[tilespmem:s25+$0x30] =	vst v5  }
0x218: {  	s25 =	sadd.s32 $0x400, s25;
	v14 =	vld [tilespmem:s26+$0xFFFFFFF0];
	v3 =	vadd.f32 v4, v3;
	v4 =	vadd.f32 v8, v6;
	v6 =	vmul.f32 v5, v5  }
0x219: {  	[tilespmem:s25+$0xFFFFFFC0] =	vst v7;
	v9 =	vadd.f32 v9, v13;
	v13 =	vld [tilespmem:s17+$0x0]  }
0x21a: {  	v8 =	vmul.f32 v7, v7;
	v15 =	vld [tilespmem:s26+$0x0];
	v5 =	vadd.f32 v5, v3;
	v4 =	vadd.f32 v6, v4  }
0x21b: {  	[tilespmem:s25+$0xFFFFFFD0] =	vst v9;
	v10 =	vadd.f32 v10, v12;
	v3 =	vld [tilespmem:s17+$0x10]  }
.Ltmp16:
0x21c: {  	v12 =	vmul.f32 v9, v9;
	v5 =	vadd.f32 v7, v5;
	v6 =	vadd.f32 v8, v4;
	v7 =	vld [tilespmem:s26+$0x10];
	(pc) =	sbr.rel @p1 .LBB2_36-.Ltmp16, $4  }
0x21d: {  	[tilespmem:s25+$0xFFFFFFE0] =	vst v10;
	v8 =	vadd.f32 v14, v11;
	v4 =	vld [tilespmem:s17+$0x20]  }
0x21e: {  	v16 =	vmul.f32 v10, v10;
	v11 =	vadd.f32 v9, v5;
	v14 =	vadd.f32 v12, v6;
	v9 =	vld [tilespmem:s26+$0x20]  }
0x21f: {  	[tilespmem:s25+$0xFFFFFFF0] =	vst v8;
	v6 =	vadd.f32 v15, v13;
	v5 =	vld [tilespmem:s17+$0x30]  }
0x220: {  	v13 =	vmul.f32 v8, v8;
	s17 =	sadd.s32 $0x400, s17;
	v12 =	vadd.f32 v10, v11;
	v11 =	vadd.f32 v16, v14;
	v10 =	vld [tilespmem:s26+$0x30]  }
0x221: {  	_ = 	snop  }
0x222: {  	v8 =	vadd.f32 v8, v12  }
0x223: {  	v3 =	vadd.f32 v7, v3;
	v58 =	vmul.f32 v6, v6;
	v57 =	vadd.f32 v13, v11  }
0x224: {  	v8 =	vadd.f32 v6, v8  }
0x225: {  	v4 =	vadd.f32 v9, v4;
	v59 =	vmul.f32 v3, v3;
	v7 =	vadd.f32 v58, v57  }
0x226: {  	v8 =	vadd.f32 v3, v8  }
0x227: {  	s24 =	sadd.s32 $0x1, s24;
	v5 =	vadd.f32 v10, v5;
	v60 =	vmul.f32 v4, v4;
	v7 =	vadd.f32 v59, v7  }
0x228: {  	[tilespmem:s25+$0x0] =	vst v6;
	p1 =	sne.s32 s24, $0x10;
	v61 =	vadd.f32 v4, v8  }
.Ltmp17:
0x229: {  	[tilespmem:s25+$0x10] =	vst v3;
	v62 =	vmul.f32 v5, v5;
	v3 =	vadd.f32 v60, v7;
	(pc) =	sbr.rel @p1 .LBB2_35-.Ltmp17, $4  }
0x22a: {  	[tilespmem:s25+$0x20] =	vst v4;
	v63 =	vadd.f32 v5, v61  }
0x22b: {  	[tilespmem:s25+$0x30] =	vst v5;
	v3 =	vadd.f32 v62, v3  }
0x22c: {  	[tilespmem:s28+$0x16C00] =	vst v63  }
0x22d: {  	s23 =	sadd.s32 $0x1, s23;
	s16 =	sadd.s32 $0x2, s16;
	s15 =	sadd.s32 $0x2, s15;
	[tilespmem:s28+$0x17400] =	vst v3  }
0x22e: {  	s15 =	sshll.u32 s9, $0xA  }
0x22f: {  	p1 =	sne.s32 s9, $0x3F;
	s15 =	sor.u32 s8, s15  }
.Ltmp18:
0x230: {  	s15 =	sshrl.u32 s15, $0x3;
	(pc) =	sbr.rel @p1 .LBB2_40-.Ltmp18, $3  }
0x231: {  	s15 =	smul.u32 $0x300, s15;
	_ =	sdelay $0x1  }
0x232: {  	s15 =	sadd.s32 s6, s15  }
0x233: {  	[hbm4b:s15+s7] =	stream.linear.scatter [tilespmem:s19], [sflag:$0x3], $0x3000, $0x38;
	[tilespmem:$0x17C00] =	vst v63  }
.Ltmp19:
0x234: {  	(pc) =	sbr.rel .LBB2_41-.Ltmp19, $4  }
0x235: {  	_ = 	snop  }
0x236: {  	_ =	swait.ge [sflag:s20], $0x3000  }
0x237: {  	[sflag:s20] =	ssyncset.done $0x0  }
0x238: {  	[sflag:s20] =	ssyncadd.s32 $0xFFFFD000  }
.LBB2_40:
0x239: {  	s14 =	sand.u32 $0x3FFFFFE0, s14  }
0x23a: {  	v3 =	vld [tilespmem:s14+$0x20];
	_ =	sdelay $0x4  }
0x23b: {  	v4 =	vshrl.u32 v3, $0x3  }
0x23c: {  	v4 =	vmul.u32 $0x30, v4  }
0x23d: {  	v3 =	vand.u32 $0x7, v3  }
0x23e: {  	v3 =	vor.u32 v3, v4  }
0x23f: {  	v4 =	vperm.xlane v3, v0;
	_ =	sdelay $0x1  }
0x240: {  	v4 =	vadd.s32 v1, v4;
	_ =	sdelay $0x3  }
0x241: {  	s24 =	simm.s32 $0x7000;
	v3 =	vperm.xlane v3, v2  }
0x242: {  	[tilespmem:s24], [sflag:$0x1] =	stream.indirect_vreg.gather [hbm4b:s0+s7], $0x80, v4, vm0, $0xb8;
	[tilespmem:$0x17C00] =	vst v63  }
0x243: {  	s25 =	simm.s32 $0x7800;
	v3 =	vadd.s32 v1, v3  }
0x244: {  	[tilespmem:s25], [sflag:$0x1] =	stream.indirect_vreg.gather [hbm4b:s12+s7], $0x80, v4, vm0, $0xb8;
	[tilespmem:$0x17C00] =	vst v63  }
0x245: {  	s26 =	simm.s32 $0x8000  }
0x246: {  	[tilespmem:s26], [sflag:$0x1] =	stream.indirect_vreg.gather [hbm4b:s13+s7], $0x80, v4, vm0, $0xb8;
	[tilespmem:$0x17C00] =	vst v63  }
0x247: {  	s28 =	simm.s32 $0x8800  }
0x248: {  	[tilespmem:s28], [sflag:$0x1] =	stream.indirect_vreg.gather [hbm4b:s0+s7], $0x80, v3, vm0, $0xb8;
	[tilespmem:$0x17C00] =	vst v63  }
0x249: {  	s29 =	simm.s32 $0x9000  }
0x24a: {  	[tilespmem:s29], [sflag:$0x1] =	stream.indirect_vreg.gather [hbm4b:s12+s7], $0x80, v3, vm0, $0xb8;
	[tilespmem:$0x17C00] =	vst v63  }
.Ltmp20:
0x24b: {  	s30 =	simm.s32 $0x9800;
	(pc) =	sbr.rel @p0 .LBB2_42-.Ltmp20, $4  }
0x24c: {  	[tilespmem:s30], [sflag:$0x1] =	stream.indirect_vreg.gather [hbm4b:s13+s7], $0x80, v3, vm0, $0xb8;
	[tilespmem:$0x17C00] =	vst v63  }
0x24d: {  	_ =	swait.ge [sflag:s20], $0x3000  }
0x24e: {  	[sflag:s20] =	ssyncset.done $0x0  }
0x24f: {  	[sflag:s20] =	ssyncadd.s32 $0xFFFFD000  }
.LBB2_41:
0x250: {  	_ =	swait.ge [sflag:s21], $0x3000  }
0x251: {  	[sflag:s21] =	ssyncset.done $0x0  }
0x252: {  	[sflag:s21] =	ssyncadd.s32 $0xFFFFD000  }
.LBB2_42:
0x253: {  	s14 =	simm.s32 $0x0  }
0x254: {  	s15 =	simm.s32 $0x0;
	s16 =	simm.s32 $0x0;
	s23 =	simm.s32 $0x0  }
.LBB2_43:
0x255: {  	s17 =	sadd.s32 s11, s23  }
0x256: {  	v3 =	vmov s17;
	_ =	sdelay $0x4  }
0x257: {  	v3 =	vld.idx.msk [tilespmem:v3+s18+$0x0], $0xffff;
	_ =	sdelay $0x4  }
0x258: {  	(v2sf) =	vpush v3, $0x0;
	_ =	sdelay $0xe  }
0x259: {  	s30 =	sshrl.u32 s23, $0x3;
	s24 =	spop (v2sf)  }
0x25a: {  	s26 =	sand.u32 $0x7, s16;
	s17 =	smul.u32 $0x6000, s30;
	s25 =	sadd.s32 s15, s24  }
0x25b: {  	s26 =	sshll.u32 s26, $0x9;
	s24 =	sadd.s32 s24, s14;
	s25 =	sshrl.u32 s25, $0x3  }
0x25c: {  	s17 =	sor.u32 s26, s17;
	s24 =	sand.u32 $0x7, s24;
	s25 =	smul.u32 $0x6000, s25  }
0x25d: {  	s17 =	sshra.s32 s17, $0x2;
	s24 =	sshll.u32 s24, $0x9  }
0x25e: {  	s29 =	sadd.s32 $0xA040, s17;
	s24 =	sor.u32 s24, s25  }
0x25f: {  	v5 =	vld [tilespmem:s29+$0xFFFFFFD0];
	s24 =	sshra.s32 s24, $0x2  }
0x260: {  	v3 =	vld [tilespmem:s29+$0xFFFFFFC0];
	s25 =	sadd.s32 $0x1040, s24  }
0x261: {  	v4 =	vld [tilespmem:s25+$0xFFFFFFC0]  }
0x262: {  	v7 =	vld [tilespmem:s29+$0xFFFFFFE0]  }
0x263: {  	v6 =	vld [tilespmem:s25+$0xFFFFFFD0]  }
0x264: {  	v8 =	vld [tilespmem:s25+$0xFFFFFFE0]  }
0x265: {  	v9 =	vld [tilespmem:s29+$0xFFFFFFF0]  }
0x266: {  	v10 =	vld [tilespmem:s25+$0xFFFFFFF0];
	v4 =	vadd.f32 v4, v3  }
0x267: {  	v11 =	vld [tilespmem:s29+$0x0]  }
0x268: {  	v12 =	vld [tilespmem:s25+$0x0];
	v5 =	vadd.f32 v6, v5;
	v6 =	vmul.f32 v4, v4  }
0x269: {  	v13 =	vimm.f32 $0.0e+00;
	v14 =	vadd.f32 v8, v7;
	v3 =	vld [tilespmem:s29+$0x10]  }
0x26a: {  	s24 =	sadd.s32 $0x10040, s17;
	v7 =	vld [tilespmem:s25+$0x10];
	v15 =	vadd.f32 v4, v13;
	v6 =	vadd.f32 v6, v13;
	v13 =	vmul.f32 v5, v5  }
0x26b: {  	v8 =	vadd.f32 v10, v9;
	v9 =	vld [tilespmem:s25+$0x20];
	[tilespmem:s24+$0xFFFFFFC0] =	vst v4  }
0x26c: {  	v4 =	vld [tilespmem:s29+$0x20];
	[tilespmem:s24+$0xFFFFFFD0] =	vst v5;
	v10 =	vadd.f32 v5, v15;
	v15 =	vmul.f32 v14, v14;
	v13 =	vadd.f32 v13, v6  }
0x26d: {  	[tilespmem:s24+$0xFFFFFFE0] =	vst v14;
	v5 =	vld [tilespmem:s29+$0x30];
	v6 =	vadd.f32 v12, v11  }
0x26e: {  	s28 =	simm.s32 $0x0;
	s26 =	sshll.u32 s23, $0x7;
	s17 =	sadd.s32 $0x400, s29;
	[tilespmem:s24+$0xFFFFFFF0] =	vst v8;
	v12 =	vadd.f32 v14, v10;
	v10 =	vld [tilespmem:s25+$0x30];
	v11 =	vadd.f32 v15, v13;
	v13 =	vmul.f32 v8, v8  }
.LBB2_44:
0x26f: {  	v14 =	vld [tilespmem:s17+$0xFFFFFFC0];
	[tilespmem:s24+$0x0] =	vst v6;
	v3 =	vadd.f32 v7, v3;
	s25 =	sadd.s32 $0x400, s25  }
0x270: {  	v7 =	vld [tilespmem:s25+$0xFFFFFFC0];
	v8 =	vadd.f32 v8, v12;
	v11 =	vadd.f32 v13, v11;
	v12 =	vmul.f32 v6, v6  }
0x271: {  	s28 =	sadd.s32 $0x8, s28;
	v13 =	vld [tilespmem:s17+$0xFFFFFFD0];
	[tilespmem:s24+$0x10] =	vst v3;
	v4 =	vadd.f32 v9, v4  }
0x272: {  	p0 =	slt.u32 s28, $0x28;
	v9 =	vld [tilespmem:s25+$0xFFFFFFD0];
	v6 =	vadd.f32 v6, v8;
	v8 =	vadd.f32 v12, v11;
	v11 =	vmul.f32 v3, v3  }
0x273: {  	v12 =	vld [tilespmem:s17+$0xFFFFFFE0];
	[tilespmem:s24+$0x20] =	vst v4;
	v5 =	vadd.f32 v10, v5  }
0x274: {  	v10 =	vld [tilespmem:s25+$0xFFFFFFE0];
	v3 =	vadd.f32 v3, v6;
	v6 =	vadd.f32 v11, v8;
	v8 =	vmul.f32 v4, v4  }
0x275: {  	v7 =	vadd.f32 v7, v14;
	v11 =	vld [tilespmem:s17+$0xFFFFFFF0];
	[tilespmem:s24+$0x30] =	vst v5  }
0x276: {  	s24 =	sadd.s32 $0x400, s24;
	v14 =	vld [tilespmem:s25+$0xFFFFFFF0];
	v3 =	vadd.f32 v4, v3;
	v4 =	vadd.f32 v8, v6;
	v6 =	vmul.f32 v5, v5  }
0x277: {  	[tilespmem:s24+$0xFFFFFFC0] =	vst v7;
	v9 =	vadd.f32 v9, v13;
	v13 =	vld [tilespmem:s17+$0x0]  }
0x278: {  	v8 =	vmul.f32 v7, v7;
	v15 =	vld [tilespmem:s25+$0x0];
	v5 =	vadd.f32 v5, v3;
	v4 =	vadd.f32 v6, v4  }
0x279: {  	[tilespmem:s24+$0xFFFFFFD0] =	vst v9;
	v10 =	vadd.f32 v10, v12;
	v3 =	vld [tilespmem:s17+$0x10]  }
.Ltmp21:
0x27a: {  	v12 =	vmul.f32 v9, v9;
	v5 =	vadd.f32 v7, v5;
	v6 =	vadd.f32 v8, v4;
	v7 =	vld [tilespmem:s25+$0x10];
	(pc) =	sbr.rel @p0 .LBB2_44-.Ltmp21, $4  }
0x27b: {  	[tilespmem:s24+$0xFFFFFFE0] =	vst v10;
	v8 =	vadd.f32 v14, v11;
	v4 =	vld [tilespmem:s17+$0x20]  }
0x27c: {  	v16 =	vmul.f32 v10, v10;
	v11 =	vadd.f32 v9, v5;
	v14 =	vadd.f32 v12, v6;
	v9 =	vld [tilespmem:s25+$0x20]  }
0x27d: {  	[tilespmem:s24+$0xFFFFFFF0] =	vst v8;
	v6 =	vadd.f32 v15, v13;
	v5 =	vld [tilespmem:s17+$0x30]  }
0x27e: {  	v13 =	vmul.f32 v8, v8;
	s17 =	sadd.s32 $0x400, s17;
	v12 =	vadd.f32 v10, v11;
	v11 =	vadd.f32 v16, v14;
	v10 =	vld [tilespmem:s25+$0x30]  }
0x27f: {  	_ = 	snop  }
0x280: {  	v8 =	vadd.f32 v8, v12  }
0x281: {  	v3 =	vadd.f32 v7, v3;
	v58 =	vmul.f32 v6, v6;
	v57 =	vadd.f32 v13, v11  }
0x282: {  	v8 =	vadd.f32 v6, v8  }
0x283: {  	v4 =	vadd.f32 v9, v4;
	v59 =	vmul.f32 v3, v3;
	v7 =	vadd.f32 v58, v57  }
0x284: {  	v8 =	vadd.f32 v3, v8  }
0x285: {  	s23 =	sadd.s32 $0x1, s23;
	v5 =	vadd.f32 v10, v5;
	v60 =	vmul.f32 v4, v4;
	v7 =	vadd.f32 v59, v7  }
0x286: {  	[tilespmem:s24+$0x0] =	vst v6;
	p0 =	sne.s32 s23, $0x10;
	v61 =	vadd.f32 v4, v8  }
.Ltmp22:
0x287: {  	[tilespmem:s24+$0x10] =	vst v3;
	v62 =	vmul.f32 v5, v5;
	v3 =	vadd.f32 v60, v7;
	(pc) =	sbr.rel @p0 .LBB2_43-.Ltmp22, $4  }
0x288: {  	[tilespmem:s24+$0x20] =	vst v4;
	v63 =	vadd.f32 v5, v61  }
0x289: {  	[tilespmem:s24+$0x30] =	vst v5;
	v3 =	vadd.f32 v62, v3  }
0x28a: {  	[tilespmem:s26+$0x16C00] =	vst v63  }
0x28b: {  	s16 =	sadd.s32 $0x1, s16;
	s15 =	sadd.s32 $0x2, s15;
	s14 =	sadd.s32 $0x2, s14;
	[tilespmem:s26+$0x17400] =	vst v3  }
0x28c: {  	s10 =	sshll.u32 s10, $0x9;
	s9 =	sadd.s32 $0x1, s9  }
0x28d: {  	s10 =	sor.u32 s8, s10;
	p0 =	sne.s32 s9, $0x40  }
.Ltmp23:
0x28e: {  	s10 =	sshrl.u32 s10, $0x3;
	(pc) =	sbr.rel @p0 .LBB2_34-.Ltmp23, $3  }
0x28f: {  	s10 =	smul.u32 $0x300, s10;
	_ =	sdelay $0x1  }
0x290: {  	s10 =	sadd.s32 s6, s10  }
0x291: {  	[hbm4b:s10+s7] =	stream.linear.scatter [tilespmem:s22], [sflag:$0x4], $0x3000, $0x38;
	[tilespmem:$0x17C00] =	vst v63  }
0x292: {  	s9 =	simm.s32 $0x3  }
0x293: {  	_ =	swait.ge [sflag:s9], $0x3000  }
0x294: {  	[sflag:s9] =	ssyncset.done $0x0  }
0x295: {  	[sflag:s9] =	ssyncadd.s32 $0xFFFFD000  }
0x296: {  	_ =	swait.ge [sflag:s21], $0x3000  }
0x297: {  	s10 =	rddreg [dreg:$0xc]  }
0x298: {  	s30 =	rddreg [dreg:$0xb];
	s10 =	sadd.s32 $0x1, s10  }
0x299: {  	p0 =	sne.s32 s10, s30  }
.Ltmp24:
0x29a: {  	_ = 	snop;
	(pc) =	sbr.rel @p0 .LBB2_1-.Ltmp24, $3  }
0x29b: {  	_ =	sdelay $0x1  }
0x29c: {  	[sflag:s21] =	ssyncset.done $0x0  }
0x29d: {  	[sflag:s21] =	ssyncadd.s32 $0xFFFFD000  }
0x29e: {  	_ =	sfence.sel $0x180000  }
0x29f: {  	[bflag:$0x0] =	sbarrier.arrive $0xFFFF  }
0x2a0: {  	_ =	strace $0x90000047  }
0x2a1: {  	s0 =	stileid.u32;
	[bflag:$0x2] =	sbarrier.arrive $0xFFFF  }
0x2a2: {  	p0 =	sne.s32 s0, $0x0;
	s0 =	rddreg [dreg:$0x7]  }
0x2a3: {  	s0 =	sadd.s32 @!p0 $0x100000, s0  }
0x2a4: {  	[sflag:s0] =	ssyncadd.tile.s32 @!p0 $0x1;
	_ =	shalt  }
.Lfunc_end2:
_tile_overlayer_lowered:
.L_overlay_start_2:
0x2a5: {  	(tag) =	ssettag $0x2  }
0x2a6: {  	s0 =	rddreg [dreg:$0x0];
	s2 =	stileid.u32  }
0x2a7: {  	s1 =	rddreg [dreg:$0x1];
	p0 =	sne.s32 s2, $0x0  }
0x2a8: {  	s3 =	rddreg [dreg:$0x2];
	[bflag:$0x3] =	sbarrier.arrive $0xFFFF;
	s2 =	simm.s32 @!p0 $0x1C05  }
0x2a9: {  	[timem:s3], [sflag:s2] =	dma.local @!p0 [hbm:s0], s1  }
0x2aa: {  	s0 =	simm.s32 @!p0 $0x5  }
0x2ab: {  	_ =	swait.ge @!p0 [sflag:s0], s1  }
0x2ac: {  	s1 =	ssub.s32 @!p0 $0x0, s1;
	[sflag:s0] =	ssyncset.done @!p0 $0x0  }
0x2ad: {  	[sflag:s0] =	ssyncadd.s32 @!p0 s1  }
0x2ae: {  	[bflag:$0x3] =	sbarrier.arrive $0xFFFF  }
0x2af: {  	_ =	shalt  }

</sc_bundles>
